<compile_context>
chip_gen: v7x
topology: tpu7x:2x2x1
jax: 0.10.2.dev20260603
libtpu: 0.0.44.dev20260713+nightly
codegen_flags: <defaults>
</compile_context>

<pallas_src>
import functools

import jax
import jax.numpy as jnp
from jax import lax
from jax.experimental import pallas as pl
from jax.experimental.pallas import tpu as pltpu
from jax.experimental.pallas import tpu_sc as plsc


@functools.lru_cache(maxsize=None)
def _make_gather(V, D, B):
  info = plsc.get_sparse_core_info()
  NC, NS, L = info.num_cores, info.num_subcores, info.num_lanes
  NW = NC * NS
  assert B % (2 * NW) == 0 and D % L == 0 and V % 2 == 0
  b_per_w = B // NW
  t_per_w = b_per_w // 2
  DW = D
  CH = min(128, b_per_w)
  n_ch = b_per_w // CH
  n_lc = DW // L
  mesh = plsc.VectorSubcoreMesh(core_axis_name="c", subcore_axis_name="s")

  @functools.partial(
      pl.kernel,
      out_type=jax.ShapeDtypeStruct((B, D), jnp.bfloat16),
      mesh=mesh,
      scratch_types=[
          pltpu.VMEM((b_per_w + L,), jnp.int32),
          pltpu.VMEM((b_per_w,), jnp.int32),
          pltpu.VMEM((b_per_w, DW), jnp.int32),
          pltpu.VMEM((t_per_w, DW), jnp.int32),
          pltpu.SemaphoreType.DMA((3,)),
          pltpu.SemaphoreType.DMA,
      ],
      compiler_params=pltpu.CompilerParams(needs_layout_passes=False),
  )
  def gather(table_hbm, idx_hbm, out_hbm, idx_v, widx_v, g_v, out_v, gsem,
             osem):
    wid = lax.axis_index("s") * NC + lax.axis_index("c")
    base = wid * b_per_w
    table_w = table_hbm.bitcast(jnp.int32)
    out_w = out_hbm.bitcast(jnp.int32)

    pltpu.sync_copy(idx_hbm.at[pl.ds(base, b_per_w)],
                    idx_v.at[pl.ds(0, b_per_w)])

    def fire(c):
      for i in range(CH // L):
        widx_v[pl.ds(c * CH + i * L, L)] = lax.shift_right_logical(
            idx_v[pl.ds(c * CH + i * L, L)], 1
        )
      return pltpu.async_copy(
          table_w.at[widx_v.at[pl.ds(c * CH, CH)]],
          g_v.at[pl.ds(c * CH, CH)],
          gsem.at[c % 3],
      )

    gcopies = [fire(0), fire(1), fire(2)]

    t_ch = CH // 2
    ocopies = []
    for c in range(n_ch):
      gcopies[c].wait()
      if c + 3 < n_ch:
        gcopies.append(fire(c + 3))

      @plsc.parallel_loop(c * t_ch, (c + 1) * t_ch, 1, unroll=2)
      def fixup(t):
        rv = idx_v[pl.ds(2 * t, L)]
        sa = lax.shift_left(lax.bitwise_and(rv[0], 1), 4)
        sb = lax.shift_left(lax.bitwise_and(rv[1], 1), 4)
        for lc in range(n_lc):
          wa = g_v[2 * t, pl.ds(lc * L, L)]
          wb = g_v[2 * t + 1, pl.ds(lc * L, L)]
          pa = lax.shift_right_logical(wa, sa)
          pb = lax.shift_right_logical(wb, sb)
          w = plsc.bitcast(
              plsc.pack(pa, pb, format=plsc.PackFormat.INTERLEAVED),
              jnp.int32,
          )
          out_v[t, pl.ds(lc * L, L)] = w

      ocopies.append(
          pltpu.async_copy(
              out_v.at[pl.ds(c * t_ch, t_ch)],
              out_w.at[pl.ds(wid * t_per_w + c * t_ch, t_ch)],
              osem,
          )
      )
    for oc in ocopies:
      oc.wait()

  return gather


def kernel(input_, indices, n_tpc):
  V, D = input_.shape
  (B,) = indices.shape
  return _make_gather(V, D, B)(input_, indices)

# --- scband reference (transcript-rebuilt; emitter-appended) ---
"""Pipeline reference for scband-custom-gather-8040178778598 (READ-ONLY COPY).

The authoritative reference and input builder live on the scoring server;
editing this copy changes nothing except your own understanding.
"""

import jax, jax.numpy as jnp
import numpy as np


def setup_inputs(seed: int = 0) -> dict:
    key = jax.random.key(seed)
    k1, k2 = jax.random.split(key)
    input_ = jax.random.normal(k1, (100000, 128), dtype=jnp.float32).astype(jnp.bfloat16)
    indices = jax.random.randint(k2, (16384,), 0, 100000, dtype=jnp.int32)
    n_tpc = 8
    return {"input_": input_, "indices": indices, "n_tpc": n_tpc}


def reference(input_, indices, n_tpc):
    # CustomGather: gathers rows of input_ at positions given by 1-D indices.
    # n_tpc is a hardware parallelism hint only; it does not change the math.
    assert indices.ndim == 1
    ok = indices.shape[0] >= n_tpc
    out = jnp.take(input_, indices, axis=0)
    out = jnp.where(ok, out, out)
    return out

if __name__ == "__main__":
    import jax
    _d = setup_inputs()
    print(jax.jit(kernel)(*tuple(_d.values())))

</pallas_src>

<mosaic_0001>
#map = affine_map<(d0, d1) -> (0, 0)>
#map1 = affine_map<(d0, d1) -> (0)>
module attributes {stable_mosaic.version = 14 : i64} {
  func.func @gather(%arg0: i32, %arg1: i32, %arg2: memref<100000x128xbf16, #tpu.memory_space<hbm>>, %arg3: memref<16384xi32, #tpu.memory_space<hbm>>, %arg4: memref<16384x128xbf16, #tpu.memory_space<hbm>>, %arg5: memref<528xi32, #tpu.memory_space<vmem>>, %arg6: memref<512xi32, #tpu.memory_space<vmem>>, %arg7: memref<512x128xi32, #tpu.memory_space<vmem>>, %arg8: memref<256x128xi32, #tpu.memory_space<vmem>>, %arg9: memref<3x!tpu.dma_semaphore, #tpu.memory_space<semaphore_mem>>, %arg10: memref<!tpu.dma_semaphore, #tpu.memory_space<semaphore_mem>>) attributes {dimension_semantics = [#tpu.dimension_semantics<core_parallel>, #tpu.dimension_semantics<subcore_parallel>], iteration_bounds = array<i64: 2, 16>, scalar_prefetch = 0 : i64, scratch_operands = 6 : i64, tpu.core_type = #tpu.core_type<sc_vector_subcore>, window_params = [{transform_indices = #map}, {transform_indices = #map1}, {transform_indices = #map}]} {
    %mul3A = arith.constant 2 : i32
    %mul3A_0 = arith.muli %arg1, %mul3A : i32
    %add3A = arith.addi %mul3A_0, %arg0 : i32
    %mul3A_1 = arith.constant 512 : i32
    %mul3A_2 = arith.muli %add3A, %mul3A_1 : i32
    "tpu.region"() ({
      %run_scoped3A = tpu.sem_alloc : memref<!tpu.dma_semaphore, #tpu.memory_space<semaphore_mem>>
      %dma_start3A_441 = arith.constant 0 : i32
      %dma_start3A_442 = tpu.memref_slice %arg5[%dma_start3A_441] : memref<528xi32, #tpu.memory_space<vmem>> -> memref<512xi32, #tpu.memory_space<vmem>>
      %dma_start3A_443 = tpu.memref_slice %arg3[%mul3A_2] : memref<16384xi32, #tpu.memory_space<hbm>> -> memref<512xi32, #tpu.memory_space<hbm>>
      %dma_start3A_444 = arith.constant 0 : i32
      %dma_start3A_445 = tpu.memref_slice %arg5[%dma_start3A_444] : memref<528xi32, #tpu.memory_space<vmem>> -> memref<512xi32, #tpu.memory_space<vmem>>
      %dma_start3A_446 = tpu.memref_slice %arg3[%mul3A_2] : memref<16384xi32, #tpu.memory_space<hbm>> -> memref<512xi32, #tpu.memory_space<hbm>>
      tpu.enqueue_dma source(%dma_start3A_446 : memref<512xi32, #tpu.memory_space<hbm>>) target(%dma_start3A_445 : memref<512xi32, #tpu.memory_space<vmem>>) target_semaphore(%run_scoped3A : memref<!tpu.dma_semaphore, #tpu.memory_space<semaphore_mem>>)
      %dma_wait3A_447 = arith.constant 0 : i32
      %dma_wait3A_448 = tpu.memref_slice %arg5[%dma_wait3A_447] : memref<528xi32, #tpu.memory_space<vmem>> -> memref<512xi32, #tpu.memory_space<vmem>>
      %dma_wait3A_449 = tpu.memref_slice %arg3[%mul3A_2] : memref<16384xi32, #tpu.memory_space<hbm>> -> memref<512xi32, #tpu.memory_space<hbm>>
      %dma_wait3A_450 = arith.constant 0 : i32
      %dma_wait3A_451 = tpu.memref_slice %arg5[%dma_wait3A_450] : memref<528xi32, #tpu.memory_space<vmem>> -> memref<512xi32, #tpu.memory_space<vmem>>
      %dma_wait3A_452 = tpu.memref_slice %arg3[%mul3A_2] : memref<16384xi32, #tpu.memory_space<hbm>> -> memref<512xi32, #tpu.memory_space<hbm>>
      tpu.wait_dma2 semaphore(%run_scoped3A : memref<!tpu.dma_semaphore, #tpu.memory_space<semaphore_mem>>) src(%dma_wait3A_452 : memref<512xi32, #tpu.memory_space<hbm>>) dst(%dma_wait3A_451 : memref<512xi32, #tpu.memory_space<vmem>>)
      tpu.yield
    }) : () -> ()
    %get3A = arith.constant 0 : index
    %get3A_3 = tpu.vector_load %arg5[%get3A] {strides = array<i32>} : memref<528xi32, #tpu.memory_space<vmem>>, vector<16xi32>,
    %shift_right_logical3A = arith.constant 1 : i32
    %shift_right_logical3A_4 = vector.broadcast %shift_right_logical3A : i32 to vector<16xi32>
    %shift_right_logical3A_5 = arith.shrui %get3A_3, %shift_right_logical3A_4 : vector<16xi32>
    %swap3A = arith.constant 0 : index
    %swap3A_6 = tpu.vector_load %arg6[%swap3A] {strides = array<i32>} : memref<512xi32, #tpu.memory_space<vmem>>, vector<16xi32>,
    tpu.vector_store %arg6[%swap3A], %shift_right_logical3A_5 {strides = array<i32>} : memref<512xi32, #tpu.memory_space<vmem>>, vector<16xi32>,
    %get3A_7 = arith.constant 16 : index
    %get3A_8 = tpu.vector_load %arg5[%get3A_7] {strides = array<i32>} : memref<528xi32, #tpu.memory_space<vmem>>, vector<16xi32>,
    %shift_right_logical3A_9 = arith.constant 1 : i32
    %shift_right_logical3A_10 = vector.broadcast %shift_right_logical3A_9 : i32 to vector<16xi32>
    %shift_right_logical3A_11 = arith.shrui %get3A_8, %shift_right_logical3A_10 : vector<16xi32>
    %swap3A_12 = arith.constant 16 : index
    %swap3A_13 = tpu.vector_load %arg6[%swap3A_12] {strides = array<i32>} : memref<512xi32, #tpu.memory_space<vmem>>, vector<16xi32>,
    tpu.vector_store %arg6[%swap3A_12], %shift_right_logical3A_11 {strides = array<i32>} : memref<512xi32, #tpu.memory_space<vmem>>, vector<16xi32>,
    %get3A_14 = arith.constant 32 : index
    %get3A_15 = tpu.vector_load %arg5[%get3A_14] {strides = array<i32>} : memref<528xi32, #tpu.memory_space<vmem>>, vector<16xi32>,
    %shift_right_logical3A_16 = arith.constant 1 : i32
    %shift_right_logical3A_17 = vector.broadcast %shift_right_logical3A_16 : i32 to vector<16xi32>
    %shift_right_logical3A_18 = arith.shrui %get3A_15, %shift_right_logical3A_17 : vector<16xi32>
    %swap3A_19 = arith.constant 32 : index
    %swap3A_20 = tpu.vector_load %arg6[%swap3A_19] {strides = array<i32>} : memref<512xi32, #tpu.memory_space<vmem>>, vector<16xi32>,
    tpu.vector_store %arg6[%swap3A_19], %shift_right_logical3A_18 {strides = array<i32>} : memref<512xi32, #tpu.memory_space<vmem>>, vector<16xi32>,
    %get3A_21 = arith.constant 48 : index
    %get3A_22 = tpu.vector_load %arg5[%get3A_21] {strides = array<i32>} : memref<528xi32, #tpu.memory_space<vmem>>, vector<16xi32>,
    %shift_right_logical3A_23 = arith.constant 1 : i32
    %shift_right_logical3A_24 = vector.broadcast %shift_right_logical3A_23 : i32 to vector<16xi32>
    %shift_right_logical3A_25 = arith.shrui %get3A_22, %shift_right_logical3A_24 : vector<16xi32>
    %swap3A_26 = arith.constant 48 : index
    %swap3A_27 = tpu.vector_load %arg6[%swap3A_26] {strides = array<i32>} : memref<512xi32, #tpu.memory_space<vmem>>, vector<16xi32>,
    tpu.vector_store %arg6[%swap3A_26], %shift_right_logical3A_25 {strides = array<i32>} : memref<512xi32, #tpu.memory_space<vmem>>, vector<16xi32>,
    %get3A_28 = arith.constant 64 : index
    %get3A_29 = tpu.vector_load %arg5[%get3A_28] {strides = array<i32>} : memref<528xi32, #tpu.memory_space<vmem>>, vector<16xi32>,
    %shift_right_logical3A_30 = arith.constant 1 : i32
    %shift_right_logical3A_31 = vector.broadcast %shift_right_logical3A_30 : i32 to vector<16xi32>
    %shift_right_logical3A_32 = arith.shrui %get3A_29, %shift_right_logical3A_31 : vector<16xi32>
    %swap3A_33 = arith.constant 64 : index
    %swap3A_34 = tpu.vector_load %arg6[%swap3A_33] {strides = array<i32>} : memref<512xi32, #tpu.memory_space<vmem>>, vector<16xi32>,
    tpu.vector_store %arg6[%swap3A_33], %shift_right_logical3A_32 {strides = array<i32>} : memref<512xi32, #tpu.memory_space<vmem>>, vector<16xi32>,
    %get3A_35 = arith.constant 80 : index
    %get3A_36 = tpu.vector_load %arg5[%get3A_35] {strides = array<i32>} : memref<528xi32, #tpu.memory_space<vmem>>, vector<16xi32>,
    %shift_right_logical3A_37 = arith.constant 1 : i32
    %shift_right_logical3A_38 = vector.broadcast %shift_right_logical3A_37 : i32 to vector<16xi32>
    %shift_right_logical3A_39 = arith.shrui %get3A_36, %shift_right_logical3A_38 : vector<16xi32>
    %swap3A_40 = arith.constant 80 : index
    %swap3A_41 = tpu.vector_load %arg6[%swap3A_40] {strides = array<i32>} : memref<512xi32, #tpu.memory_space<vmem>>, vector<16xi32>,
    tpu.vector_store %arg6[%swap3A_40], %shift_right_logical3A_39 {strides = array<i32>} : memref<512xi32, #tpu.memory_space<vmem>>, vector<16xi32>,
    %get3A_42 = arith.constant 96 : index
    %get3A_43 = tpu.vector_load %arg5[%get3A_42] {strides = array<i32>} : memref<528xi32, #tpu.memory_space<vmem>>, vector<16xi32>,
    %shift_right_logical3A_44 = arith.constant 1 : i32
    %shift_right_logical3A_45 = vector.broadcast %shift_right_logical3A_44 : i32 to vector<16xi32>
    %shift_right_logical3A_46 = arith.shrui %get3A_43, %shift_right_logical3A_45 : vector<16xi32>
    %swap3A_47 = arith.constant 96 : index
    %swap3A_48 = tpu.vector_load %arg6[%swap3A_47] {strides = array<i32>} : memref<512xi32, #tpu.memory_space<vmem>>, vector<16xi32>,
    tpu.vector_store %arg6[%swap3A_47], %shift_right_logical3A_46 {strides = array<i32>} : memref<512xi32, #tpu.memory_space<vmem>>, vector<16xi32>,
    %get3A_49 = arith.constant 112 : index
    %get3A_50 = tpu.vector_load %arg5[%get3A_49] {strides = array<i32>} : memref<528xi32, #tpu.memory_space<vmem>>, vector<16xi32>,
    %shift_right_logical3A_51 = arith.constant 1 : i32
    %shift_right_logical3A_52 = vector.broadcast %shift_right_logical3A_51 : i32 to vector<16xi32>
    %shift_right_logical3A_53 = arith.shrui %get3A_50, %shift_right_logical3A_52 : vector<16xi32>
    %swap3A_54 = arith.constant 112 : index
    %swap3A_55 = tpu.vector_load %arg6[%swap3A_54] {strides = array<i32>} : memref<512xi32, #tpu.memory_space<vmem>>, vector<16xi32>,
    tpu.vector_store %arg6[%swap3A_54], %shift_right_logical3A_53 {strides = array<i32>} : memref<512xi32, #tpu.memory_space<vmem>>, vector<16xi32>,
    %dma_start3A = arith.constant 0 : i32
    %dma_start3A_56 = arith.constant 0 : i32
    %dma_start3A_57 = arith.constant 0 : i32
    %dma_start3A_58 = tpu.memref_slice %arg7[%dma_start3A_56, %dma_start3A_57] : memref<512x128xi32, #tpu.memory_space<vmem>> -> memref<128x128xi32, #tpu.memory_space<vmem>>
    %dma_start3A_59 = arith.constant 0 : i32
    %dma_start3A_60 = tpu.memref_slice %arg6[%dma_start3A_59] : memref<512xi32, #tpu.memory_space<vmem>> -> memref<128xi32, #tpu.memory_space<vmem>>
    %dma_start3A_61 = tpu.memref_bitcast %arg2 : memref<100000x128xbf16, #tpu.memory_space<hbm>> -> memref<50000x128xi32, #tpu.memory_space<hbm>>
    %dma_start3A_62 = arith.constant 0 : i32
    %dma_start3A_63 = arith.constant 0 : i32
    %dma_start3A_64 = tpu.memref_slice %dma_start3A_61[%dma_start3A_62, %dma_start3A_63] : memref<50000x128xi32, #tpu.memory_space<hbm>> -> memref<50000x128xi32, #tpu.memory_space<hbm>>
    %dma_start3A_65 = tpu.memref_slice %arg9[%dma_start3A] : memref<3x!tpu.dma_semaphore, #tpu.memory_space<semaphore_mem>> -> memref<1x!tpu.dma_semaphore, #tpu.memory_space<semaphore_mem>>
    %dma_start3A_66 = tpu.memref_squeeze %dma_start3A_65 : memref<1x!tpu.dma_semaphore, #tpu.memory_space<semaphore_mem>> -> memref<!tpu.dma_semaphore, #tpu.memory_space<semaphore_mem>>
    tpu.enqueue_indirect_dma source(%dma_start3A_64 : memref<50000x128xi32, #tpu.memory_space<hbm>>) target(%dma_start3A_58 : memref<128x128xi32, #tpu.memory_space<vmem>>) offsets(%dma_start3A_60 : memref<128xi32, #tpu.memory_space<vmem>>) semaphore(%dma_start3A_66 : memref<!tpu.dma_semaphore, #tpu.memory_space<semaphore_mem>>)
    %get3A_67 = arith.constant 128 : index
    %get3A_68 = tpu.vector_load %arg5[%get3A_67] {strides = array<i32>} : memref<528xi32, #tpu.memory_space<vmem>>, vector<16xi32>,
    %shift_right_logical3A_69 = arith.constant 1 : i32
    %shift_right_logical3A_70 = vector.broadcast %shift_right_logical3A_69 : i32 to vector<16xi32>
    %shift_right_logical3A_71 = arith.shrui %get3A_68, %shift_right_logical3A_70 : vector<16xi32>
    %swap3A_72 = arith.constant 128 : index
    %swap3A_73 = tpu.vector_load %arg6[%swap3A_72] {strides = array<i32>} : memref<512xi32, #tpu.memory_space<vmem>>, vector<16xi32>,
    tpu.vector_store %arg6[%swap3A_72], %shift_right_logical3A_71 {strides = array<i32>} : memref<512xi32, #tpu.memory_space<vmem>>, vector<16xi32>,
    %get3A_74 = arith.constant 144 : index
    %get3A_75 = tpu.vector_load %arg5[%get3A_74] {strides = array<i32>} : memref<528xi32, #tpu.memory_space<vmem>>, vector<16xi32>,
    %shift_right_logical3A_76 = arith.constant 1 : i32
    %shift_right_logical3A_77 = vector.broadcast %shift_right_logical3A_76 : i32 to vector<16xi32>
    %shift_right_logical3A_78 = arith.shrui %get3A_75, %shift_right_logical3A_77 : vector<16xi32>
    %swap3A_79 = arith.constant 144 : index
    %swap3A_80 = tpu.vector_load %arg6[%swap3A_79] {strides = array<i32>} : memref<512xi32, #tpu.memory_space<vmem>>, vector<16xi32>,
    tpu.vector_store %arg6[%swap3A_79], %shift_right_logical3A_78 {strides = array<i32>} : memref<512xi32, #tpu.memory_space<vmem>>, vector<16xi32>,
    %get3A_81 = arith.constant 160 : index
    %get3A_82 = tpu.vector_load %arg5[%get3A_81] {strides = array<i32>} : memref<528xi32, #tpu.memory_space<vmem>>, vector<16xi32>,
    %shift_right_logical3A_83 = arith.constant 1 : i32
    %shift_right_logical3A_84 = vector.broadcast %shift_right_logical3A_83 : i32 to vector<16xi32>
    %shift_right_logical3A_85 = arith.shrui %get3A_82, %shift_right_logical3A_84 : vector<16xi32>
    %swap3A_86 = arith.constant 160 : index
    %swap3A_87 = tpu.vector_load %arg6[%swap3A_86] {strides = array<i32>} : memref<512xi32, #tpu.memory_space<vmem>>, vector<16xi32>,
    tpu.vector_store %arg6[%swap3A_86], %shift_right_logical3A_85 {strides = array<i32>} : memref<512xi32, #tpu.memory_space<vmem>>, vector<16xi32>,
    %get3A_88 = arith.constant 176 : index
    %get3A_89 = tpu.vector_load %arg5[%get3A_88] {strides = array<i32>} : memref<528xi32, #tpu.memory_space<vmem>>, vector<16xi32>,
    %shift_right_logical3A_90 = arith.constant 1 : i32
    %shift_right_logical3A_91 = vector.broadcast %shift_right_logical3A_90 : i32 to vector<16xi32>
    %shift_right_logical3A_92 = arith.shrui %get3A_89, %shift_right_logical3A_91 : vector<16xi32>
    %swap3A_93 = arith.constant 176 : index
    %swap3A_94 = tpu.vector_load %arg6[%swap3A_93] {strides = array<i32>} : memref<512xi32, #tpu.memory_space<vmem>>, vector<16xi32>,
    tpu.vector_store %arg6[%swap3A_93], %shift_right_logical3A_92 {strides = array<i32>} : memref<512xi32, #tpu.memory_space<vmem>>, vector<16xi32>,
    %get3A_95 = arith.constant 192 : index
    %get3A_96 = tpu.vector_load %arg5[%get3A_95] {strides = array<i32>} : memref<528xi32, #tpu.memory_space<vmem>>, vector<16xi32>,
    %shift_right_logical3A_97 = arith.constant 1 : i32
    %shift_right_logical3A_98 = vector.broadcast %shift_right_logical3A_97 : i32 to vector<16xi32>
    %shift_right_logical3A_99 = arith.shrui %get3A_96, %shift_right_logical3A_98 : vector<16xi32>
    %swap3A_100 = arith.constant 192 : index
    %swap3A_101 = tpu.vector_load %arg6[%swap3A_100] {strides = array<i32>} : memref<512xi32, #tpu.memory_space<vmem>>, vector<16xi32>,
    tpu.vector_store %arg6[%swap3A_100], %shift_right_logical3A_99 {strides = array<i32>} : memref<512xi32, #tpu.memory_space<vmem>>, vector<16xi32>,
    %get3A_102 = arith.constant 208 : index
    %get3A_103 = tpu.vector_load %arg5[%get3A_102] {strides = array<i32>} : memref<528xi32, #tpu.memory_space<vmem>>, vector<16xi32>,
    %shift_right_logical3A_104 = arith.constant 1 : i32
    %shift_right_logical3A_105 = vector.broadcast %shift_right_logical3A_104 : i32 to vector<16xi32>
    %shift_right_logical3A_106 = arith.shrui %get3A_103, %shift_right_logical3A_105 : vector<16xi32>
    %swap3A_107 = arith.constant 208 : index
    %swap3A_108 = tpu.vector_load %arg6[%swap3A_107] {strides = array<i32>} : memref<512xi32, #tpu.memory_space<vmem>>, vector<16xi32>,
    tpu.vector_store %arg6[%swap3A_107], %shift_right_logical3A_106 {strides = array<i32>} : memref<512xi32, #tpu.memory_space<vmem>>, vector<16xi32>,
    %get3A_109 = arith.constant 224 : index
    %get3A_110 = tpu.vector_load %arg5[%get3A_109] {strides = array<i32>} : memref<528xi32, #tpu.memory_space<vmem>>, vector<16xi32>,
    %shift_right_logical3A_111 = arith.constant 1 : i32
    %shift_right_logical3A_112 = vector.broadcast %shift_right_logical3A_111 : i32 to vector<16xi32>
    %shift_right_logical3A_113 = arith.shrui %get3A_110, %shift_right_logical3A_112 : vector<16xi32>
    %swap3A_114 = arith.constant 224 : index
    %swap3A_115 = tpu.vector_load %arg6[%swap3A_114] {strides = array<i32>} : memref<512xi32, #tpu.memory_space<vmem>>, vector<16xi32>,
    tpu.vector_store %arg6[%swap3A_114], %shift_right_logical3A_113 {strides = array<i32>} : memref<512xi32, #tpu.memory_space<vmem>>, vector<16xi32>,
    %get3A_116 = arith.constant 240 : index
    %get3A_117 = tpu.vector_load %arg5[%get3A_116] {strides = array<i32>} : memref<528xi32, #tpu.memory_space<vmem>>, vector<16xi32>,
    %shift_right_logical3A_118 = arith.constant 1 : i32
    %shift_right_logical3A_119 = vector.broadcast %shift_right_logical3A_118 : i32 to vector<16xi32>
    %shift_right_logical3A_120 = arith.shrui %get3A_117, %shift_right_logical3A_119 : vector<16xi32>
    %swap3A_121 = arith.constant 240 : index
    %swap3A_122 = tpu.vector_load %arg6[%swap3A_121] {strides = array<i32>} : memref<512xi32, #tpu.memory_space<vmem>>, vector<16xi32>,
    tpu.vector_store %arg6[%swap3A_121], %shift_right_logical3A_120 {strides = array<i32>} : memref<512xi32, #tpu.memory_space<vmem>>, vector<16xi32>,
    %dma_start3A_123 = arith.constant 1 : i32
    %dma_start3A_124 = arith.constant 128 : i32
    %dma_start3A_125 = arith.constant 0 : i32
    %dma_start3A_126 = tpu.memref_slice %arg7[%dma_start3A_124, %dma_start3A_125] : memref<512x128xi32, #tpu.memory_space<vmem>> -> memref<128x128xi32, #tpu.memory_space<vmem>>
    %dma_start3A_127 = arith.constant 128 : i32
    %dma_start3A_128 = tpu.memref_slice %arg6[%dma_start3A_127] : memref<512xi32, #tpu.memory_space<vmem>> -> memref<128xi32, #tpu.memory_space<vmem>>
    %dma_start3A_129 = tpu.memref_bitcast %arg2 : memref<100000x128xbf16, #tpu.memory_space<hbm>> -> memref<50000x128xi32, #tpu.memory_space<hbm>>
    %dma_start3A_130 = arith.constant 0 : i32
    %dma_start3A_131 = arith.constant 0 : i32
    %dma_start3A_132 = tpu.memref_slice %dma_start3A_129[%dma_start3A_130, %dma_start3A_131] : memref<50000x128xi32, #tpu.memory_space<hbm>> -> memref<50000x128xi32, #tpu.memory_space<hbm>>
    %dma_start3A_133 = tpu.memref_slice %arg9[%dma_start3A_123] : memref<3x!tpu.dma_semaphore, #tpu.memory_space<semaphore_mem>> -> memref<1x!tpu.dma_semaphore, #tpu.memory_space<semaphore_mem>>
    %dma_start3A_134 = tpu.memref_squeeze %dma_start3A_133 : memref<1x!tpu.dma_semaphore, #tpu.memory_space<semaphore_mem>> -> memref<!tpu.dma_semaphore, #tpu.memory_space<semaphore_mem>>
    tpu.enqueue_indirect_dma source(%dma_start3A_132 : memref<50000x128xi32, #tpu.memory_space<hbm>>) target(%dma_start3A_126 : memref<128x128xi32, #tpu.memory_space<vmem>>) offsets(%dma_start3A_128 : memref<128xi32, #tpu.memory_space<vmem>>) semaphore(%dma_start3A_134 : memref<!tpu.dma_semaphore, #tpu.memory_space<semaphore_mem>>)
    %get3A_135 = arith.constant 256 : index
    %get3A_136 = tpu.vector_load %arg5[%get3A_135] {strides = array<i32>} : memref<528xi32, #tpu.memory_space<vmem>>, vector<16xi32>,
    %shift_right_logical3A_137 = arith.constant 1 : i32
    %shift_right_logical3A_138 = vector.broadcast %shift_right_logical3A_137 : i32 to vector<16xi32>
    %shift_right_logical3A_139 = arith.shrui %get3A_136, %shift_right_logical3A_138 : vector<16xi32>
    %swap3A_140 = arith.constant 256 : index
    %swap3A_141 = tpu.vector_load %arg6[%swap3A_140] {strides = array<i32>} : memref<512xi32, #tpu.memory_space<vmem>>, vector<16xi32>,
    tpu.vector_store %arg6[%swap3A_140], %shift_right_logical3A_139 {strides = array<i32>} : memref<512xi32, #tpu.memory_space<vmem>>, vector<16xi32>,
    %get3A_142 = arith.constant 272 : index
    %get3A_143 = tpu.vector_load %arg5[%get3A_142] {strides = array<i32>} : memref<528xi32, #tpu.memory_space<vmem>>, vector<16xi32>,
    %shift_right_logical3A_144 = arith.constant 1 : i32
    %shift_right_logical3A_145 = vector.broadcast %shift_right_logical3A_144 : i32 to vector<16xi32>
    %shift_right_logical3A_146 = arith.shrui %get3A_143, %shift_right_logical3A_145 : vector<16xi32>
    %swap3A_147 = arith.constant 272 : index
    %swap3A_148 = tpu.vector_load %arg6[%swap3A_147] {strides = array<i32>} : memref<512xi32, #tpu.memory_space<vmem>>, vector<16xi32>,
    tpu.vector_store %arg6[%swap3A_147], %shift_right_logical3A_146 {strides = array<i32>} : memref<512xi32, #tpu.memory_space<vmem>>, vector<16xi32>,
    %get3A_149 = arith.constant 288 : index
    %get3A_150 = tpu.vector_load %arg5[%get3A_149] {strides = array<i32>} : memref<528xi32, #tpu.memory_space<vmem>>, vector<16xi32>,
    %shift_right_logical3A_151 = arith.constant 1 : i32
    %shift_right_logical3A_152 = vector.broadcast %shift_right_logical3A_151 : i32 to vector<16xi32>
    %shift_right_logical3A_153 = arith.shrui %get3A_150, %shift_right_logical3A_152 : vector<16xi32>
    %swap3A_154 = arith.constant 288 : index
    %swap3A_155 = tpu.vector_load %arg6[%swap3A_154] {strides = array<i32>} : memref<512xi32, #tpu.memory_space<vmem>>, vector<16xi32>,
    tpu.vector_store %arg6[%swap3A_154], %shift_right_logical3A_153 {strides = array<i32>} : memref<512xi32, #tpu.memory_space<vmem>>, vector<16xi32>,
    %get3A_156 = arith.constant 304 : index
    %get3A_157 = tpu.vector_load %arg5[%get3A_156] {strides = array<i32>} : memref<528xi32, #tpu.memory_space<vmem>>, vector<16xi32>,
    %shift_right_logical3A_158 = arith.constant 1 : i32
    %shift_right_logical3A_159 = vector.broadcast %shift_right_logical3A_158 : i32 to vector<16xi32>
    %shift_right_logical3A_160 = arith.shrui %get3A_157, %shift_right_logical3A_159 : vector<16xi32>
    %swap3A_161 = arith.constant 304 : index
    %swap3A_162 = tpu.vector_load %arg6[%swap3A_161] {strides = array<i32>} : memref<512xi32, #tpu.memory_space<vmem>>, vector<16xi32>,
    tpu.vector_store %arg6[%swap3A_161], %shift_right_logical3A_160 {strides = array<i32>} : memref<512xi32, #tpu.memory_space<vmem>>, vector<16xi32>,
    %get3A_163 = arith.constant 320 : index
    %get3A_164 = tpu.vector_load %arg5[%get3A_163] {strides = array<i32>} : memref<528xi32, #tpu.memory_space<vmem>>, vector<16xi32>,
    %shift_right_logical3A_165 = arith.constant 1 : i32
    %shift_right_logical3A_166 = vector.broadcast %shift_right_logical3A_165 : i32 to vector<16xi32>
    %shift_right_logical3A_167 = arith.shrui %get3A_164, %shift_right_logical3A_166 : vector<16xi32>
    %swap3A_168 = arith.constant 320 : index
    %swap3A_169 = tpu.vector_load %arg6[%swap3A_168] {strides = array<i32>} : memref<512xi32, #tpu.memory_space<vmem>>, vector<16xi32>,
    tpu.vector_store %arg6[%swap3A_168], %shift_right_logical3A_167 {strides = array<i32>} : memref<512xi32, #tpu.memory_space<vmem>>, vector<16xi32>,
    %get3A_170 = arith.constant 336 : index
    %get3A_171 = tpu.vector_load %arg5[%get3A_170] {strides = array<i32>} : memref<528xi32, #tpu.memory_space<vmem>>, vector<16xi32>,
    %shift_right_logical3A_172 = arith.constant 1 : i32
    %shift_right_logical3A_173 = vector.broadcast %shift_right_logical3A_172 : i32 to vector<16xi32>
    %shift_right_logical3A_174 = arith.shrui %get3A_171, %shift_right_logical3A_173 : vector<16xi32>
    %swap3A_175 = arith.constant 336 : index
    %swap3A_176 = tpu.vector_load %arg6[%swap3A_175] {strides = array<i32>} : memref<512xi32, #tpu.memory_space<vmem>>, vector<16xi32>,
    tpu.vector_store %arg6[%swap3A_175], %shift_right_logical3A_174 {strides = array<i32>} : memref<512xi32, #tpu.memory_space<vmem>>, vector<16xi32>,
    %get3A_177 = arith.constant 352 : index
    %get3A_178 = tpu.vector_load %arg5[%get3A_177] {strides = array<i32>} : memref<528xi32, #tpu.memory_space<vmem>>, vector<16xi32>,
    %shift_right_logical3A_179 = arith.constant 1 : i32
    %shift_right_logical3A_180 = vector.broadcast %shift_right_logical3A_179 : i32 to vector<16xi32>
    %shift_right_logical3A_181 = arith.shrui %get3A_178, %shift_right_logical3A_180 : vector<16xi32>
    %swap3A_182 = arith.constant 352 : index
    %swap3A_183 = tpu.vector_load %arg6[%swap3A_182] {strides = array<i32>} : memref<512xi32, #tpu.memory_space<vmem>>, vector<16xi32>,
    tpu.vector_store %arg6[%swap3A_182], %shift_right_logical3A_181 {strides = array<i32>} : memref<512xi32, #tpu.memory_space<vmem>>, vector<16xi32>,
    %get3A_184 = arith.constant 368 : index
    %get3A_185 = tpu.vector_load %arg5[%get3A_184] {strides = array<i32>} : memref<528xi32, #tpu.memory_space<vmem>>, vector<16xi32>,
    %shift_right_logical3A_186 = arith.constant 1 : i32
    %shift_right_logical3A_187 = vector.broadcast %shift_right_logical3A_186 : i32 to vector<16xi32>
    %shift_right_logical3A_188 = arith.shrui %get3A_185, %shift_right_logical3A_187 : vector<16xi32>
    %swap3A_189 = arith.constant 368 : index
    %swap3A_190 = tpu.vector_load %arg6[%swap3A_189] {strides = array<i32>} : memref<512xi32, #tpu.memory_space<vmem>>, vector<16xi32>,
    tpu.vector_store %arg6[%swap3A_189], %shift_right_logical3A_188 {strides = array<i32>} : memref<512xi32, #tpu.memory_space<vmem>>, vector<16xi32>,
    %dma_start3A_191 = arith.constant 2 : i32
    %dma_start3A_192 = arith.constant 256 : i32
    %dma_start3A_193 = arith.constant 0 : i32
    %dma_start3A_194 = tpu.memref_slice %arg7[%dma_start3A_192, %dma_start3A_193] : memref<512x128xi32, #tpu.memory_space<vmem>> -> memref<128x128xi32, #tpu.memory_space<vmem>>
    %dma_start3A_195 = arith.constant 256 : i32
    %dma_start3A_196 = tpu.memref_slice %arg6[%dma_start3A_195] : memref<512xi32, #tpu.memory_space<vmem>> -> memref<128xi32, #tpu.memory_space<vmem>>
    %dma_start3A_197 = tpu.memref_bitcast %arg2 : memref<100000x128xbf16, #tpu.memory_space<hbm>> -> memref<50000x128xi32, #tpu.memory_space<hbm>>
    %dma_start3A_198 = arith.constant 0 : i32
    %dma_start3A_199 = arith.constant 0 : i32
    %dma_start3A_200 = tpu.memref_slice %dma_start3A_197[%dma_start3A_198, %dma_start3A_199] : memref<50000x128xi32, #tpu.memory_space<hbm>> -> memref<50000x128xi32, #tpu.memory_space<hbm>>
    %dma_start3A_201 = tpu.memref_slice %arg9[%dma_start3A_191] : memref<3x!tpu.dma_semaphore, #tpu.memory_space<semaphore_mem>> -> memref<1x!tpu.dma_semaphore, #tpu.memory_space<semaphore_mem>>
    %dma_start3A_202 = tpu.memref_squeeze %dma_start3A_201 : memref<1x!tpu.dma_semaphore, #tpu.memory_space<semaphore_mem>> -> memref<!tpu.dma_semaphore, #tpu.memory_space<semaphore_mem>>
    tpu.enqueue_indirect_dma source(%dma_start3A_200 : memref<50000x128xi32, #tpu.memory_space<hbm>>) target(%dma_start3A_194 : memref<128x128xi32, #tpu.memory_space<vmem>>) offsets(%dma_start3A_196 : memref<128xi32, #tpu.memory_space<vmem>>) semaphore(%dma_start3A_202 : memref<!tpu.dma_semaphore, #tpu.memory_space<semaphore_mem>>)
    %dma_wait3A = arith.constant 0 : i32
    %dma_wait3A_203 = arith.constant 0 : i32
    %dma_wait3A_204 = arith.constant 0 : i32
    %dma_wait3A_205 = tpu.memref_slice %arg7[%dma_wait3A_203, %dma_wait3A_204] : memref<512x128xi32, #tpu.memory_space<vmem>> -> memref<128x128xi32, #tpu.memory_space<vmem>>
    %dma_wait3A_206 = arith.constant 0 : i32
    %dma_wait3A_207 = tpu.memref_slice %arg6[%dma_wait3A_206] : memref<512xi32, #tpu.memory_space<vmem>> -> memref<128xi32, #tpu.memory_space<vmem>>
    %dma_wait3A_208 = tpu.memref_bitcast %arg2 : memref<100000x128xbf16, #tpu.memory_space<hbm>> -> memref<50000x128xi32, #tpu.memory_space<hbm>>
    %dma_wait3A_209 = arith.constant 0 : i32
    %dma_wait3A_210 = arith.constant 0 : i32
    %dma_wait3A_211 = tpu.memref_slice %dma_wait3A_208[%dma_wait3A_209, %dma_wait3A_210] : memref<50000x128xi32, #tpu.memory_space<hbm>> -> memref<50000x128xi32, #tpu.memory_space<hbm>>
    %dma_wait3A_212 = tpu.memref_slice %arg9[%dma_wait3A] : memref<3x!tpu.dma_semaphore, #tpu.memory_space<semaphore_mem>> -> memref<1x!tpu.dma_semaphore, #tpu.memory_space<semaphore_mem>>
    %dma_wait3A_213 = tpu.memref_squeeze %dma_wait3A_212 : memref<1x!tpu.dma_semaphore, #tpu.memory_space<semaphore_mem>> -> memref<!tpu.dma_semaphore, #tpu.memory_space<semaphore_mem>>
    tpu.wait_indirect_dma semaphore(%dma_wait3A_213 : memref<!tpu.dma_semaphore, #tpu.memory_space<semaphore_mem>>) src(%dma_wait3A_211 : memref<50000x128xi32, #tpu.memory_space<hbm>>) dst(%dma_wait3A_205 : memref<128x128xi32, #tpu.memory_space<vmem>>)
    %get3A_214 = arith.constant 384 : index
    %get3A_215 = tpu.vector_load %arg5[%get3A_214] {strides = array<i32>} : memref<528xi32, #tpu.memory_space<vmem>>, vector<16xi32>,
    %shift_right_logical3A_216 = arith.constant 1 : i32
    %shift_right_logical3A_217 = vector.broadcast %shift_right_logical3A_216 : i32 to vector<16xi32>
    %shift_right_logical3A_218 = arith.shrui %get3A_215, %shift_right_logical3A_217 : vector<16xi32>
    %swap3A_219 = arith.constant 384 : index
    %swap3A_220 = tpu.vector_load %arg6[%swap3A_219] {strides = array<i32>} : memref<512xi32, #tpu.memory_space<vmem>>, vector<16xi32>,
    tpu.vector_store %arg6[%swap3A_219], %shift_right_logical3A_218 {strides = array<i32>} : memref<512xi32, #tpu.memory_space<vmem>>, vector<16xi32>,
    %get3A_221 = arith.constant 400 : index
    %get3A_222 = tpu.vector_load %arg5[%get3A_221] {strides = array<i32>} : memref<528xi32, #tpu.memory_space<vmem>>, vector<16xi32>,
    %shift_right_logical3A_223 = arith.constant 1 : i32
    %shift_right_logical3A_224 = vector.broadcast %shift_right_logical3A_223 : i32 to vector<16xi32>
    %shift_right_logical3A_225 = arith.shrui %get3A_222, %shift_right_logical3A_224 : vector<16xi32>
    %swap3A_226 = arith.constant 400 : index
    %swap3A_227 = tpu.vector_load %arg6[%swap3A_226] {strides = array<i32>} : memref<512xi32, #tpu.memory_space<vmem>>, vector<16xi32>,
    tpu.vector_store %arg6[%swap3A_226], %shift_right_logical3A_225 {strides = array<i32>} : memref<512xi32, #tpu.memory_space<vmem>>, vector<16xi32>,
    %get3A_228 = arith.constant 416 : index
    %get3A_229 = tpu.vector_load %arg5[%get3A_228] {strides = array<i32>} : memref<528xi32, #tpu.memory_space<vmem>>, vector<16xi32>,
    %shift_right_logical3A_230 = arith.constant 1 : i32
    %shift_right_logical3A_231 = vector.broadcast %shift_right_logical3A_230 : i32 to vector<16xi32>
    %shift_right_logical3A_232 = arith.shrui %get3A_229, %shift_right_logical3A_231 : vector<16xi32>
    %swap3A_233 = arith.constant 416 : index
    %swap3A_234 = tpu.vector_load %arg6[%swap3A_233] {strides = array<i32>} : memref<512xi32, #tpu.memory_space<vmem>>, vector<16xi32>,
    tpu.vector_store %arg6[%swap3A_233], %shift_right_logical3A_232 {strides = array<i32>} : memref<512xi32, #tpu.memory_space<vmem>>, vector<16xi32>,
    %get3A_235 = arith.constant 432 : index
    %get3A_236 = tpu.vector_load %arg5[%get3A_235] {strides = array<i32>} : memref<528xi32, #tpu.memory_space<vmem>>, vector<16xi32>,
    %shift_right_logical3A_237 = arith.constant 1 : i32
    %shift_right_logical3A_238 = vector.broadcast %shift_right_logical3A_237 : i32 to vector<16xi32>
    %shift_right_logical3A_239 = arith.shrui %get3A_236, %shift_right_logical3A_238 : vector<16xi32>
    %swap3A_240 = arith.constant 432 : index
    %swap3A_241 = tpu.vector_load %arg6[%swap3A_240] {strides = array<i32>} : memref<512xi32, #tpu.memory_space<vmem>>, vector<16xi32>,
    tpu.vector_store %arg6[%swap3A_240], %shift_right_logical3A_239 {strides = array<i32>} : memref<512xi32, #tpu.memory_space<vmem>>, vector<16xi32>,
    %get3A_242 = arith.constant 448 : index
    %get3A_243 = tpu.vector_load %arg5[%get3A_242] {strides = array<i32>} : memref<528xi32, #tpu.memory_space<vmem>>, vector<16xi32>,
    %shift_right_logical3A_244 = arith.constant 1 : i32
    %shift_right_logical3A_245 = vector.broadcast %shift_right_logical3A_244 : i32 to vector<16xi32>
    %shift_right_logical3A_246 = arith.shrui %get3A_243, %shift_right_logical3A_245 : vector<16xi32>
    %swap3A_247 = arith.constant 448 : index
    %swap3A_248 = tpu.vector_load %arg6[%swap3A_247] {strides = array<i32>} : memref<512xi32, #tpu.memory_space<vmem>>, vector<16xi32>,
    tpu.vector_store %arg6[%swap3A_247], %shift_right_logical3A_246 {strides = array<i32>} : memref<512xi32, #tpu.memory_space<vmem>>, vector<16xi32>,
    %get3A_249 = arith.constant 464 : index
    %get3A_250 = tpu.vector_load %arg5[%get3A_249] {strides = array<i32>} : memref<528xi32, #tpu.memory_space<vmem>>, vector<16xi32>,
    %shift_right_logical3A_251 = arith.constant 1 : i32
    %shift_right_logical3A_252 = vector.broadcast %shift_right_logical3A_251 : i32 to vector<16xi32>
    %shift_right_logical3A_253 = arith.shrui %get3A_250, %shift_right_logical3A_252 : vector<16xi32>
    %swap3A_254 = arith.constant 464 : index
    %swap3A_255 = tpu.vector_load %arg6[%swap3A_254] {strides = array<i32>} : memref<512xi32, #tpu.memory_space<vmem>>, vector<16xi32>,
    tpu.vector_store %arg6[%swap3A_254], %shift_right_logical3A_253 {strides = array<i32>} : memref<512xi32, #tpu.memory_space<vmem>>, vector<16xi32>,
    %get3A_256 = arith.constant 480 : index
    %get3A_257 = tpu.vector_load %arg5[%get3A_256] {strides = array<i32>} : memref<528xi32, #tpu.memory_space<vmem>>, vector<16xi32>,
    %shift_right_logical3A_258 = arith.constant 1 : i32
    %shift_right_logical3A_259 = vector.broadcast %shift_right_logical3A_258 : i32 to vector<16xi32>
    %shift_right_logical3A_260 = arith.shrui %get3A_257, %shift_right_logical3A_259 : vector<16xi32>
    %swap3A_261 = arith.constant 480 : index
    %swap3A_262 = tpu.vector_load %arg6[%swap3A_261] {strides = array<i32>} : memref<512xi32, #tpu.memory_space<vmem>>, vector<16xi32>,
    tpu.vector_store %arg6[%swap3A_261], %shift_right_logical3A_260 {strides = array<i32>} : memref<512xi32, #tpu.memory_space<vmem>>, vector<16xi32>,
    %get3A_263 = arith.constant 496 : index
    %get3A_264 = tpu.vector_load %arg5[%get3A_263] {strides = array<i32>} : memref<528xi32, #tpu.memory_space<vmem>>, vector<16xi32>,
    %shift_right_logical3A_265 = arith.constant 1 : i32
    %shift_right_logical3A_266 = vector.broadcast %shift_right_logical3A_265 : i32 to vector<16xi32>
    %shift_right_logical3A_267 = arith.shrui %get3A_264, %shift_right_logical3A_266 : vector<16xi32>
    %swap3A_268 = arith.constant 496 : index
    %swap3A_269 = tpu.vector_load %arg6[%swap3A_268] {strides = array<i32>} : memref<512xi32, #tpu.memory_space<vmem>>, vector<16xi32>,
    tpu.vector_store %arg6[%swap3A_268], %shift_right_logical3A_267 {strides = array<i32>} : memref<512xi32, #tpu.memory_space<vmem>>, vector<16xi32>,
    %dma_start3A_270 = arith.constant 0 : i32
    %dma_start3A_271 = arith.constant 384 : i32
    %dma_start3A_272 = arith.constant 0 : i32
    %dma_start3A_273 = tpu.memref_slice %arg7[%dma_start3A_271, %dma_start3A_272] : memref<512x128xi32, #tpu.memory_space<vmem>> -> memref<128x128xi32, #tpu.memory_space<vmem>>
    %dma_start3A_274 = arith.constant 384 : i32
    %dma_start3A_275 = tpu.memref_slice %arg6[%dma_start3A_274] : memref<512xi32, #tpu.memory_space<vmem>> -> memref<128xi32, #tpu.memory_space<vmem>>
    %dma_start3A_276 = tpu.memref_bitcast %arg2 : memref<100000x128xbf16, #tpu.memory_space<hbm>> -> memref<50000x128xi32, #tpu.memory_space<hbm>>
    %dma_start3A_277 = arith.constant 0 : i32
    %dma_start3A_278 = arith.constant 0 : i32
    %dma_start3A_279 = tpu.memref_slice %dma_start3A_276[%dma_start3A_277, %dma_start3A_278] : memref<50000x128xi32, #tpu.memory_space<hbm>> -> memref<50000x128xi32, #tpu.memory_space<hbm>>
    %dma_start3A_280 = tpu.memref_slice %arg9[%dma_start3A_270] : memref<3x!tpu.dma_semaphore, #tpu.memory_space<semaphore_mem>> -> memref<1x!tpu.dma_semaphore, #tpu.memory_space<semaphore_mem>>
    %dma_start3A_281 = tpu.memref_squeeze %dma_start3A_280 : memref<1x!tpu.dma_semaphore, #tpu.memory_space<semaphore_mem>> -> memref<!tpu.dma_semaphore, #tpu.memory_space<semaphore_mem>>
    tpu.enqueue_indirect_dma source(%dma_start3A_279 : memref<50000x128xi32, #tpu.memory_space<hbm>>) target(%dma_start3A_273 : memref<128x128xi32, #tpu.memory_space<vmem>>) offsets(%dma_start3A_275 : memref<128xi32, #tpu.memory_space<vmem>>) semaphore(%dma_start3A_281 : memref<!tpu.dma_semaphore, #tpu.memory_space<semaphore_mem>>)
    %parallel_loop3A = arith.constant 0 : i32
    %parallel_loop3A_282 = arith.constant 64 : i32
    %parallel_loop3A_283 = arith.constant 1 : i32
    scf.for %parallel_loop3A_441 = %parallel_loop3A to %parallel_loop3A_282 step %parallel_loop3A_283  : i32 {
      %parallel_loop3A_442 = arith.constant 2 : i32
      %parallel_loop3A_443 = arith.muli %parallel_loop3A_442, %parallel_loop3A_441 : i32
      %parallel_loop3A_444 = arith.index_cast %parallel_loop3A_443 : i32 to index
      %parallel_loop3A_445 = tpu.vector_load %arg5[%parallel_loop3A_444] {strides = array<i32>} : memref<528xi32, #tpu.memory_space<vmem>>, vector<16xi32>,
      %parallel_loop3A_446 = vector.extract_strided_slice %parallel_loop3A_445 {offsets = [0], sizes = [1], strides = [1]} : vector<16xi32> to vector<1xi32>
      %parallel_loop3A_447 = vector.extract %parallel_loop3A_446[0] : i32 from vector<1xi32>
      %parallel_loop3A_448 = arith.constant 1 : i32
      %parallel_loop3A_449 = arith.andi %parallel_loop3A_447, %parallel_loop3A_448 : i32
      %parallel_loop3A_450 = arith.constant 4 : i32
      %parallel_loop3A_451 = arith.shli %parallel_loop3A_449, %parallel_loop3A_450 : i32
      %parallel_loop3A_452 = vector.extract_strided_slice %parallel_loop3A_445 {offsets = [1], sizes = [1], strides = [1]} : vector<16xi32> to vector<1xi32>
      %parallel_loop3A_453 = vector.extract %parallel_loop3A_452[0] : i32 from vector<1xi32>
      %parallel_loop3A_454 = arith.constant 1 : i32
      %parallel_loop3A_455 = arith.andi %parallel_loop3A_453, %parallel_loop3A_454 : i32
      %parallel_loop3A_456 = arith.constant 4 : i32
      %parallel_loop3A_457 = arith.shli %parallel_loop3A_455, %parallel_loop3A_456 : i32
      %parallel_loop3A_458 = arith.constant 2 : i32
      %parallel_loop3A_459 = arith.muli %parallel_loop3A_458, %parallel_loop3A_441 : i32
      %parallel_loop3A_460 = arith.index_cast %parallel_loop3A_459 : i32 to index
      %parallel_loop3A_461 = arith.constant 0 : index
      %parallel_loop3A_462 = tpu.vector_load %arg7[%parallel_loop3A_460, %parallel_loop3A_461] {strides = array<i32>} : memref<512x128xi32, #tpu.memory_space<vmem>>, vector<16xi32>,
      %parallel_loop3A_463 = arith.constant 2 : i32
      %parallel_loop3A_464 = arith.muli %parallel_loop3A_463, %parallel_loop3A_441 : i32
      %parallel_loop3A_465 = arith.constant 1 : i32
      %parallel_loop3A_466 = arith.addi %parallel_loop3A_464, %parallel_loop3A_465 : i32
      %parallel_loop3A_467 = arith.index_cast %parallel_loop3A_466 : i32 to index
      %parallel_loop3A_468 = arith.constant 0 : index
      %parallel_loop3A_469 = tpu.vector_load %arg7[%parallel_loop3A_467, %parallel_loop3A_468] {strides = array<i32>} : memref<512x128xi32, #tpu.memory_space<vmem>>, vector<16xi32>,
      %parallel_loop3A_470 = vector.broadcast %parallel_loop3A_451 : i32 to vector<16xi32>
      %parallel_loop3A_471 = arith.shrui %parallel_loop3A_462, %parallel_loop3A_470 : vector<16xi32>
      %parallel_loop3A_472 = vector.broadcast %parallel_loop3A_457 : i32 to vector<16xi32>
      %parallel_loop3A_473 = arith.shrui %parallel_loop3A_469, %parallel_loop3A_472 : vector<16xi32>
      %parallel_loop3A_474 = tpu.pack_subelements %parallel_loop3A_471, %parallel_loop3A_473 {pack_format = #tpu.pack_format<interleaved>, positions = array<i32: 0, 1>} : vector<16xi32>, vector<16xi32> -> vector<32xi16>
      %parallel_loop3A_475 = vector.bitcast %parallel_loop3A_474 : vector<32xi16> to vector<16xi32>
      %parallel_loop3A_476 = arith.index_cast %parallel_loop3A_441 : i32 to index
      %parallel_loop3A_477 = arith.constant 0 : index
      %parallel_loop3A_478 = tpu.vector_load %arg8[%parallel_loop3A_476, %parallel_loop3A_477] {strides = array<i32>} : memref<256x128xi32, #tpu.memory_space<vmem>>, vector<16xi32>,
      tpu.vector_store %arg8[%parallel_loop3A_476, %parallel_loop3A_477], %parallel_loop3A_475 {strides = array<i32>} : memref<256x128xi32, #tpu.memory_space<vmem>>, vector<16xi32>,
      %parallel_loop3A_479 = arith.constant 2 : i32
      %parallel_loop3A_480 = arith.muli %parallel_loop3A_479, %parallel_loop3A_441 : i32
      %parallel_loop3A_481 = arith.index_cast %parallel_loop3A_480 : i32 to index
      %parallel_loop3A_482 = arith.constant 16 : index
      %parallel_loop3A_483 = tpu.vector_load %arg7[%parallel_loop3A_481, %parallel_loop3A_482] {strides = array<i32>} : memref<512x128xi32, #tpu.memory_space<vmem>>, vector<16xi32>,
      %parallel_loop3A_484 = arith.constant 2 : i32
      %parallel_loop3A_485 = arith.muli %parallel_loop3A_484, %parallel_loop3A_441 : i32
      %parallel_loop3A_486 = arith.constant 1 : i32
      %parallel_loop3A_487 = arith.addi %parallel_loop3A_485, %parallel_loop3A_486 : i32
      %parallel_loop3A_488 = arith.index_cast %parallel_loop3A_487 : i32 to index
      %parallel_loop3A_489 = arith.constant 16 : index
      %parallel_loop3A_490 = tpu.vector_load %arg7[%parallel_loop3A_488, %parallel_loop3A_489] {strides = array<i32>} : memref<512x128xi32, #tpu.memory_space<vmem>>, vector<16xi32>,
      %parallel_loop3A_491 = vector.broadcast %parallel_loop3A_451 : i32 to vector<16xi32>
      %parallel_loop3A_492 = arith.shrui %parallel_loop3A_483, %parallel_loop3A_491 : vector<16xi32>
      %parallel_loop3A_493 = vector.broadcast %parallel_loop3A_457 : i32 to vector<16xi32>
      %parallel_loop3A_494 = arith.shrui %parallel_loop3A_490, %parallel_loop3A_493 : vector<16xi32>
      %parallel_loop3A_495 = tpu.pack_subelements %parallel_loop3A_492, %parallel_loop3A_494 {pack_format = #tpu.pack_format<interleaved>, positions = array<i32: 0, 1>} : vector<16xi32>, vector<16xi32> -> vector<32xi16>
      %parallel_loop3A_496 = vector.bitcast %parallel_loop3A_495 : vector<32xi16> to vector<16xi32>
      %parallel_loop3A_497 = arith.index_cast %parallel_loop3A_441 : i32 to index
      %parallel_loop3A_498 = arith.constant 16 : index
      %parallel_loop3A_499 = tpu.vector_load %arg8[%parallel_loop3A_497, %parallel_loop3A_498] {strides = array<i32>} : memref<256x128xi32, #tpu.memory_space<vmem>>, vector<16xi32>,
      tpu.vector_store %arg8[%parallel_loop3A_497, %parallel_loop3A_498], %parallel_loop3A_496 {strides = array<i32>} : memref<256x128xi32, #tpu.memory_space<vmem>>, vector<16xi32>,
      %parallel_loop3A_500 = arith.constant 2 : i32
      %parallel_loop3A_501 = arith.muli %parallel_loop3A_500, %parallel_loop3A_441 : i32
      %parallel_loop3A_502 = arith.index_cast %parallel_loop3A_501 : i32 to index
      %parallel_loop3A_503 = arith.constant 32 : index
      %parallel_loop3A_504 = tpu.vector_load %arg7[%parallel_loop3A_502, %parallel_loop3A_503] {strides = array<i32>} : memref<512x128xi32, #tpu.memory_space<vmem>>, vector<16xi32>,
      %parallel_loop3A_505 = arith.constant 2 : i32
      %parallel_loop3A_506 = arith.muli %parallel_loop3A_505, %parallel_loop3A_441 : i32
      %parallel_loop3A_507 = arith.constant 1 : i32
      %parallel_loop3A_508 = arith.addi %parallel_loop3A_506, %parallel_loop3A_507 : i32
      %parallel_loop3A_509 = arith.index_cast %parallel_loop3A_508 : i32 to index
      %parallel_loop3A_510 = arith.constant 32 : index
      %parallel_loop3A_511 = tpu.vector_load %arg7[%parallel_loop3A_509, %parallel_loop3A_510] {strides = array<i32>} : memref<512x128xi32, #tpu.memory_space<vmem>>, vector<16xi32>,
      %parallel_loop3A_512 = vector.broadcast %parallel_loop3A_451 : i32 to vector<16xi32>
      %parallel_loop3A_513 = arith.shrui %parallel_loop3A_504, %parallel_loop3A_512 : vector<16xi32>
      %parallel_loop3A_514 = vector.broadcast %parallel_loop3A_457 : i32 to vector<16xi32>
      %parallel_loop3A_515 = arith.shrui %parallel_loop3A_511, %parallel_loop3A_514 : vector<16xi32>
      %parallel_loop3A_516 = tpu.pack_subelements %parallel_loop3A_513, %parallel_loop3A_515 {pack_format = #tpu.pack_format<interleaved>, positions = array<i32: 0, 1>} : vector<16xi32>, vector<16xi32> -> vector<32xi16>
      %parallel_loop3A_517 = vector.bitcast %parallel_loop3A_516 : vector<32xi16> to vector<16xi32>
      %parallel_loop3A_518 = arith.index_cast %parallel_loop3A_441 : i32 to index
      %parallel_loop3A_519 = arith.constant 32 : index
      %parallel_loop3A_520 = tpu.vector_load %arg8[%parallel_loop3A_518, %parallel_loop3A_519] {strides = array<i32>} : memref<256x128xi32, #tpu.memory_space<vmem>>, vector<16xi32>,
      tpu.vector_store %arg8[%parallel_loop3A_518, %parallel_loop3A_519], %parallel_loop3A_517 {strides = array<i32>} : memref<256x128xi32, #tpu.memory_space<vmem>>, vector<16xi32>,
      %parallel_loop3A_521 = arith.constant 2 : i32
      %parallel_loop3A_522 = arith.muli %parallel_loop3A_521, %parallel_loop3A_441 : i32
      %parallel_loop3A_523 = arith.index_cast %parallel_loop3A_522 : i32 to index
      %parallel_loop3A_524 = arith.constant 48 : index
      %parallel_loop3A_525 = tpu.vector_load %arg7[%parallel_loop3A_523, %parallel_loop3A_524] {strides = array<i32>} : memref<512x128xi32, #tpu.memory_space<vmem>>, vector<16xi32>,
      %parallel_loop3A_526 = arith.constant 2 : i32
      %parallel_loop3A_527 = arith.muli %parallel_loop3A_526, %parallel_loop3A_441 : i32
      %parallel_loop3A_528 = arith.constant 1 : i32
      %parallel_loop3A_529 = arith.addi %parallel_loop3A_527, %parallel_loop3A_528 : i32
      %parallel_loop3A_530 = arith.index_cast %parallel_loop3A_529 : i32 to index
      %parallel_loop3A_531 = arith.constant 48 : index
      %parallel_loop3A_532 = tpu.vector_load %arg7[%parallel_loop3A_530, %parallel_loop3A_531] {strides = array<i32>} : memref<512x128xi32, #tpu.memory_space<vmem>>, vector<16xi32>,
      %parallel_loop3A_533 = vector.broadcast %parallel_loop3A_451 : i32 to vector<16xi32>
      %parallel_loop3A_534 = arith.shrui %parallel_loop3A_525, %parallel_loop3A_533 : vector<16xi32>
      %parallel_loop3A_535 = vector.broadcast %parallel_loop3A_457 : i32 to vector<16xi32>
      %parallel_loop3A_536 = arith.shrui %parallel_loop3A_532, %parallel_loop3A_535 : vector<16xi32>
      %parallel_loop3A_537 = tpu.pack_subelements %parallel_loop3A_534, %parallel_loop3A_536 {pack_format = #tpu.pack_format<interleaved>, positions = array<i32: 0, 1>} : vector<16xi32>, vector<16xi32> -> vector<32xi16>
      %parallel_loop3A_538 = vector.bitcast %parallel_loop3A_537 : vector<32xi16> to vector<16xi32>
      %parallel_loop3A_539 = arith.index_cast %parallel_loop3A_441 : i32 to index
      %parallel_loop3A_540 = arith.constant 48 : index
      %parallel_loop3A_541 = tpu.vector_load %arg8[%parallel_loop3A_539, %parallel_loop3A_540] {strides = array<i32>} : memref<256x128xi32, #tpu.memory_space<vmem>>, vector<16xi32>,
      tpu.vector_store %arg8[%parallel_loop3A_539, %parallel_loop3A_540], %parallel_loop3A_538 {strides = array<i32>} : memref<256x128xi32, #tpu.memory_space<vmem>>, vector<16xi32>,
      %parallel_loop3A_542 = arith.constant 2 : i32
      %parallel_loop3A_543 = arith.muli %parallel_loop3A_542, %parallel_loop3A_441 : i32
      %parallel_loop3A_544 = arith.index_cast %parallel_loop3A_543 : i32 to index
      %parallel_loop3A_545 = arith.constant 64 : index
      %parallel_loop3A_546 = tpu.vector_load %arg7[%parallel_loop3A_544, %parallel_loop3A_545] {strides = array<i32>} : memref<512x128xi32, #tpu.memory_space<vmem>>, vector<16xi32>,
      %parallel_loop3A_547 = arith.constant 2 : i32
      %parallel_loop3A_548 = arith.muli %parallel_loop3A_547, %parallel_loop3A_441 : i32
      %parallel_loop3A_549 = arith.constant 1 : i32
      %parallel_loop3A_550 = arith.addi %parallel_loop3A_548, %parallel_loop3A_549 : i32
      %parallel_loop3A_551 = arith.index_cast %parallel_loop3A_550 : i32 to index
      %parallel_loop3A_552 = arith.constant 64 : index
      %parallel_loop3A_553 = tpu.vector_load %arg7[%parallel_loop3A_551, %parallel_loop3A_552] {strides = array<i32>} : memref<512x128xi32, #tpu.memory_space<vmem>>, vector<16xi32>,
      %parallel_loop3A_554 = vector.broadcast %parallel_loop3A_451 : i32 to vector<16xi32>
      %parallel_loop3A_555 = arith.shrui %parallel_loop3A_546, %parallel_loop3A_554 : vector<16xi32>
      %parallel_loop3A_556 = vector.broadcast %parallel_loop3A_457 : i32 to vector<16xi32>
      %parallel_loop3A_557 = arith.shrui %parallel_loop3A_553, %parallel_loop3A_556 : vector<16xi32>
      %parallel_loop3A_558 = tpu.pack_subelements %parallel_loop3A_555, %parallel_loop3A_557 {pack_format = #tpu.pack_format<interleaved>, positions = array<i32: 0, 1>} : vector<16xi32>, vector<16xi32> -> vector<32xi16>
      %parallel_loop3A_559 = vector.bitcast %parallel_loop3A_558 : vector<32xi16> to vector<16xi32>
      %parallel_loop3A_560 = arith.index_cast %parallel_loop3A_441 : i32 to index
      %parallel_loop3A_561 = arith.constant 64 : index
      %parallel_loop3A_562 = tpu.vector_load %arg8[%parallel_loop3A_560, %parallel_loop3A_561] {strides = array<i32>} : memref<256x128xi32, #tpu.memory_space<vmem>>, vector<16xi32>,
      tpu.vector_store %arg8[%parallel_loop3A_560, %parallel_loop3A_561], %parallel_loop3A_559 {strides = array<i32>} : memref<256x128xi32, #tpu.memory_space<vmem>>, vector<16xi32>,
      %parallel_loop3A_563 = arith.constant 2 : i32
      %parallel_loop3A_564 = arith.muli %parallel_loop3A_563, %parallel_loop3A_441 : i32
      %parallel_loop3A_565 = arith.index_cast %parallel_loop3A_564 : i32 to index
      %parallel_loop3A_566 = arith.constant 80 : index
      %parallel_loop3A_567 = tpu.vector_load %arg7[%parallel_loop3A_565, %parallel_loop3A_566] {strides = array<i32>} : memref<512x128xi32, #tpu.memory_space<vmem>>, vector<16xi32>,
      %parallel_loop3A_568 = arith.constant 2 : i32
      %parallel_loop3A_569 = arith.muli %parallel_loop3A_568, %parallel_loop3A_441 : i32
      %parallel_loop3A_570 = arith.constant 1 : i32
      %parallel_loop3A_571 = arith.addi %parallel_loop3A_569, %parallel_loop3A_570 : i32
      %parallel_loop3A_572 = arith.index_cast %parallel_loop3A_571 : i32 to index
      %parallel_loop3A_573 = arith.constant 80 : index
      %parallel_loop3A_574 = tpu.vector_load %arg7[%parallel_loop3A_572, %parallel_loop3A_573] {strides = array<i32>} : memref<512x128xi32, #tpu.memory_space<vmem>>, vector<16xi32>,
      %parallel_loop3A_575 = vector.broadcast %parallel_loop3A_451 : i32 to vector<16xi32>
      %parallel_loop3A_576 = arith.shrui %parallel_loop3A_567, %parallel_loop3A_575 : vector<16xi32>
      %parallel_loop3A_577 = vector.broadcast %parallel_loop3A_457 : i32 to vector<16xi32>
      %parallel_loop3A_578 = arith.shrui %parallel_loop3A_574, %parallel_loop3A_577 : vector<16xi32>
      %parallel_loop3A_579 = tpu.pack_subelements %parallel_loop3A_576, %parallel_loop3A_578 {pack_format = #tpu.pack_format<interleaved>, positions = array<i32: 0, 1>} : vector<16xi32>, vector<16xi32> -> vector<32xi16>
      %parallel_loop3A_580 = vector.bitcast %parallel_loop3A_579 : vector<32xi16> to vector<16xi32>
      %parallel_loop3A_581 = arith.index_cast %parallel_loop3A_441 : i32 to index
      %parallel_loop3A_582 = arith.constant 80 : index
      %parallel_loop3A_583 = tpu.vector_load %arg8[%parallel_loop3A_581, %parallel_loop3A_582] {strides = array<i32>} : memref<256x128xi32, #tpu.memory_space<vmem>>, vector<16xi32>,
      tpu.vector_store %arg8[%parallel_loop3A_581, %parallel_loop3A_582], %parallel_loop3A_580 {strides = array<i32>} : memref<256x128xi32, #tpu.memory_space<vmem>>, vector<16xi32>,
      %parallel_loop3A_584 = arith.constant 2 : i32
      %parallel_loop3A_585 = arith.muli %parallel_loop3A_584, %parallel_loop3A_441 : i32
      %parallel_loop3A_586 = arith.index_cast %parallel_loop3A_585 : i32 to index
      %parallel_loop3A_587 = arith.constant 96 : index
      %parallel_loop3A_588 = tpu.vector_load %arg7[%parallel_loop3A_586, %parallel_loop3A_587] {strides = array<i32>} : memref<512x128xi32, #tpu.memory_space<vmem>>, vector<16xi32>,
      %parallel_loop3A_589 = arith.constant 2 : i32
      %parallel_loop3A_590 = arith.muli %parallel_loop3A_589, %parallel_loop3A_441 : i32
      %parallel_loop3A_591 = arith.constant 1 : i32
      %parallel_loop3A_592 = arith.addi %parallel_loop3A_590, %parallel_loop3A_591 : i32
      %parallel_loop3A_593 = arith.index_cast %parallel_loop3A_592 : i32 to index
      %parallel_loop3A_594 = arith.constant 96 : index
      %parallel_loop3A_595 = tpu.vector_load %arg7[%parallel_loop3A_593, %parallel_loop3A_594] {strides = array<i32>} : memref<512x128xi32, #tpu.memory_space<vmem>>, vector<16xi32>,
      %parallel_loop3A_596 = vector.broadcast %parallel_loop3A_451 : i32 to vector<16xi32>
      %parallel_loop3A_597 = arith.shrui %parallel_loop3A_588, %parallel_loop3A_596 : vector<16xi32>
      %parallel_loop3A_598 = vector.broadcast %parallel_loop3A_457 : i32 to vector<16xi32>
      %parallel_loop3A_599 = arith.shrui %parallel_loop3A_595, %parallel_loop3A_598 : vector<16xi32>
      %parallel_loop3A_600 = tpu.pack_subelements %parallel_loop3A_597, %parallel_loop3A_599 {pack_format = #tpu.pack_format<interleaved>, positions = array<i32: 0, 1>} : vector<16xi32>, vector<16xi32> -> vector<32xi16>
      %parallel_loop3A_601 = vector.bitcast %parallel_loop3A_600 : vector<32xi16> to vector<16xi32>
      %parallel_loop3A_602 = arith.index_cast %parallel_loop3A_441 : i32 to index
      %parallel_loop3A_603 = arith.constant 96 : index
      %parallel_loop3A_604 = tpu.vector_load %arg8[%parallel_loop3A_602, %parallel_loop3A_603] {strides = array<i32>} : memref<256x128xi32, #tpu.memory_space<vmem>>, vector<16xi32>,
      tpu.vector_store %arg8[%parallel_loop3A_602, %parallel_loop3A_603], %parallel_loop3A_601 {strides = array<i32>} : memref<256x128xi32, #tpu.memory_space<vmem>>, vector<16xi32>,
      %parallel_loop3A_605 = arith.constant 2 : i32
      %parallel_loop3A_606 = arith.muli %parallel_loop3A_605, %parallel_loop3A_441 : i32
      %parallel_loop3A_607 = arith.index_cast %parallel_loop3A_606 : i32 to index
      %parallel_loop3A_608 = arith.constant 112 : index
      %parallel_loop3A_609 = tpu.vector_load %arg7[%parallel_loop3A_607, %parallel_loop3A_608] {strides = array<i32>} : memref<512x128xi32, #tpu.memory_space<vmem>>, vector<16xi32>,
      %parallel_loop3A_610 = arith.constant 2 : i32
      %parallel_loop3A_611 = arith.muli %parallel_loop3A_610, %parallel_loop3A_441 : i32
      %parallel_loop3A_612 = arith.constant 1 : i32
      %parallel_loop3A_613 = arith.addi %parallel_loop3A_611, %parallel_loop3A_612 : i32
      %parallel_loop3A_614 = arith.index_cast %parallel_loop3A_613 : i32 to index
      %parallel_loop3A_615 = arith.constant 112 : index
      %parallel_loop3A_616 = tpu.vector_load %arg7[%parallel_loop3A_614, %parallel_loop3A_615] {strides = array<i32>} : memref<512x128xi32, #tpu.memory_space<vmem>>, vector<16xi32>,
      %parallel_loop3A_617 = vector.broadcast %parallel_loop3A_451 : i32 to vector<16xi32>
      %parallel_loop3A_618 = arith.shrui %parallel_loop3A_609, %parallel_loop3A_617 : vector<16xi32>
      %parallel_loop3A_619 = vector.broadcast %parallel_loop3A_457 : i32 to vector<16xi32>
      %parallel_loop3A_620 = arith.shrui %parallel_loop3A_616, %parallel_loop3A_619 : vector<16xi32>
      %parallel_loop3A_621 = tpu.pack_subelements %parallel_loop3A_618, %parallel_loop3A_620 {pack_format = #tpu.pack_format<interleaved>, positions = array<i32: 0, 1>} : vector<16xi32>, vector<16xi32> -> vector<32xi16>
      %parallel_loop3A_622 = vector.bitcast %parallel_loop3A_621 : vector<32xi16> to vector<16xi32>
      %parallel_loop3A_623 = arith.index_cast %parallel_loop3A_441 : i32 to index
      %parallel_loop3A_624 = arith.constant 112 : index
      %parallel_loop3A_625 = tpu.vector_load %arg8[%parallel_loop3A_623, %parallel_loop3A_624] {strides = array<i32>} : memref<256x128xi32, #tpu.memory_space<vmem>>, vector<16xi32>,
      tpu.vector_store %arg8[%parallel_loop3A_623, %parallel_loop3A_624], %parallel_loop3A_622 {strides = array<i32>} : memref<256x128xi32, #tpu.memory_space<vmem>>, vector<16xi32>,
    } {sc.loop_unroll_factor = 2 : i64, sc.parallel_access}
    %mul3A_284 = arith.constant 256 : i32
    %mul3A_285 = arith.muli %add3A, %mul3A_284 : i32
    %add3A_286 = arith.constant 0 : i32
    %add3A_287 = arith.addi %mul3A_285, %add3A_286 : i32
    %dma_start3A_288 = arith.constant 0 : i32
    %dma_start3A_289 = arith.constant 0 : i32
    %dma_start3A_290 = tpu.memref_slice %arg8[%dma_start3A_288, %dma_start3A_289] : memref<256x128xi32, #tpu.memory_space<vmem>> -> memref<64x128xi32, #tpu.memory_space<vmem>>
    %dma_start3A_291 = tpu.memref_bitcast %arg4 : memref<16384x128xbf16, #tpu.memory_space<hbm>> -> memref<8192x128xi32, #tpu.memory_space<hbm>>
    %dma_start3A_292 = arith.constant 0 : i32
    %dma_start3A_293 = tpu.memref_slice %dma_start3A_291[%add3A_287, %dma_start3A_292] : memref<8192x128xi32, #tpu.memory_space<hbm>> -> memref<64x128xi32, #tpu.memory_space<hbm>>
    %dma_start3A_294 = tpu.memref_bitcast %arg4 : memref<16384x128xbf16, #tpu.memory_space<hbm>> -> memref<8192x128xi32, #tpu.memory_space<hbm>>
    %dma_start3A_295 = arith.constant 0 : i32
    %dma_start3A_296 = tpu.memref_slice %dma_start3A_294[%add3A_287, %dma_start3A_295] : memref<8192x128xi32, #tpu.memory_space<hbm>> -> memref<64x128xi32, #tpu.memory_space<hbm>>
    %dma_start3A_297 = arith.constant 0 : i32
    %dma_start3A_298 = arith.constant 0 : i32
    %dma_start3A_299 = tpu.memref_slice %arg8[%dma_start3A_297, %dma_start3A_298] : memref<256x128xi32, #tpu.memory_space<vmem>> -> memref<64x128xi32, #tpu.memory_space<vmem>>
    tpu.enqueue_dma source(%dma_start3A_299 : memref<64x128xi32, #tpu.memory_space<vmem>>) target(%dma_start3A_296 : memref<64x128xi32, #tpu.memory_space<hbm>>) target_semaphore(%arg10 : memref<!tpu.dma_semaphore, #tpu.memory_space<semaphore_mem>>)
    %dma_wait3A_300 = arith.constant 1 : i32
    %dma_wait3A_301 = arith.constant 128 : i32
    %dma_wait3A_302 = arith.constant 0 : i32
    %dma_wait3A_303 = tpu.memref_slice %arg7[%dma_wait3A_301, %dma_wait3A_302] : memref<512x128xi32, #tpu.memory_space<vmem>> -> memref<128x128xi32, #tpu.memory_space<vmem>>
    %dma_wait3A_304 = arith.constant 128 : i32
    %dma_wait3A_305 = tpu.memref_slice %arg6[%dma_wait3A_304] : memref<512xi32, #tpu.memory_space<vmem>> -> memref<128xi32, #tpu.memory_space<vmem>>
    %dma_wait3A_306 = tpu.memref_bitcast %arg2 : memref<100000x128xbf16, #tpu.memory_space<hbm>> -> memref<50000x128xi32, #tpu.memory_space<hbm>>
    %dma_wait3A_307 = arith.constant 0 : i32
    %dma_wait3A_308 = arith.constant 0 : i32
    %dma_wait3A_309 = tpu.memref_slice %dma_wait3A_306[%dma_wait3A_307, %dma_wait3A_308] : memref<50000x128xi32, #tpu.memory_space<hbm>> -> memref<50000x128xi32, #tpu.memory_space<hbm>>
    %dma_wait3A_310 = tpu.memref_slice %arg9[%dma_wait3A_300] : memref<3x!tpu.dma_semaphore, #tpu.memory_space<semaphore_mem>> -> memref<1x!tpu.dma_semaphore, #tpu.memory_space<semaphore_mem>>
    %dma_wait3A_311 = tpu.memref_squeeze %dma_wait3A_310 : memref<1x!tpu.dma_semaphore, #tpu.memory_space<semaphore_mem>> -> memref<!tpu.dma_semaphore, #tpu.memory_space<semaphore_mem>>
    tpu.wait_indirect_dma semaphore(%dma_wait3A_311 : memref<!tpu.dma_semaphore, #tpu.memory_space<semaphore_mem>>) src(%dma_wait3A_309 : memref<50000x128xi32, #tpu.memory_space<hbm>>) dst(%dma_wait3A_303 : memref<128x128xi32, #tpu.memory_space<vmem>>)
    %parallel_loop3A_312 = arith.constant 64 : i32
    %parallel_loop3A_313 = arith.constant 128 : i32
    %parallel_loop3A_314 = arith.constant 1 : i32
    scf.for %parallel_loop3A_441 = %parallel_loop3A_312 to %parallel_loop3A_313 step %parallel_loop3A_314  : i32 {
      %parallel_loop3A_442 = arith.constant 2 : i32
      %parallel_loop3A_443 = arith.muli %parallel_loop3A_442, %parallel_loop3A_441 : i32
      %parallel_loop3A_444 = arith.index_cast %parallel_loop3A_443 : i32 to index
      %parallel_loop3A_445 = tpu.vector_load %arg5[%parallel_loop3A_444] {strides = array<i32>} : memref<528xi32, #tpu.memory_space<vmem>>, vector<16xi32>,
      %parallel_loop3A_446 = vector.extract_strided_slice %parallel_loop3A_445 {offsets = [0], sizes = [1], strides = [1]} : vector<16xi32> to vector<1xi32>
      %parallel_loop3A_447 = vector.extract %parallel_loop3A_446[0] : i32 from vector<1xi32>
      %parallel_loop3A_448 = arith.constant 1 : i32
      %parallel_loop3A_449 = arith.andi %parallel_loop3A_447, %parallel_loop3A_448 : i32
      %parallel_loop3A_450 = arith.constant 4 : i32
      %parallel_loop3A_451 = arith.shli %parallel_loop3A_449, %parallel_loop3A_450 : i32
      %parallel_loop3A_452 = vector.extract_strided_slice %parallel_loop3A_445 {offsets = [1], sizes = [1], strides = [1]} : vector<16xi32> to vector<1xi32>
      %parallel_loop3A_453 = vector.extract %parallel_loop3A_452[0] : i32 from vector<1xi32>
      %parallel_loop3A_454 = arith.constant 1 : i32
      %parallel_loop3A_455 = arith.andi %parallel_loop3A_453, %parallel_loop3A_454 : i32
      %parallel_loop3A_456 = arith.constant 4 : i32
      %parallel_loop3A_457 = arith.shli %parallel_loop3A_455, %parallel_loop3A_456 : i32
      %parallel_loop3A_458 = arith.constant 2 : i32
      %parallel_loop3A_459 = arith.muli %parallel_loop3A_458, %parallel_loop3A_441 : i32
      %parallel_loop3A_460 = arith.index_cast %parallel_loop3A_459 : i32 to index
      %parallel_loop3A_461 = arith.constant 0 : index
      %parallel_loop3A_462 = tpu.vector_load %arg7[%parallel_loop3A_460, %parallel_loop3A_461] {strides = array<i32>} : memref<512x128xi32, #tpu.memory_space<vmem>>, vector<16xi32>,
      %parallel_loop3A_463 = arith.constant 2 : i32
      %parallel_loop3A_464 = arith.muli %parallel_loop3A_463, %parallel_loop3A_441 : i32
      %parallel_loop3A_465 = arith.constant 1 : i32
      %parallel_loop3A_466 = arith.addi %parallel_loop3A_464, %parallel_loop3A_465 : i32
      %parallel_loop3A_467 = arith.index_cast %parallel_loop3A_466 : i32 to index
      %parallel_loop3A_468 = arith.constant 0 : index
      %parallel_loop3A_469 = tpu.vector_load %arg7[%parallel_loop3A_467, %parallel_loop3A_468] {strides = array<i32>} : memref<512x128xi32, #tpu.memory_space<vmem>>, vector<16xi32>,
      %parallel_loop3A_470 = vector.broadcast %parallel_loop3A_451 : i32 to vector<16xi32>
      %parallel_loop3A_471 = arith.shrui %parallel_loop3A_462, %parallel_loop3A_470 : vector<16xi32>
      %parallel_loop3A_472 = vector.broadcast %parallel_loop3A_457 : i32 to vector<16xi32>
      %parallel_loop3A_473 = arith.shrui %parallel_loop3A_469, %parallel_loop3A_472 : vector<16xi32>
      %parallel_loop3A_474 = tpu.pack_subelements %parallel_loop3A_471, %parallel_loop3A_473 {pack_format = #tpu.pack_format<interleaved>, positions = array<i32: 0, 1>} : vector<16xi32>, vector<16xi32> -> vector<32xi16>
      %parallel_loop3A_475 = vector.bitcast %parallel_loop3A_474 : vector<32xi16> to vector<16xi32>
      %parallel_loop3A_476 = arith.index_cast %parallel_loop3A_441 : i32 to index
      %parallel_loop3A_477 = arith.constant 0 : index
      %parallel_loop3A_478 = tpu.vector_load %arg8[%parallel_loop3A_476, %parallel_loop3A_477] {strides = array<i32>} : memref<256x128xi32, #tpu.memory_space<vmem>>, vector<16xi32>,
      tpu.vector_store %arg8[%parallel_loop3A_476, %parallel_loop3A_477], %parallel_loop3A_475 {strides = array<i32>} : memref<256x128xi32, #tpu.memory_space<vmem>>, vector<16xi32>,
      %parallel_loop3A_479 = arith.constant 2 : i32
      %parallel_loop3A_480 = arith.muli %parallel_loop3A_479, %parallel_loop3A_441 : i32
      %parallel_loop3A_481 = arith.index_cast %parallel_loop3A_480 : i32 to index
      %parallel_loop3A_482 = arith.constant 16 : index
      %parallel_loop3A_483 = tpu.vector_load %arg7[%parallel_loop3A_481, %parallel_loop3A_482] {strides = array<i32>} : memref<512x128xi32, #tpu.memory_space<vmem>>, vector<16xi32>,
      %parallel_loop3A_484 = arith.constant 2 : i32
      %parallel_loop3A_485 = arith.muli %parallel_loop3A_484, %parallel_loop3A_441 : i32
      %parallel_loop3A_486 = arith.constant 1 : i32
      %parallel_loop3A_487 = arith.addi %parallel_loop3A_485, %parallel_loop3A_486 : i32
      %parallel_loop3A_488 = arith.index_cast %parallel_loop3A_487 : i32 to index
      %parallel_loop3A_489 = arith.constant 16 : index
      %parallel_loop3A_490 = tpu.vector_load %arg7[%parallel_loop3A_488, %parallel_loop3A_489] {strides = array<i32>} : memref<512x128xi32, #tpu.memory_space<vmem>>, vector<16xi32>,
      %parallel_loop3A_491 = vector.broadcast %parallel_loop3A_451 : i32 to vector<16xi32>
      %parallel_loop3A_492 = arith.shrui %parallel_loop3A_483, %parallel_loop3A_491 : vector<16xi32>
      %parallel_loop3A_493 = vector.broadcast %parallel_loop3A_457 : i32 to vector<16xi32>
      %parallel_loop3A_494 = arith.shrui %parallel_loop3A_490, %parallel_loop3A_493 : vector<16xi32>
      %parallel_loop3A_495 = tpu.pack_subelements %parallel_loop3A_492, %parallel_loop3A_494 {pack_format = #tpu.pack_format<interleaved>, positions = array<i32: 0, 1>} : vector<16xi32>, vector<16xi32> -> vector<32xi16>
      %parallel_loop3A_496 = vector.bitcast %parallel_loop3A_495 : vector<32xi16> to vector<16xi32>
      %parallel_loop3A_497 = arith.index_cast %parallel_loop3A_441 : i32 to index
      %parallel_loop3A_498 = arith.constant 16 : index
      %parallel_loop3A_499 = tpu.vector_load %arg8[%parallel_loop3A_497, %parallel_loop3A_498] {strides = array<i32>} : memref<256x128xi32, #tpu.memory_space<vmem>>, vector<16xi32>,
      tpu.vector_store %arg8[%parallel_loop3A_497, %parallel_loop3A_498], %parallel_loop3A_496 {strides = array<i32>} : memref<256x128xi32, #tpu.memory_space<vmem>>, vector<16xi32>,
      %parallel_loop3A_500 = arith.constant 2 : i32
      %parallel_loop3A_501 = arith.muli %parallel_loop3A_500, %parallel_loop3A_441 : i32
      %parallel_loop3A_502 = arith.index_cast %parallel_loop3A_501 : i32 to index
      %parallel_loop3A_503 = arith.constant 32 : index
      %parallel_loop3A_504 = tpu.vector_load %arg7[%parallel_loop3A_502, %parallel_loop3A_503] {strides = array<i32>} : memref<512x128xi32, #tpu.memory_space<vmem>>, vector<16xi32>,
      %parallel_loop3A_505 = arith.constant 2 : i32
      %parallel_loop3A_506 = arith.muli %parallel_loop3A_505, %parallel_loop3A_441 : i32
      %parallel_loop3A_507 = arith.constant 1 : i32
      %parallel_loop3A_508 = arith.addi %parallel_loop3A_506, %parallel_loop3A_507 : i32
      %parallel_loop3A_509 = arith.index_cast %parallel_loop3A_508 : i32 to index
      %parallel_loop3A_510 = arith.constant 32 : index
      %parallel_loop3A_511 = tpu.vector_load %arg7[%parallel_loop3A_509, %parallel_loop3A_510] {strides = array<i32>} : memref<512x128xi32, #tpu.memory_space<vmem>>, vector<16xi32>,
      %parallel_loop3A_512 = vector.broadcast %parallel_loop3A_451 : i32 to vector<16xi32>
      %parallel_loop3A_513 = arith.shrui %parallel_loop3A_504, %parallel_loop3A_512 : vector<16xi32>
      %parallel_loop3A_514 = vector.broadcast %parallel_loop3A_457 : i32 to vector<16xi32>
      %parallel_loop3A_515 = arith.shrui %parallel_loop3A_511, %parallel_loop3A_514 : vector<16xi32>
      %parallel_loop3A_516 = tpu.pack_subelements %parallel_loop3A_513, %parallel_loop3A_515 {pack_format = #tpu.pack_format<interleaved>, positions = array<i32: 0, 1>} : vector<16xi32>, vector<16xi32> -> vector<32xi16>
      %parallel_loop3A_517 = vector.bitcast %parallel_loop3A_516 : vector<32xi16> to vector<16xi32>
      %parallel_loop3A_518 = arith.index_cast %parallel_loop3A_441 : i32 to index
      %parallel_loop3A_519 = arith.constant 32 : index
      %parallel_loop3A_520 = tpu.vector_load %arg8[%parallel_loop3A_518, %parallel_loop3A_519] {strides = array<i32>} : memref<256x128xi32, #tpu.memory_space<vmem>>, vector<16xi32>,
      tpu.vector_store %arg8[%parallel_loop3A_518, %parallel_loop3A_519], %parallel_loop3A_517 {strides = array<i32>} : memref<256x128xi32, #tpu.memory_space<vmem>>, vector<16xi32>,
      %parallel_loop3A_521 = arith.constant 2 : i32
      %parallel_loop3A_522 = arith.muli %parallel_loop3A_521, %parallel_loop3A_441 : i32
      %parallel_loop3A_523 = arith.index_cast %parallel_loop3A_522 : i32 to index
      %parallel_loop3A_524 = arith.constant 48 : index
      %parallel_loop3A_525 = tpu.vector_load %arg7[%parallel_loop3A_523, %parallel_loop3A_524] {strides = array<i32>} : memref<512x128xi32, #tpu.memory_space<vmem>>, vector<16xi32>,
      %parallel_loop3A_526 = arith.constant 2 : i32
      %parallel_loop3A_527 = arith.muli %parallel_loop3A_526, %parallel_loop3A_441 : i32
      %parallel_loop3A_528 = arith.constant 1 : i32
      %parallel_loop3A_529 = arith.addi %parallel_loop3A_527, %parallel_loop3A_528 : i32
      %parallel_loop3A_530 = arith.index_cast %parallel_loop3A_529 : i32 to index
      %parallel_loop3A_531 = arith.constant 48 : index
      %parallel_loop3A_532 = tpu.vector_load %arg7[%parallel_loop3A_530, %parallel_loop3A_531] {strides = array<i32>} : memref<512x128xi32, #tpu.memory_space<vmem>>, vector<16xi32>,
      %parallel_loop3A_533 = vector.broadcast %parallel_loop3A_451 : i32 to vector<16xi32>
      %parallel_loop3A_534 = arith.shrui %parallel_loop3A_525, %parallel_loop3A_533 : vector<16xi32>
      %parallel_loop3A_535 = vector.broadcast %parallel_loop3A_457 : i32 to vector<16xi32>
      %parallel_loop3A_536 = arith.shrui %parallel_loop3A_532, %parallel_loop3A_535 : vector<16xi32>
      %parallel_loop3A_537 = tpu.pack_subelements %parallel_loop3A_534, %parallel_loop3A_536 {pack_format = #tpu.pack_format<interleaved>, positions = array<i32: 0, 1>} : vector<16xi32>, vector<16xi32> -> vector<32xi16>
      %parallel_loop3A_538 = vector.bitcast %parallel_loop3A_537 : vector<32xi16> to vector<16xi32>
      %parallel_loop3A_539 = arith.index_cast %parallel_loop3A_441 : i32 to index
      %parallel_loop3A_540 = arith.constant 48 : index
      %parallel_loop3A_541 = tpu.vector_load %arg8[%parallel_loop3A_539, %parallel_loop3A_540] {strides = array<i32>} : memref<256x128xi32, #tpu.memory_space<vmem>>, vector<16xi32>,
      tpu.vector_store %arg8[%parallel_loop3A_539, %parallel_loop3A_540], %parallel_loop3A_538 {strides = array<i32>} : memref<256x128xi32, #tpu.memory_space<vmem>>, vector<16xi32>,
      %parallel_loop3A_542 = arith.constant 2 : i32
      %parallel_loop3A_543 = arith.muli %parallel_loop3A_542, %parallel_loop3A_441 : i32
      %parallel_loop3A_544 = arith.index_cast %parallel_loop3A_543 : i32 to index
      %parallel_loop3A_545 = arith.constant 64 : index
      %parallel_loop3A_546 = tpu.vector_load %arg7[%parallel_loop3A_544, %parallel_loop3A_545] {strides = array<i32>} : memref<512x128xi32, #tpu.memory_space<vmem>>, vector<16xi32>,
      %parallel_loop3A_547 = arith.constant 2 : i32
      %parallel_loop3A_548 = arith.muli %parallel_loop3A_547, %parallel_loop3A_441 : i32
      %parallel_loop3A_549 = arith.constant 1 : i32
      %parallel_loop3A_550 = arith.addi %parallel_loop3A_548, %parallel_loop3A_549 : i32
      %parallel_loop3A_551 = arith.index_cast %parallel_loop3A_550 : i32 to index
      %parallel_loop3A_552 = arith.constant 64 : index
      %parallel_loop3A_553 = tpu.vector_load %arg7[%parallel_loop3A_551, %parallel_loop3A_552] {strides = array<i32>} : memref<512x128xi32, #tpu.memory_space<vmem>>, vector<16xi32>,
      %parallel_loop3A_554 = vector.broadcast %parallel_loop3A_451 : i32 to vector<16xi32>
      %parallel_loop3A_555 = arith.shrui %parallel_loop3A_546, %parallel_loop3A_554 : vector<16xi32>
      %parallel_loop3A_556 = vector.broadcast %parallel_loop3A_457 : i32 to vector<16xi32>
      %parallel_loop3A_557 = arith.shrui %parallel_loop3A_553, %parallel_loop3A_556 : vector<16xi32>
      %parallel_loop3A_558 = tpu.pack_subelements %parallel_loop3A_555, %parallel_loop3A_557 {pack_format = #tpu.pack_format<interleaved>, positions = array<i32: 0, 1>} : vector<16xi32>, vector<16xi32> -> vector<32xi16>
      %parallel_loop3A_559 = vector.bitcast %parallel_loop3A_558 : vector<32xi16> to vector<16xi32>
      %parallel_loop3A_560 = arith.index_cast %parallel_loop3A_441 : i32 to index
      %parallel_loop3A_561 = arith.constant 64 : index
      %parallel_loop3A_562 = tpu.vector_load %arg8[%parallel_loop3A_560, %parallel_loop3A_561] {strides = array<i32>} : memref<256x128xi32, #tpu.memory_space<vmem>>, vector<16xi32>,
      tpu.vector_store %arg8[%parallel_loop3A_560, %parallel_loop3A_561], %parallel_loop3A_559 {strides = array<i32>} : memref<256x128xi32, #tpu.memory_space<vmem>>, vector<16xi32>,
      %parallel_loop3A_563 = arith.constant 2 : i32
      %parallel_loop3A_564 = arith.muli %parallel_loop3A_563, %parallel_loop3A_441 : i32
      %parallel_loop3A_565 = arith.index_cast %parallel_loop3A_564 : i32 to index
      %parallel_loop3A_566 = arith.constant 80 : index
      %parallel_loop3A_567 = tpu.vector_load %arg7[%parallel_loop3A_565, %parallel_loop3A_566] {strides = array<i32>} : memref<512x128xi32, #tpu.memory_space<vmem>>, vector<16xi32>,
      %parallel_loop3A_568 = arith.constant 2 : i32
      %parallel_loop3A_569 = arith.muli %parallel_loop3A_568, %parallel_loop3A_441 : i32
      %parallel_loop3A_570 = arith.constant 1 : i32
      %parallel_loop3A_571 = arith.addi %parallel_loop3A_569, %parallel_loop3A_570 : i32
      %parallel_loop3A_572 = arith.index_cast %parallel_loop3A_571 : i32 to index
      %parallel_loop3A_573 = arith.constant 80 : index
      %parallel_loop3A_574 = tpu.vector_load %arg7[%parallel_loop3A_572, %parallel_loop3A_573] {strides = array<i32>} : memref<512x128xi32, #tpu.memory_space<vmem>>, vector<16xi32>,
      %parallel_loop3A_575 = vector.broadcast %parallel_loop3A_451 : i32 to vector<16xi32>
      %parallel_loop3A_576 = arith.shrui %parallel_loop3A_567, %parallel_loop3A_575 : vector<16xi32>
      %parallel_loop3A_577 = vector.broadcast %parallel_loop3A_457 : i32 to vector<16xi32>
      %parallel_loop3A_578 = arith.shrui %parallel_loop3A_574, %parallel_loop3A_577 : vector<16xi32>
      %parallel_loop3A_579 = tpu.pack_subelements %parallel_loop3A_576, %parallel_loop3A_578 {pack_format = #tpu.pack_format<interleaved>, positions = array<i32: 0, 1>} : vector<16xi32>, vector<16xi32> -> vector<32xi16>
      %parallel_loop3A_580 = vector.bitcast %parallel_loop3A_579 : vector<32xi16> to vector<16xi32>
      %parallel_loop3A_581 = arith.index_cast %parallel_loop3A_441 : i32 to index
      %parallel_loop3A_582 = arith.constant 80 : index
      %parallel_loop3A_583 = tpu.vector_load %arg8[%parallel_loop3A_581, %parallel_loop3A_582] {strides = array<i32>} : memref<256x128xi32, #tpu.memory_space<vmem>>, vector<16xi32>,
      tpu.vector_store %arg8[%parallel_loop3A_581, %parallel_loop3A_582], %parallel_loop3A_580 {strides = array<i32>} : memref<256x128xi32, #tpu.memory_space<vmem>>, vector<16xi32>,
      %parallel_loop3A_584 = arith.constant 2 : i32
      %parallel_loop3A_585 = arith.muli %parallel_loop3A_584, %parallel_loop3A_441 : i32
      %parallel_loop3A_586 = arith.index_cast %parallel_loop3A_585 : i32 to index
      %parallel_loop3A_587 = arith.constant 96 : index
      %parallel_loop3A_588 = tpu.vector_load %arg7[%parallel_loop3A_586, %parallel_loop3A_587] {strides = array<i32>} : memref<512x128xi32, #tpu.memory_space<vmem>>, vector<16xi32>,
      %parallel_loop3A_589 = arith.constant 2 : i32
      %parallel_loop3A_590 = arith.muli %parallel_loop3A_589, %parallel_loop3A_441 : i32
      %parallel_loop3A_591 = arith.constant 1 : i32
      %parallel_loop3A_592 = arith.addi %parallel_loop3A_590, %parallel_loop3A_591 : i32
      %parallel_loop3A_593 = arith.index_cast %parallel_loop3A_592 : i32 to index
      %parallel_loop3A_594 = arith.constant 96 : index
      %parallel_loop3A_595 = tpu.vector_load %arg7[%parallel_loop3A_593, %parallel_loop3A_594] {strides = array<i32>} : memref<512x128xi32, #tpu.memory_space<vmem>>, vector<16xi32>,
      %parallel_loop3A_596 = vector.broadcast %parallel_loop3A_451 : i32 to vector<16xi32>
      %parallel_loop3A_597 = arith.shrui %parallel_loop3A_588, %parallel_loop3A_596 : vector<16xi32>
      %parallel_loop3A_598 = vector.broadcast %parallel_loop3A_457 : i32 to vector<16xi32>
      %parallel_loop3A_599 = arith.shrui %parallel_loop3A_595, %parallel_loop3A_598 : vector<16xi32>
      %parallel_loop3A_600 = tpu.pack_subelements %parallel_loop3A_597, %parallel_loop3A_599 {pack_format = #tpu.pack_format<interleaved>, positions = array<i32: 0, 1>} : vector<16xi32>, vector<16xi32> -> vector<32xi16>
      %parallel_loop3A_601 = vector.bitcast %parallel_loop3A_600 : vector<32xi16> to vector<16xi32>
      %parallel_loop3A_602 = arith.index_cast %parallel_loop3A_441 : i32 to index
      %parallel_loop3A_603 = arith.constant 96 : index
      %parallel_loop3A_604 = tpu.vector_load %arg8[%parallel_loop3A_602, %parallel_loop3A_603] {strides = array<i32>} : memref<256x128xi32, #tpu.memory_space<vmem>>, vector<16xi32>,
      tpu.vector_store %arg8[%parallel_loop3A_602, %parallel_loop3A_603], %parallel_loop3A_601 {strides = array<i32>} : memref<256x128xi32, #tpu.memory_space<vmem>>, vector<16xi32>,
      %parallel_loop3A_605 = arith.constant 2 : i32
      %parallel_loop3A_606 = arith.muli %parallel_loop3A_605, %parallel_loop3A_441 : i32
      %parallel_loop3A_607 = arith.index_cast %parallel_loop3A_606 : i32 to index
      %parallel_loop3A_608 = arith.constant 112 : index
      %parallel_loop3A_609 = tpu.vector_load %arg7[%parallel_loop3A_607, %parallel_loop3A_608] {strides = array<i32>} : memref<512x128xi32, #tpu.memory_space<vmem>>, vector<16xi32>,
      %parallel_loop3A_610 = arith.constant 2 : i32
      %parallel_loop3A_611 = arith.muli %parallel_loop3A_610, %parallel_loop3A_441 : i32
      %parallel_loop3A_612 = arith.constant 1 : i32
      %parallel_loop3A_613 = arith.addi %parallel_loop3A_611, %parallel_loop3A_612 : i32
      %parallel_loop3A_614 = arith.index_cast %parallel_loop3A_613 : i32 to index
      %parallel_loop3A_615 = arith.constant 112 : index
      %parallel_loop3A_616 = tpu.vector_load %arg7[%parallel_loop3A_614, %parallel_loop3A_615] {strides = array<i32>} : memref<512x128xi32, #tpu.memory_space<vmem>>, vector<16xi32>,
      %parallel_loop3A_617 = vector.broadcast %parallel_loop3A_451 : i32 to vector<16xi32>
      %parallel_loop3A_618 = arith.shrui %parallel_loop3A_609, %parallel_loop3A_617 : vector<16xi32>
      %parallel_loop3A_619 = vector.broadcast %parallel_loop3A_457 : i32 to vector<16xi32>
      %parallel_loop3A_620 = arith.shrui %parallel_loop3A_616, %parallel_loop3A_619 : vector<16xi32>
      %parallel_loop3A_621 = tpu.pack_subelements %parallel_loop3A_618, %parallel_loop3A_620 {pack_format = #tpu.pack_format<interleaved>, positions = array<i32: 0, 1>} : vector<16xi32>, vector<16xi32> -> vector<32xi16>
      %parallel_loop3A_622 = vector.bitcast %parallel_loop3A_621 : vector<32xi16> to vector<16xi32>
      %parallel_loop3A_623 = arith.index_cast %parallel_loop3A_441 : i32 to index
      %parallel_loop3A_624 = arith.constant 112 : index
      %parallel_loop3A_625 = tpu.vector_load %arg8[%parallel_loop3A_623, %parallel_loop3A_624] {strides = array<i32>} : memref<256x128xi32, #tpu.memory_space<vmem>>, vector<16xi32>,
      tpu.vector_store %arg8[%parallel_loop3A_623, %parallel_loop3A_624], %parallel_loop3A_622 {strides = array<i32>} : memref<256x128xi32, #tpu.memory_space<vmem>>, vector<16xi32>,
    } {sc.loop_unroll_factor = 2 : i64, sc.parallel_access}
    %mul3A_315 = arith.constant 256 : i32
    %mul3A_316 = arith.muli %add3A, %mul3A_315 : i32
    %add3A_317 = arith.constant 64 : i32
    %add3A_318 = arith.addi %mul3A_316, %add3A_317 : i32
    %dma_start3A_319 = arith.constant 64 : i32
    %dma_start3A_320 = arith.constant 0 : i32
    %dma_start3A_321 = tpu.memref_slice %arg8[%dma_start3A_319, %dma_start3A_320] : memref<256x128xi32, #tpu.memory_space<vmem>> -> memref<64x128xi32, #tpu.memory_space<vmem>>
    %dma_start3A_322 = tpu.memref_bitcast %arg4 : memref<16384x128xbf16, #tpu.memory_space<hbm>> -> memref<8192x128xi32, #tpu.memory_space<hbm>>
    %dma_start3A_323 = arith.constant 0 : i32
    %dma_start3A_324 = tpu.memref_slice %dma_start3A_322[%add3A_318, %dma_start3A_323] : memref<8192x128xi32, #tpu.memory_space<hbm>> -> memref<64x128xi32, #tpu.memory_space<hbm>>
    %dma_start3A_325 = tpu.memref_bitcast %arg4 : memref<16384x128xbf16, #tpu.memory_space<hbm>> -> memref<8192x128xi32, #tpu.memory_space<hbm>>
    %dma_start3A_326 = arith.constant 0 : i32
    %dma_start3A_327 = tpu.memref_slice %dma_start3A_325[%add3A_318, %dma_start3A_326] : memref<8192x128xi32, #tpu.memory_space<hbm>> -> memref<64x128xi32, #tpu.memory_space<hbm>>
    %dma_start3A_328 = arith.constant 64 : i32
    %dma_start3A_329 = arith.constant 0 : i32
    %dma_start3A_330 = tpu.memref_slice %arg8[%dma_start3A_328, %dma_start3A_329] : memref<256x128xi32, #tpu.memory_space<vmem>> -> memref<64x128xi32, #tpu.memory_space<vmem>>
    tpu.enqueue_dma source(%dma_start3A_330 : memref<64x128xi32, #tpu.memory_space<vmem>>) target(%dma_start3A_327 : memref<64x128xi32, #tpu.memory_space<hbm>>) target_semaphore(%arg10 : memref<!tpu.dma_semaphore, #tpu.memory_space<semaphore_mem>>)
    %dma_wait3A_331 = arith.constant 2 : i32
    %dma_wait3A_332 = arith.constant 256 : i32
    %dma_wait3A_333 = arith.constant 0 : i32
    %dma_wait3A_334 = tpu.memref_slice %arg7[%dma_wait3A_332, %dma_wait3A_333] : memref<512x128xi32, #tpu.memory_space<vmem>> -> memref<128x128xi32, #tpu.memory_space<vmem>>
    %dma_wait3A_335 = arith.constant 256 : i32
    %dma_wait3A_336 = tpu.memref_slice %arg6[%dma_wait3A_335] : memref<512xi32, #tpu.memory_space<vmem>> -> memref<128xi32, #tpu.memory_space<vmem>>
    %dma_wait3A_337 = tpu.memref_bitcast %arg2 : memref<100000x128xbf16, #tpu.memory_space<hbm>> -> memref<50000x128xi32, #tpu.memory_space<hbm>>
    %dma_wait3A_338 = arith.constant 0 : i32
    %dma_wait3A_339 = arith.constant 0 : i32
    %dma_wait3A_340 = tpu.memref_slice %dma_wait3A_337[%dma_wait3A_338, %dma_wait3A_339] : memref<50000x128xi32, #tpu.memory_space<hbm>> -> memref<50000x128xi32, #tpu.memory_space<hbm>>
    %dma_wait3A_341 = tpu.memref_slice %arg9[%dma_wait3A_331] : memref<3x!tpu.dma_semaphore, #tpu.memory_space<semaphore_mem>> -> memref<1x!tpu.dma_semaphore, #tpu.memory_space<semaphore_mem>>
    %dma_wait3A_342 = tpu.memref_squeeze %dma_wait3A_341 : memref<1x!tpu.dma_semaphore, #tpu.memory_space<semaphore_mem>> -> memref<!tpu.dma_semaphore, #tpu.memory_space<semaphore_mem>>
    tpu.wait_indirect_dma semaphore(%dma_wait3A_342 : memref<!tpu.dma_semaphore, #tpu.memory_space<semaphore_mem>>) src(%dma_wait3A_340 : memref<50000x128xi32, #tpu.memory_space<hbm>>) dst(%dma_wait3A_334 : memref<128x128xi32, #tpu.memory_space<vmem>>)
    %parallel_loop3A_343 = arith.constant 128 : i32
    %parallel_loop3A_344 = arith.constant 192 : i32
    %parallel_loop3A_345 = arith.constant 1 : i32
    scf.for %parallel_loop3A_441 = %parallel_loop3A_343 to %parallel_loop3A_344 step %parallel_loop3A_345  : i32 {
      %parallel_loop3A_442 = arith.constant 2 : i32
      %parallel_loop3A_443 = arith.muli %parallel_loop3A_442, %parallel_loop3A_441 : i32
      %parallel_loop3A_444 = arith.index_cast %parallel_loop3A_443 : i32 to index
      %parallel_loop3A_445 = tpu.vector_load %arg5[%parallel_loop3A_444] {strides = array<i32>} : memref<528xi32, #tpu.memory_space<vmem>>, vector<16xi32>,
      %parallel_loop3A_446 = vector.extract_strided_slice %parallel_loop3A_445 {offsets = [0], sizes = [1], strides = [1]} : vector<16xi32> to vector<1xi32>
      %parallel_loop3A_447 = vector.extract %parallel_loop3A_446[0] : i32 from vector<1xi32>
      %parallel_loop3A_448 = arith.constant 1 : i32
      %parallel_loop3A_449 = arith.andi %parallel_loop3A_447, %parallel_loop3A_448 : i32
      %parallel_loop3A_450 = arith.constant 4 : i32
      %parallel_loop3A_451 = arith.shli %parallel_loop3A_449, %parallel_loop3A_450 : i32
      %parallel_loop3A_452 = vector.extract_strided_slice %parallel_loop3A_445 {offsets = [1], sizes = [1], strides = [1]} : vector<16xi32> to vector<1xi32>
      %parallel_loop3A_453 = vector.extract %parallel_loop3A_452[0] : i32 from vector<1xi32>
      %parallel_loop3A_454 = arith.constant 1 : i32
      %parallel_loop3A_455 = arith.andi %parallel_loop3A_453, %parallel_loop3A_454 : i32
      %parallel_loop3A_456 = arith.constant 4 : i32
      %parallel_loop3A_457 = arith.shli %parallel_loop3A_455, %parallel_loop3A_456 : i32
      %parallel_loop3A_458 = arith.constant 2 : i32
      %parallel_loop3A_459 = arith.muli %parallel_loop3A_458, %parallel_loop3A_441 : i32
      %parallel_loop3A_460 = arith.index_cast %parallel_loop3A_459 : i32 to index
      %parallel_loop3A_461 = arith.constant 0 : index
      %parallel_loop3A_462 = tpu.vector_load %arg7[%parallel_loop3A_460, %parallel_loop3A_461] {strides = array<i32>} : memref<512x128xi32, #tpu.memory_space<vmem>>, vector<16xi32>,
      %parallel_loop3A_463 = arith.constant 2 : i32
      %parallel_loop3A_464 = arith.muli %parallel_loop3A_463, %parallel_loop3A_441 : i32
      %parallel_loop3A_465 = arith.constant 1 : i32
      %parallel_loop3A_466 = arith.addi %parallel_loop3A_464, %parallel_loop3A_465 : i32
      %parallel_loop3A_467 = arith.index_cast %parallel_loop3A_466 : i32 to index
      %parallel_loop3A_468 = arith.constant 0 : index
      %parallel_loop3A_469 = tpu.vector_load %arg7[%parallel_loop3A_467, %parallel_loop3A_468] {strides = array<i32>} : memref<512x128xi32, #tpu.memory_space<vmem>>, vector<16xi32>,
      %parallel_loop3A_470 = vector.broadcast %parallel_loop3A_451 : i32 to vector<16xi32>
      %parallel_loop3A_471 = arith.shrui %parallel_loop3A_462, %parallel_loop3A_470 : vector<16xi32>
      %parallel_loop3A_472 = vector.broadcast %parallel_loop3A_457 : i32 to vector<16xi32>
      %parallel_loop3A_473 = arith.shrui %parallel_loop3A_469, %parallel_loop3A_472 : vector<16xi32>
      %parallel_loop3A_474 = tpu.pack_subelements %parallel_loop3A_471, %parallel_loop3A_473 {pack_format = #tpu.pack_format<interleaved>, positions = array<i32: 0, 1>} : vector<16xi32>, vector<16xi32> -> vector<32xi16>
      %parallel_loop3A_475 = vector.bitcast %parallel_loop3A_474 : vector<32xi16> to vector<16xi32>
      %parallel_loop3A_476 = arith.index_cast %parallel_loop3A_441 : i32 to index
      %parallel_loop3A_477 = arith.constant 0 : index
      %parallel_loop3A_478 = tpu.vector_load %arg8[%parallel_loop3A_476, %parallel_loop3A_477] {strides = array<i32>} : memref<256x128xi32, #tpu.memory_space<vmem>>, vector<16xi32>,
      tpu.vector_store %arg8[%parallel_loop3A_476, %parallel_loop3A_477], %parallel_loop3A_475 {strides = array<i32>} : memref<256x128xi32, #tpu.memory_space<vmem>>, vector<16xi32>,
      %parallel_loop3A_479 = arith.constant 2 : i32
      %parallel_loop3A_480 = arith.muli %parallel_loop3A_479, %parallel_loop3A_441 : i32
      %parallel_loop3A_481 = arith.index_cast %parallel_loop3A_480 : i32 to index
      %parallel_loop3A_482 = arith.constant 16 : index
      %parallel_loop3A_483 = tpu.vector_load %arg7[%parallel_loop3A_481, %parallel_loop3A_482] {strides = array<i32>} : memref<512x128xi32, #tpu.memory_space<vmem>>, vector<16xi32>,
      %parallel_loop3A_484 = arith.constant 2 : i32
      %parallel_loop3A_485 = arith.muli %parallel_loop3A_484, %parallel_loop3A_441 : i32
      %parallel_loop3A_486 = arith.constant 1 : i32
      %parallel_loop3A_487 = arith.addi %parallel_loop3A_485, %parallel_loop3A_486 : i32
      %parallel_loop3A_488 = arith.index_cast %parallel_loop3A_487 : i32 to index
      %parallel_loop3A_489 = arith.constant 16 : index
      %parallel_loop3A_490 = tpu.vector_load %arg7[%parallel_loop3A_488, %parallel_loop3A_489] {strides = array<i32>} : memref<512x128xi32, #tpu.memory_space<vmem>>, vector<16xi32>,
      %parallel_loop3A_491 = vector.broadcast %parallel_loop3A_451 : i32 to vector<16xi32>
      %parallel_loop3A_492 = arith.shrui %parallel_loop3A_483, %parallel_loop3A_491 : vector<16xi32>
      %parallel_loop3A_493 = vector.broadcast %parallel_loop3A_457 : i32 to vector<16xi32>
      %parallel_loop3A_494 = arith.shrui %parallel_loop3A_490, %parallel_loop3A_493 : vector<16xi32>
      %parallel_loop3A_495 = tpu.pack_subelements %parallel_loop3A_492, %parallel_loop3A_494 {pack_format = #tpu.pack_format<interleaved>, positions = array<i32: 0, 1>} : vector<16xi32>, vector<16xi32> -> vector<32xi16>
      %parallel_loop3A_496 = vector.bitcast %parallel_loop3A_495 : vector<32xi16> to vector<16xi32>
      %parallel_loop3A_497 = arith.index_cast %parallel_loop3A_441 : i32 to index
      %parallel_loop3A_498 = arith.constant 16 : index
      %parallel_loop3A_499 = tpu.vector_load %arg8[%parallel_loop3A_497, %parallel_loop3A_498] {strides = array<i32>} : memref<256x128xi32, #tpu.memory_space<vmem>>, vector<16xi32>,
      tpu.vector_store %arg8[%parallel_loop3A_497, %parallel_loop3A_498], %parallel_loop3A_496 {strides = array<i32>} : memref<256x128xi32, #tpu.memory_space<vmem>>, vector<16xi32>,
      %parallel_loop3A_500 = arith.constant 2 : i32
      %parallel_loop3A_501 = arith.muli %parallel_loop3A_500, %parallel_loop3A_441 : i32
      %parallel_loop3A_502 = arith.index_cast %parallel_loop3A_501 : i32 to index
      %parallel_loop3A_503 = arith.constant 32 : index
      %parallel_loop3A_504 = tpu.vector_load %arg7[%parallel_loop3A_502, %parallel_loop3A_503] {strides = array<i32>} : memref<512x128xi32, #tpu.memory_space<vmem>>, vector<16xi32>,
      %parallel_loop3A_505 = arith.constant 2 : i32
      %parallel_loop3A_506 = arith.muli %parallel_loop3A_505, %parallel_loop3A_441 : i32
      %parallel_loop3A_507 = arith.constant 1 : i32
      %parallel_loop3A_508 = arith.addi %parallel_loop3A_506, %parallel_loop3A_507 : i32
      %parallel_loop3A_509 = arith.index_cast %parallel_loop3A_508 : i32 to index
      %parallel_loop3A_510 = arith.constant 32 : index
      %parallel_loop3A_511 = tpu.vector_load %arg7[%parallel_loop3A_509, %parallel_loop3A_510] {strides = array<i32>} : memref<512x128xi32, #tpu.memory_space<vmem>>, vector<16xi32>,
      %parallel_loop3A_512 = vector.broadcast %parallel_loop3A_451 : i32 to vector<16xi32>
      %parallel_loop3A_513 = arith.shrui %parallel_loop3A_504, %parallel_loop3A_512 : vector<16xi32>
      %parallel_loop3A_514 = vector.broadcast %parallel_loop3A_457 : i32 to vector<16xi32>
      %parallel_loop3A_515 = arith.shrui %parallel_loop3A_511, %parallel_loop3A_514 : vector<16xi32>
      %parallel_loop3A_516 = tpu.pack_subelements %parallel_loop3A_513, %parallel_loop3A_515 {pack_format = #tpu.pack_format<interleaved>, positions = array<i32: 0, 1>} : vector<16xi32>, vector<16xi32> -> vector<32xi16>
      %parallel_loop3A_517 = vector.bitcast %parallel_loop3A_516 : vector<32xi16> to vector<16xi32>
      %parallel_loop3A_518 = arith.index_cast %parallel_loop3A_441 : i32 to index
      %parallel_loop3A_519 = arith.constant 32 : index
      %parallel_loop3A_520 = tpu.vector_load %arg8[%parallel_loop3A_518, %parallel_loop3A_519] {strides = array<i32>} : memref<256x128xi32, #tpu.memory_space<vmem>>, vector<16xi32>,
      tpu.vector_store %arg8[%parallel_loop3A_518, %parallel_loop3A_519], %parallel_loop3A_517 {strides = array<i32>} : memref<256x128xi32, #tpu.memory_space<vmem>>, vector<16xi32>,
      %parallel_loop3A_521 = arith.constant 2 : i32
      %parallel_loop3A_522 = arith.muli %parallel_loop3A_521, %parallel_loop3A_441 : i32
      %parallel_loop3A_523 = arith.index_cast %parallel_loop3A_522 : i32 to index
      %parallel_loop3A_524 = arith.constant 48 : index
      %parallel_loop3A_525 = tpu.vector_load %arg7[%parallel_loop3A_523, %parallel_loop3A_524] {strides = array<i32>} : memref<512x128xi32, #tpu.memory_space<vmem>>, vector<16xi32>,
      %parallel_loop3A_526 = arith.constant 2 : i32
      %parallel_loop3A_527 = arith.muli %parallel_loop3A_526, %parallel_loop3A_441 : i32
      %parallel_loop3A_528 = arith.constant 1 : i32
      %parallel_loop3A_529 = arith.addi %parallel_loop3A_527, %parallel_loop3A_528 : i32
      %parallel_loop3A_530 = arith.index_cast %parallel_loop3A_529 : i32 to index
      %parallel_loop3A_531 = arith.constant 48 : index
      %parallel_loop3A_532 = tpu.vector_load %arg7[%parallel_loop3A_530, %parallel_loop3A_531] {strides = array<i32>} : memref<512x128xi32, #tpu.memory_space<vmem>>, vector<16xi32>,
      %parallel_loop3A_533 = vector.broadcast %parallel_loop3A_451 : i32 to vector<16xi32>
      %parallel_loop3A_534 = arith.shrui %parallel_loop3A_525, %parallel_loop3A_533 : vector<16xi32>
      %parallel_loop3A_535 = vector.broadcast %parallel_loop3A_457 : i32 to vector<16xi32>
      %parallel_loop3A_536 = arith.shrui %parallel_loop3A_532, %parallel_loop3A_535 : vector<16xi32>
      %parallel_loop3A_537 = tpu.pack_subelements %parallel_loop3A_534, %parallel_loop3A_536 {pack_format = #tpu.pack_format<interleaved>, positions = array<i32: 0, 1>} : vector<16xi32>, vector<16xi32> -> vector<32xi16>
      %parallel_loop3A_538 = vector.bitcast %parallel_loop3A_537 : vector<32xi16> to vector<16xi32>
      %parallel_loop3A_539 = arith.index_cast %parallel_loop3A_441 : i32 to index
      %parallel_loop3A_540 = arith.constant 48 : index
      %parallel_loop3A_541 = tpu.vector_load %arg8[%parallel_loop3A_539, %parallel_loop3A_540] {strides = array<i32>} : memref<256x128xi32, #tpu.memory_space<vmem>>, vector<16xi32>,
      tpu.vector_store %arg8[%parallel_loop3A_539, %parallel_loop3A_540], %parallel_loop3A_538 {strides = array<i32>} : memref<256x128xi32, #tpu.memory_space<vmem>>, vector<16xi32>,
      %parallel_loop3A_542 = arith.constant 2 : i32
      %parallel_loop3A_543 = arith.muli %parallel_loop3A_542, %parallel_loop3A_441 : i32
      %parallel_loop3A_544 = arith.index_cast %parallel_loop3A_543 : i32 to index
      %parallel_loop3A_545 = arith.constant 64 : index
      %parallel_loop3A_546 = tpu.vector_load %arg7[%parallel_loop3A_544, %parallel_loop3A_545] {strides = array<i32>} : memref<512x128xi32, #tpu.memory_space<vmem>>, vector<16xi32>,
      %parallel_loop3A_547 = arith.constant 2 : i32
      %parallel_loop3A_548 = arith.muli %parallel_loop3A_547, %parallel_loop3A_441 : i32
      %parallel_loop3A_549 = arith.constant 1 : i32
      %parallel_loop3A_550 = arith.addi %parallel_loop3A_548, %parallel_loop3A_549 : i32
      %parallel_loop3A_551 = arith.index_cast %parallel_loop3A_550 : i32 to index
      %parallel_loop3A_552 = arith.constant 64 : index
      %parallel_loop3A_553 = tpu.vector_load %arg7[%parallel_loop3A_551, %parallel_loop3A_552] {strides = array<i32>} : memref<512x128xi32, #tpu.memory_space<vmem>>, vector<16xi32>,
      %parallel_loop3A_554 = vector.broadcast %parallel_loop3A_451 : i32 to vector<16xi32>
      %parallel_loop3A_555 = arith.shrui %parallel_loop3A_546, %parallel_loop3A_554 : vector<16xi32>
      %parallel_loop3A_556 = vector.broadcast %parallel_loop3A_457 : i32 to vector<16xi32>
      %parallel_loop3A_557 = arith.shrui %parallel_loop3A_553, %parallel_loop3A_556 : vector<16xi32>
      %parallel_loop3A_558 = tpu.pack_subelements %parallel_loop3A_555, %parallel_loop3A_557 {pack_format = #tpu.pack_format<interleaved>, positions = array<i32: 0, 1>} : vector<16xi32>, vector<16xi32> -> vector<32xi16>
      %parallel_loop3A_559 = vector.bitcast %parallel_loop3A_558 : vector<32xi16> to vector<16xi32>
      %parallel_loop3A_560 = arith.index_cast %parallel_loop3A_441 : i32 to index
      %parallel_loop3A_561 = arith.constant 64 : index
      %parallel_loop3A_562 = tpu.vector_load %arg8[%parallel_loop3A_560, %parallel_loop3A_561] {strides = array<i32>} : memref<256x128xi32, #tpu.memory_space<vmem>>, vector<16xi32>,
      tpu.vector_store %arg8[%parallel_loop3A_560, %parallel_loop3A_561], %parallel_loop3A_559 {strides = array<i32>} : memref<256x128xi32, #tpu.memory_space<vmem>>, vector<16xi32>,
      %parallel_loop3A_563 = arith.constant 2 : i32
      %parallel_loop3A_564 = arith.muli %parallel_loop3A_563, %parallel_loop3A_441 : i32
      %parallel_loop3A_565 = arith.index_cast %parallel_loop3A_564 : i32 to index
      %parallel_loop3A_566 = arith.constant 80 : index
      %parallel_loop3A_567 = tpu.vector_load %arg7[%parallel_loop3A_565, %parallel_loop3A_566] {strides = array<i32>} : memref<512x128xi32, #tpu.memory_space<vmem>>, vector<16xi32>,
      %parallel_loop3A_568 = arith.constant 2 : i32
      %parallel_loop3A_569 = arith.muli %parallel_loop3A_568, %parallel_loop3A_441 : i32
      %parallel_loop3A_570 = arith.constant 1 : i32
      %parallel_loop3A_571 = arith.addi %parallel_loop3A_569, %parallel_loop3A_570 : i32
      %parallel_loop3A_572 = arith.index_cast %parallel_loop3A_571 : i32 to index
      %parallel_loop3A_573 = arith.constant 80 : index
      %parallel_loop3A_574 = tpu.vector_load %arg7[%parallel_loop3A_572, %parallel_loop3A_573] {strides = array<i32>} : memref<512x128xi32, #tpu.memory_space<vmem>>, vector<16xi32>,
      %parallel_loop3A_575 = vector.broadcast %parallel_loop3A_451 : i32 to vector<16xi32>
      %parallel_loop3A_576 = arith.shrui %parallel_loop3A_567, %parallel_loop3A_575 : vector<16xi32>
      %parallel_loop3A_577 = vector.broadcast %parallel_loop3A_457 : i32 to vector<16xi32>
      %parallel_loop3A_578 = arith.shrui %parallel_loop3A_574, %parallel_loop3A_577 : vector<16xi32>
      %parallel_loop3A_579 = tpu.pack_subelements %parallel_loop3A_576, %parallel_loop3A_578 {pack_format = #tpu.pack_format<interleaved>, positions = array<i32: 0, 1>} : vector<16xi32>, vector<16xi32> -> vector<32xi16>
      %parallel_loop3A_580 = vector.bitcast %parallel_loop3A_579 : vector<32xi16> to vector<16xi32>
      %parallel_loop3A_581 = arith.index_cast %parallel_loop3A_441 : i32 to index
      %parallel_loop3A_582 = arith.constant 80 : index
      %parallel_loop3A_583 = tpu.vector_load %arg8[%parallel_loop3A_581, %parallel_loop3A_582] {strides = array<i32>} : memref<256x128xi32, #tpu.memory_space<vmem>>, vector<16xi32>,
      tpu.vector_store %arg8[%parallel_loop3A_581, %parallel_loop3A_582], %parallel_loop3A_580 {strides = array<i32>} : memref<256x128xi32, #tpu.memory_space<vmem>>, vector<16xi32>,
      %parallel_loop3A_584 = arith.constant 2 : i32
      %parallel_loop3A_585 = arith.muli %parallel_loop3A_584, %parallel_loop3A_441 : i32
      %parallel_loop3A_586 = arith.index_cast %parallel_loop3A_585 : i32 to index
      %parallel_loop3A_587 = arith.constant 96 : index
      %parallel_loop3A_588 = tpu.vector_load %arg7[%parallel_loop3A_586, %parallel_loop3A_587] {strides = array<i32>} : memref<512x128xi32, #tpu.memory_space<vmem>>, vector<16xi32>,
      %parallel_loop3A_589 = arith.constant 2 : i32
      %parallel_loop3A_590 = arith.muli %parallel_loop3A_589, %parallel_loop3A_441 : i32
      %parallel_loop3A_591 = arith.constant 1 : i32
      %parallel_loop3A_592 = arith.addi %parallel_loop3A_590, %parallel_loop3A_591 : i32
      %parallel_loop3A_593 = arith.index_cast %parallel_loop3A_592 : i32 to index
      %parallel_loop3A_594 = arith.constant 96 : index
      %parallel_loop3A_595 = tpu.vector_load %arg7[%parallel_loop3A_593, %parallel_loop3A_594] {strides = array<i32>} : memref<512x128xi32, #tpu.memory_space<vmem>>, vector<16xi32>,
      %parallel_loop3A_596 = vector.broadcast %parallel_loop3A_451 : i32 to vector<16xi32>
      %parallel_loop3A_597 = arith.shrui %parallel_loop3A_588, %parallel_loop3A_596 : vector<16xi32>
      %parallel_loop3A_598 = vector.broadcast %parallel_loop3A_457 : i32 to vector<16xi32>
      %parallel_loop3A_599 = arith.shrui %parallel_loop3A_595, %parallel_loop3A_598 : vector<16xi32>
      %parallel_loop3A_600 = tpu.pack_subelements %parallel_loop3A_597, %parallel_loop3A_599 {pack_format = #tpu.pack_format<interleaved>, positions = array<i32: 0, 1>} : vector<16xi32>, vector<16xi32> -> vector<32xi16>
      %parallel_loop3A_601 = vector.bitcast %parallel_loop3A_600 : vector<32xi16> to vector<16xi32>
      %parallel_loop3A_602 = arith.index_cast %parallel_loop3A_441 : i32 to index
      %parallel_loop3A_603 = arith.constant 96 : index
      %parallel_loop3A_604 = tpu.vector_load %arg8[%parallel_loop3A_602, %parallel_loop3A_603] {strides = array<i32>} : memref<256x128xi32, #tpu.memory_space<vmem>>, vector<16xi32>,
      tpu.vector_store %arg8[%parallel_loop3A_602, %parallel_loop3A_603], %parallel_loop3A_601 {strides = array<i32>} : memref<256x128xi32, #tpu.memory_space<vmem>>, vector<16xi32>,
      %parallel_loop3A_605 = arith.constant 2 : i32
      %parallel_loop3A_606 = arith.muli %parallel_loop3A_605, %parallel_loop3A_441 : i32
      %parallel_loop3A_607 = arith.index_cast %parallel_loop3A_606 : i32 to index
      %parallel_loop3A_608 = arith.constant 112 : index
      %parallel_loop3A_609 = tpu.vector_load %arg7[%parallel_loop3A_607, %parallel_loop3A_608] {strides = array<i32>} : memref<512x128xi32, #tpu.memory_space<vmem>>, vector<16xi32>,
      %parallel_loop3A_610 = arith.constant 2 : i32
      %parallel_loop3A_611 = arith.muli %parallel_loop3A_610, %parallel_loop3A_441 : i32
      %parallel_loop3A_612 = arith.constant 1 : i32
      %parallel_loop3A_613 = arith.addi %parallel_loop3A_611, %parallel_loop3A_612 : i32
      %parallel_loop3A_614 = arith.index_cast %parallel_loop3A_613 : i32 to index
      %parallel_loop3A_615 = arith.constant 112 : index
      %parallel_loop3A_616 = tpu.vector_load %arg7[%parallel_loop3A_614, %parallel_loop3A_615] {strides = array<i32>} : memref<512x128xi32, #tpu.memory_space<vmem>>, vector<16xi32>,
      %parallel_loop3A_617 = vector.broadcast %parallel_loop3A_451 : i32 to vector<16xi32>
      %parallel_loop3A_618 = arith.shrui %parallel_loop3A_609, %parallel_loop3A_617 : vector<16xi32>
      %parallel_loop3A_619 = vector.broadcast %parallel_loop3A_457 : i32 to vector<16xi32>
      %parallel_loop3A_620 = arith.shrui %parallel_loop3A_616, %parallel_loop3A_619 : vector<16xi32>
      %parallel_loop3A_621 = tpu.pack_subelements %parallel_loop3A_618, %parallel_loop3A_620 {pack_format = #tpu.pack_format<interleaved>, positions = array<i32: 0, 1>} : vector<16xi32>, vector<16xi32> -> vector<32xi16>
      %parallel_loop3A_622 = vector.bitcast %parallel_loop3A_621 : vector<32xi16> to vector<16xi32>
      %parallel_loop3A_623 = arith.index_cast %parallel_loop3A_441 : i32 to index
      %parallel_loop3A_624 = arith.constant 112 : index
      %parallel_loop3A_625 = tpu.vector_load %arg8[%parallel_loop3A_623, %parallel_loop3A_624] {strides = array<i32>} : memref<256x128xi32, #tpu.memory_space<vmem>>, vector<16xi32>,
      tpu.vector_store %arg8[%parallel_loop3A_623, %parallel_loop3A_624], %parallel_loop3A_622 {strides = array<i32>} : memref<256x128xi32, #tpu.memory_space<vmem>>, vector<16xi32>,
    } {sc.loop_unroll_factor = 2 : i64, sc.parallel_access}
    %mul3A_346 = arith.constant 256 : i32
    %mul3A_347 = arith.muli %add3A, %mul3A_346 : i32
    %add3A_348 = arith.constant 128 : i32
    %add3A_349 = arith.addi %mul3A_347, %add3A_348 : i32
    %dma_start3A_350 = arith.constant 128 : i32
    %dma_start3A_351 = arith.constant 0 : i32
    %dma_start3A_352 = tpu.memref_slice %arg8[%dma_start3A_350, %dma_start3A_351] : memref<256x128xi32, #tpu.memory_space<vmem>> -> memref<64x128xi32, #tpu.memory_space<vmem>>
    %dma_start3A_353 = tpu.memref_bitcast %arg4 : memref<16384x128xbf16, #tpu.memory_space<hbm>> -> memref<8192x128xi32, #tpu.memory_space<hbm>>
    %dma_start3A_354 = arith.constant 0 : i32
    %dma_start3A_355 = tpu.memref_slice %dma_start3A_353[%add3A_349, %dma_start3A_354] : memref<8192x128xi32, #tpu.memory_space<hbm>> -> memref<64x128xi32, #tpu.memory_space<hbm>>
    %dma_start3A_356 = tpu.memref_bitcast %arg4 : memref<16384x128xbf16, #tpu.memory_space<hbm>> -> memref<8192x128xi32, #tpu.memory_space<hbm>>
    %dma_start3A_357 = arith.constant 0 : i32
    %dma_start3A_358 = tpu.memref_slice %dma_start3A_356[%add3A_349, %dma_start3A_357] : memref<8192x128xi32, #tpu.memory_space<hbm>> -> memref<64x128xi32, #tpu.memory_space<hbm>>
    %dma_start3A_359 = arith.constant 128 : i32
    %dma_start3A_360 = arith.constant 0 : i32
    %dma_start3A_361 = tpu.memref_slice %arg8[%dma_start3A_359, %dma_start3A_360] : memref<256x128xi32, #tpu.memory_space<vmem>> -> memref<64x128xi32, #tpu.memory_space<vmem>>
    tpu.enqueue_dma source(%dma_start3A_361 : memref<64x128xi32, #tpu.memory_space<vmem>>) target(%dma_start3A_358 : memref<64x128xi32, #tpu.memory_space<hbm>>) target_semaphore(%arg10 : memref<!tpu.dma_semaphore, #tpu.memory_space<semaphore_mem>>)
    %dma_wait3A_362 = arith.constant 0 : i32
    %dma_wait3A_363 = arith.constant 384 : i32
    %dma_wait3A_364 = arith.constant 0 : i32
    %dma_wait3A_365 = tpu.memref_slice %arg7[%dma_wait3A_363, %dma_wait3A_364] : memref<512x128xi32, #tpu.memory_space<vmem>> -> memref<128x128xi32, #tpu.memory_space<vmem>>
    %dma_wait3A_366 = arith.constant 384 : i32
    %dma_wait3A_367 = tpu.memref_slice %arg6[%dma_wait3A_366] : memref<512xi32, #tpu.memory_space<vmem>> -> memref<128xi32, #tpu.memory_space<vmem>>
    %dma_wait3A_368 = tpu.memref_bitcast %arg2 : memref<100000x128xbf16, #tpu.memory_space<hbm>> -> memref<50000x128xi32, #tpu.memory_space<hbm>>
    %dma_wait3A_369 = arith.constant 0 : i32
    %dma_wait3A_370 = arith.constant 0 : i32
    %dma_wait3A_371 = tpu.memref_slice %dma_wait3A_368[%dma_wait3A_369, %dma_wait3A_370] : memref<50000x128xi32, #tpu.memory_space<hbm>> -> memref<50000x128xi32, #tpu.memory_space<hbm>>
    %dma_wait3A_372 = tpu.memref_slice %arg9[%dma_wait3A_362] : memref<3x!tpu.dma_semaphore, #tpu.memory_space<semaphore_mem>> -> memref<1x!tpu.dma_semaphore, #tpu.memory_space<semaphore_mem>>
    %dma_wait3A_373 = tpu.memref_squeeze %dma_wait3A_372 : memref<1x!tpu.dma_semaphore, #tpu.memory_space<semaphore_mem>> -> memref<!tpu.dma_semaphore, #tpu.memory_space<semaphore_mem>>
    tpu.wait_indirect_dma semaphore(%dma_wait3A_373 : memref<!tpu.dma_semaphore, #tpu.memory_space<semaphore_mem>>) src(%dma_wait3A_371 : memref<50000x128xi32, #tpu.memory_space<hbm>>) dst(%dma_wait3A_365 : memref<128x128xi32, #tpu.memory_space<vmem>>)
    %parallel_loop3A_374 = arith.constant 192 : i32
    %parallel_loop3A_375 = arith.constant 256 : i32
    %parallel_loop3A_376 = arith.constant 1 : i32
    scf.for %parallel_loop3A_441 = %parallel_loop3A_374 to %parallel_loop3A_375 step %parallel_loop3A_376  : i32 {
      %parallel_loop3A_442 = arith.constant 2 : i32
      %parallel_loop3A_443 = arith.muli %parallel_loop3A_442, %parallel_loop3A_441 : i32
      %parallel_loop3A_444 = arith.index_cast %parallel_loop3A_443 : i32 to index
      %parallel_loop3A_445 = tpu.vector_load %arg5[%parallel_loop3A_444] {strides = array<i32>} : memref<528xi32, #tpu.memory_space<vmem>>, vector<16xi32>,
      %parallel_loop3A_446 = vector.extract_strided_slice %parallel_loop3A_445 {offsets = [0], sizes = [1], strides = [1]} : vector<16xi32> to vector<1xi32>
      %parallel_loop3A_447 = vector.extract %parallel_loop3A_446[0] : i32 from vector<1xi32>
      %parallel_loop3A_448 = arith.constant 1 : i32
      %parallel_loop3A_449 = arith.andi %parallel_loop3A_447, %parallel_loop3A_448 : i32
      %parallel_loop3A_450 = arith.constant 4 : i32
      %parallel_loop3A_451 = arith.shli %parallel_loop3A_449, %parallel_loop3A_450 : i32
      %parallel_loop3A_452 = vector.extract_strided_slice %parallel_loop3A_445 {offsets = [1], sizes = [1], strides = [1]} : vector<16xi32> to vector<1xi32>
      %parallel_loop3A_453 = vector.extract %parallel_loop3A_452[0] : i32 from vector<1xi32>
      %parallel_loop3A_454 = arith.constant 1 : i32
      %parallel_loop3A_455 = arith.andi %parallel_loop3A_453, %parallel_loop3A_454 : i32
      %parallel_loop3A_456 = arith.constant 4 : i32
      %parallel_loop3A_457 = arith.shli %parallel_loop3A_455, %parallel_loop3A_456 : i32
      %parallel_loop3A_458 = arith.constant 2 : i32
      %parallel_loop3A_459 = arith.muli %parallel_loop3A_458, %parallel_loop3A_441 : i32
      %parallel_loop3A_460 = arith.index_cast %parallel_loop3A_459 : i32 to index
      %parallel_loop3A_461 = arith.constant 0 : index
      %parallel_loop3A_462 = tpu.vector_load %arg7[%parallel_loop3A_460, %parallel_loop3A_461] {strides = array<i32>} : memref<512x128xi32, #tpu.memory_space<vmem>>, vector<16xi32>,
      %parallel_loop3A_463 = arith.constant 2 : i32
      %parallel_loop3A_464 = arith.muli %parallel_loop3A_463, %parallel_loop3A_441 : i32
      %parallel_loop3A_465 = arith.constant 1 : i32
      %parallel_loop3A_466 = arith.addi %parallel_loop3A_464, %parallel_loop3A_465 : i32
      %parallel_loop3A_467 = arith.index_cast %parallel_loop3A_466 : i32 to index
      %parallel_loop3A_468 = arith.constant 0 : index
      %parallel_loop3A_469 = tpu.vector_load %arg7[%parallel_loop3A_467, %parallel_loop3A_468] {strides = array<i32>} : memref<512x128xi32, #tpu.memory_space<vmem>>, vector<16xi32>,
      %parallel_loop3A_470 = vector.broadcast %parallel_loop3A_451 : i32 to vector<16xi32>
      %parallel_loop3A_471 = arith.shrui %parallel_loop3A_462, %parallel_loop3A_470 : vector<16xi32>
      %parallel_loop3A_472 = vector.broadcast %parallel_loop3A_457 : i32 to vector<16xi32>
      %parallel_loop3A_473 = arith.shrui %parallel_loop3A_469, %parallel_loop3A_472 : vector<16xi32>
      %parallel_loop3A_474 = tpu.pack_subelements %parallel_loop3A_471, %parallel_loop3A_473 {pack_format = #tpu.pack_format<interleaved>, positions = array<i32: 0, 1>} : vector<16xi32>, vector<16xi32> -> vector<32xi16>
      %parallel_loop3A_475 = vector.bitcast %parallel_loop3A_474 : vector<32xi16> to vector<16xi32>
      %parallel_loop3A_476 = arith.index_cast %parallel_loop3A_441 : i32 to index
      %parallel_loop3A_477 = arith.constant 0 : index
      %parallel_loop3A_478 = tpu.vector_load %arg8[%parallel_loop3A_476, %parallel_loop3A_477] {strides = array<i32>} : memref<256x128xi32, #tpu.memory_space<vmem>>, vector<16xi32>,
      tpu.vector_store %arg8[%parallel_loop3A_476, %parallel_loop3A_477], %parallel_loop3A_475 {strides = array<i32>} : memref<256x128xi32, #tpu.memory_space<vmem>>, vector<16xi32>,
      %parallel_loop3A_479 = arith.constant 2 : i32
      %parallel_loop3A_480 = arith.muli %parallel_loop3A_479, %parallel_loop3A_441 : i32
      %parallel_loop3A_481 = arith.index_cast %parallel_loop3A_480 : i32 to index
      %parallel_loop3A_482 = arith.constant 16 : index
      %parallel_loop3A_483 = tpu.vector_load %arg7[%parallel_loop3A_481, %parallel_loop3A_482] {strides = array<i32>} : memref<512x128xi32, #tpu.memory_space<vmem>>, vector<16xi32>,
      %parallel_loop3A_484 = arith.constant 2 : i32
      %parallel_loop3A_485 = arith.muli %parallel_loop3A_484, %parallel_loop3A_441 : i32
      %parallel_loop3A_486 = arith.constant 1 : i32
      %parallel_loop3A_487 = arith.addi %parallel_loop3A_485, %parallel_loop3A_486 : i32
      %parallel_loop3A_488 = arith.index_cast %parallel_loop3A_487 : i32 to index
      %parallel_loop3A_489 = arith.constant 16 : index
      %parallel_loop3A_490 = tpu.vector_load %arg7[%parallel_loop3A_488, %parallel_loop3A_489] {strides = array<i32>} : memref<512x128xi32, #tpu.memory_space<vmem>>, vector<16xi32>,
      %parallel_loop3A_491 = vector.broadcast %parallel_loop3A_451 : i32 to vector<16xi32>
      %parallel_loop3A_492 = arith.shrui %parallel_loop3A_483, %parallel_loop3A_491 : vector<16xi32>
      %parallel_loop3A_493 = vector.broadcast %parallel_loop3A_457 : i32 to vector<16xi32>
      %parallel_loop3A_494 = arith.shrui %parallel_loop3A_490, %parallel_loop3A_493 : vector<16xi32>
      %parallel_loop3A_495 = tpu.pack_subelements %parallel_loop3A_492, %parallel_loop3A_494 {pack_format = #tpu.pack_format<interleaved>, positions = array<i32: 0, 1>} : vector<16xi32>, vector<16xi32> -> vector<32xi16>
      %parallel_loop3A_496 = vector.bitcast %parallel_loop3A_495 : vector<32xi16> to vector<16xi32>
      %parallel_loop3A_497 = arith.index_cast %parallel_loop3A_441 : i32 to index
      %parallel_loop3A_498 = arith.constant 16 : index
      %parallel_loop3A_499 = tpu.vector_load %arg8[%parallel_loop3A_497, %parallel_loop3A_498] {strides = array<i32>} : memref<256x128xi32, #tpu.memory_space<vmem>>, vector<16xi32>,
      tpu.vector_store %arg8[%parallel_loop3A_497, %parallel_loop3A_498], %parallel_loop3A_496 {strides = array<i32>} : memref<256x128xi32, #tpu.memory_space<vmem>>, vector<16xi32>,
      %parallel_loop3A_500 = arith.constant 2 : i32
      %parallel_loop3A_501 = arith.muli %parallel_loop3A_500, %parallel_loop3A_441 : i32
      %parallel_loop3A_502 = arith.index_cast %parallel_loop3A_501 : i32 to index
      %parallel_loop3A_503 = arith.constant 32 : index
      %parallel_loop3A_504 = tpu.vector_load %arg7[%parallel_loop3A_502, %parallel_loop3A_503] {strides = array<i32>} : memref<512x128xi32, #tpu.memory_space<vmem>>, vector<16xi32>,
      %parallel_loop3A_505 = arith.constant 2 : i32
      %parallel_loop3A_506 = arith.muli %parallel_loop3A_505, %parallel_loop3A_441 : i32
      %parallel_loop3A_507 = arith.constant 1 : i32
      %parallel_loop3A_508 = arith.addi %parallel_loop3A_506, %parallel_loop3A_507 : i32
      %parallel_loop3A_509 = arith.index_cast %parallel_loop3A_508 : i32 to index
      %parallel_loop3A_510 = arith.constant 32 : index
      %parallel_loop3A_511 = tpu.vector_load %arg7[%parallel_loop3A_509, %parallel_loop3A_510] {strides = array<i32>} : memref<512x128xi32, #tpu.memory_space<vmem>>, vector<16xi32>,
      %parallel_loop3A_512 = vector.broadcast %parallel_loop3A_451 : i32 to vector<16xi32>
      %parallel_loop3A_513 = arith.shrui %parallel_loop3A_504, %parallel_loop3A_512 : vector<16xi32>
      %parallel_loop3A_514 = vector.broadcast %parallel_loop3A_457 : i32 to vector<16xi32>
      %parallel_loop3A_515 = arith.shrui %parallel_loop3A_511, %parallel_loop3A_514 : vector<16xi32>
      %parallel_loop3A_516 = tpu.pack_subelements %parallel_loop3A_513, %parallel_loop3A_515 {pack_format = #tpu.pack_format<interleaved>, positions = array<i32: 0, 1>} : vector<16xi32>, vector<16xi32> -> vector<32xi16>
      %parallel_loop3A_517 = vector.bitcast %parallel_loop3A_516 : vector<32xi16> to vector<16xi32>
      %parallel_loop3A_518 = arith.index_cast %parallel_loop3A_441 : i32 to index
      %parallel_loop3A_519 = arith.constant 32 : index
      %parallel_loop3A_520 = tpu.vector_load %arg8[%parallel_loop3A_518, %parallel_loop3A_519] {strides = array<i32>} : memref<256x128xi32, #tpu.memory_space<vmem>>, vector<16xi32>,
      tpu.vector_store %arg8[%parallel_loop3A_518, %parallel_loop3A_519], %parallel_loop3A_517 {strides = array<i32>} : memref<256x128xi32, #tpu.memory_space<vmem>>, vector<16xi32>,
      %parallel_loop3A_521 = arith.constant 2 : i32
      %parallel_loop3A_522 = arith.muli %parallel_loop3A_521, %parallel_loop3A_441 : i32
      %parallel_loop3A_523 = arith.index_cast %parallel_loop3A_522 : i32 to index
      %parallel_loop3A_524 = arith.constant 48 : index
      %parallel_loop3A_525 = tpu.vector_load %arg7[%parallel_loop3A_523, %parallel_loop3A_524] {strides = array<i32>} : memref<512x128xi32, #tpu.memory_space<vmem>>, vector<16xi32>,
      %parallel_loop3A_526 = arith.constant 2 : i32
      %parallel_loop3A_527 = arith.muli %parallel_loop3A_526, %parallel_loop3A_441 : i32
      %parallel_loop3A_528 = arith.constant 1 : i32
      %parallel_loop3A_529 = arith.addi %parallel_loop3A_527, %parallel_loop3A_528 : i32
      %parallel_loop3A_530 = arith.index_cast %parallel_loop3A_529 : i32 to index
      %parallel_loop3A_531 = arith.constant 48 : index
      %parallel_loop3A_532 = tpu.vector_load %arg7[%parallel_loop3A_530, %parallel_loop3A_531] {strides = array<i32>} : memref<512x128xi32, #tpu.memory_space<vmem>>, vector<16xi32>,
      %parallel_loop3A_533 = vector.broadcast %parallel_loop3A_451 : i32 to vector<16xi32>
      %parallel_loop3A_534 = arith.shrui %parallel_loop3A_525, %parallel_loop3A_533 : vector<16xi32>
      %parallel_loop3A_535 = vector.broadcast %parallel_loop3A_457 : i32 to vector<16xi32>
      %parallel_loop3A_536 = arith.shrui %parallel_loop3A_532, %parallel_loop3A_535 : vector<16xi32>
      %parallel_loop3A_537 = tpu.pack_subelements %parallel_loop3A_534, %parallel_loop3A_536 {pack_format = #tpu.pack_format<interleaved>, positions = array<i32: 0, 1>} : vector<16xi32>, vector<16xi32> -> vector<32xi16>
      %parallel_loop3A_538 = vector.bitcast %parallel_loop3A_537 : vector<32xi16> to vector<16xi32>
      %parallel_loop3A_539 = arith.index_cast %parallel_loop3A_441 : i32 to index
      %parallel_loop3A_540 = arith.constant 48 : index
      %parallel_loop3A_541 = tpu.vector_load %arg8[%parallel_loop3A_539, %parallel_loop3A_540] {strides = array<i32>} : memref<256x128xi32, #tpu.memory_space<vmem>>, vector<16xi32>,
      tpu.vector_store %arg8[%parallel_loop3A_539, %parallel_loop3A_540], %parallel_loop3A_538 {strides = array<i32>} : memref<256x128xi32, #tpu.memory_space<vmem>>, vector<16xi32>,
      %parallel_loop3A_542 = arith.constant 2 : i32
      %parallel_loop3A_543 = arith.muli %parallel_loop3A_542, %parallel_loop3A_441 : i32
      %parallel_loop3A_544 = arith.index_cast %parallel_loop3A_543 : i32 to index
      %parallel_loop3A_545 = arith.constant 64 : index
      %parallel_loop3A_546 = tpu.vector_load %arg7[%parallel_loop3A_544, %parallel_loop3A_545] {strides = array<i32>} : memref<512x128xi32, #tpu.memory_space<vmem>>, vector<16xi32>,
      %parallel_loop3A_547 = arith.constant 2 : i32
      %parallel_loop3A_548 = arith.muli %parallel_loop3A_547, %parallel_loop3A_441 : i32
      %parallel_loop3A_549 = arith.constant 1 : i32
      %parallel_loop3A_550 = arith.addi %parallel_loop3A_548, %parallel_loop3A_549 : i32
      %parallel_loop3A_551 = arith.index_cast %parallel_loop3A_550 : i32 to index
      %parallel_loop3A_552 = arith.constant 64 : index
      %parallel_loop3A_553 = tpu.vector_load %arg7[%parallel_loop3A_551, %parallel_loop3A_552] {strides = array<i32>} : memref<512x128xi32, #tpu.memory_space<vmem>>, vector<16xi32>,
      %parallel_loop3A_554 = vector.broadcast %parallel_loop3A_451 : i32 to vector<16xi32>
      %parallel_loop3A_555 = arith.shrui %parallel_loop3A_546, %parallel_loop3A_554 : vector<16xi32>
      %parallel_loop3A_556 = vector.broadcast %parallel_loop3A_457 : i32 to vector<16xi32>
      %parallel_loop3A_557 = arith.shrui %parallel_loop3A_553, %parallel_loop3A_556 : vector<16xi32>
      %parallel_loop3A_558 = tpu.pack_subelements %parallel_loop3A_555, %parallel_loop3A_557 {pack_format = #tpu.pack_format<interleaved>, positions = array<i32: 0, 1>} : vector<16xi32>, vector<16xi32> -> vector<32xi16>
      %parallel_loop3A_559 = vector.bitcast %parallel_loop3A_558 : vector<32xi16> to vector<16xi32>
      %parallel_loop3A_560 = arith.index_cast %parallel_loop3A_441 : i32 to index
      %parallel_loop3A_561 = arith.constant 64 : index
      %parallel_loop3A_562 = tpu.vector_load %arg8[%parallel_loop3A_560, %parallel_loop3A_561] {strides = array<i32>} : memref<256x128xi32, #tpu.memory_space<vmem>>, vector<16xi32>,
      tpu.vector_store %arg8[%parallel_loop3A_560, %parallel_loop3A_561], %parallel_loop3A_559 {strides = array<i32>} : memref<256x128xi32, #tpu.memory_space<vmem>>, vector<16xi32>,
      %parallel_loop3A_563 = arith.constant 2 : i32
      %parallel_loop3A_564 = arith.muli %parallel_loop3A_563, %parallel_loop3A_441 : i32
      %parallel_loop3A_565 = arith.index_cast %parallel_loop3A_564 : i32 to index
      %parallel_loop3A_566 = arith.constant 80 : index
      %parallel_loop3A_567 = tpu.vector_load %arg7[%parallel_loop3A_565, %parallel_loop3A_566] {strides = array<i32>} : memref<512x128xi32, #tpu.memory_space<vmem>>, vector<16xi32>,
      %parallel_loop3A_568 = arith.constant 2 : i32
      %parallel_loop3A_569 = arith.muli %parallel_loop3A_568, %parallel_loop3A_441 : i32
      %parallel_loop3A_570 = arith.constant 1 : i32
      %parallel_loop3A_571 = arith.addi %parallel_loop3A_569, %parallel_loop3A_570 : i32
      %parallel_loop3A_572 = arith.index_cast %parallel_loop3A_571 : i32 to index
      %parallel_loop3A_573 = arith.constant 80 : index
      %parallel_loop3A_574 = tpu.vector_load %arg7[%parallel_loop3A_572, %parallel_loop3A_573] {strides = array<i32>} : memref<512x128xi32, #tpu.memory_space<vmem>>, vector<16xi32>,
      %parallel_loop3A_575 = vector.broadcast %parallel_loop3A_451 : i32 to vector<16xi32>
      %parallel_loop3A_576 = arith.shrui %parallel_loop3A_567, %parallel_loop3A_575 : vector<16xi32>
      %parallel_loop3A_577 = vector.broadcast %parallel_loop3A_457 : i32 to vector<16xi32>
      %parallel_loop3A_578 = arith.shrui %parallel_loop3A_574, %parallel_loop3A_577 : vector<16xi32>
      %parallel_loop3A_579 = tpu.pack_subelements %parallel_loop3A_576, %parallel_loop3A_578 {pack_format = #tpu.pack_format<interleaved>, positions = array<i32: 0, 1>} : vector<16xi32>, vector<16xi32> -> vector<32xi16>
      %parallel_loop3A_580 = vector.bitcast %parallel_loop3A_579 : vector<32xi16> to vector<16xi32>
      %parallel_loop3A_581 = arith.index_cast %parallel_loop3A_441 : i32 to index
      %parallel_loop3A_582 = arith.constant 80 : index
      %parallel_loop3A_583 = tpu.vector_load %arg8[%parallel_loop3A_581, %parallel_loop3A_582] {strides = array<i32>} : memref<256x128xi32, #tpu.memory_space<vmem>>, vector<16xi32>,
      tpu.vector_store %arg8[%parallel_loop3A_581, %parallel_loop3A_582], %parallel_loop3A_580 {strides = array<i32>} : memref<256x128xi32, #tpu.memory_space<vmem>>, vector<16xi32>,
      %parallel_loop3A_584 = arith.constant 2 : i32
      %parallel_loop3A_585 = arith.muli %parallel_loop3A_584, %parallel_loop3A_441 : i32
      %parallel_loop3A_586 = arith.index_cast %parallel_loop3A_585 : i32 to index
      %parallel_loop3A_587 = arith.constant 96 : index
      %parallel_loop3A_588 = tpu.vector_load %arg7[%parallel_loop3A_586, %parallel_loop3A_587] {strides = array<i32>} : memref<512x128xi32, #tpu.memory_space<vmem>>, vector<16xi32>,
      %parallel_loop3A_589 = arith.constant 2 : i32
      %parallel_loop3A_590 = arith.muli %parallel_loop3A_589, %parallel_loop3A_441 : i32
      %parallel_loop3A_591 = arith.constant 1 : i32
      %parallel_loop3A_592 = arith.addi %parallel_loop3A_590, %parallel_loop3A_591 : i32
      %parallel_loop3A_593 = arith.index_cast %parallel_loop3A_592 : i32 to index
      %parallel_loop3A_594 = arith.constant 96 : index
      %parallel_loop3A_595 = tpu.vector_load %arg7[%parallel_loop3A_593, %parallel_loop3A_594] {strides = array<i32>} : memref<512x128xi32, #tpu.memory_space<vmem>>, vector<16xi32>,
      %parallel_loop3A_596 = vector.broadcast %parallel_loop3A_451 : i32 to vector<16xi32>
      %parallel_loop3A_597 = arith.shrui %parallel_loop3A_588, %parallel_loop3A_596 : vector<16xi32>
      %parallel_loop3A_598 = vector.broadcast %parallel_loop3A_457 : i32 to vector<16xi32>
      %parallel_loop3A_599 = arith.shrui %parallel_loop3A_595, %parallel_loop3A_598 : vector<16xi32>
      %parallel_loop3A_600 = tpu.pack_subelements %parallel_loop3A_597, %parallel_loop3A_599 {pack_format = #tpu.pack_format<interleaved>, positions = array<i32: 0, 1>} : vector<16xi32>, vector<16xi32> -> vector<32xi16>
      %parallel_loop3A_601 = vector.bitcast %parallel_loop3A_600 : vector<32xi16> to vector<16xi32>
      %parallel_loop3A_602 = arith.index_cast %parallel_loop3A_441 : i32 to index
      %parallel_loop3A_603 = arith.constant 96 : index
      %parallel_loop3A_604 = tpu.vector_load %arg8[%parallel_loop3A_602, %parallel_loop3A_603] {strides = array<i32>} : memref<256x128xi32, #tpu.memory_space<vmem>>, vector<16xi32>,
      tpu.vector_store %arg8[%parallel_loop3A_602, %parallel_loop3A_603], %parallel_loop3A_601 {strides = array<i32>} : memref<256x128xi32, #tpu.memory_space<vmem>>, vector<16xi32>,
      %parallel_loop3A_605 = arith.constant 2 : i32
      %parallel_loop3A_606 = arith.muli %parallel_loop3A_605, %parallel_loop3A_441 : i32
      %parallel_loop3A_607 = arith.index_cast %parallel_loop3A_606 : i32 to index
      %parallel_loop3A_608 = arith.constant 112 : index
      %parallel_loop3A_609 = tpu.vector_load %arg7[%parallel_loop3A_607, %parallel_loop3A_608] {strides = array<i32>} : memref<512x128xi32, #tpu.memory_space<vmem>>, vector<16xi32>,
      %parallel_loop3A_610 = arith.constant 2 : i32
      %parallel_loop3A_611 = arith.muli %parallel_loop3A_610, %parallel_loop3A_441 : i32
      %parallel_loop3A_612 = arith.constant 1 : i32
      %parallel_loop3A_613 = arith.addi %parallel_loop3A_611, %parallel_loop3A_612 : i32
      %parallel_loop3A_614 = arith.index_cast %parallel_loop3A_613 : i32 to index
      %parallel_loop3A_615 = arith.constant 112 : index
      %parallel_loop3A_616 = tpu.vector_load %arg7[%parallel_loop3A_614, %parallel_loop3A_615] {strides = array<i32>} : memref<512x128xi32, #tpu.memory_space<vmem>>, vector<16xi32>,
      %parallel_loop3A_617 = vector.broadcast %parallel_loop3A_451 : i32 to vector<16xi32>
      %parallel_loop3A_618 = arith.shrui %parallel_loop3A_609, %parallel_loop3A_617 : vector<16xi32>
      %parallel_loop3A_619 = vector.broadcast %parallel_loop3A_457 : i32 to vector<16xi32>
      %parallel_loop3A_620 = arith.shrui %parallel_loop3A_616, %parallel_loop3A_619 : vector<16xi32>
      %parallel_loop3A_621 = tpu.pack_subelements %parallel_loop3A_618, %parallel_loop3A_620 {pack_format = #tpu.pack_format<interleaved>, positions = array<i32: 0, 1>} : vector<16xi32>, vector<16xi32> -> vector<32xi16>
      %parallel_loop3A_622 = vector.bitcast %parallel_loop3A_621 : vector<32xi16> to vector<16xi32>
      %parallel_loop3A_623 = arith.index_cast %parallel_loop3A_441 : i32 to index
      %parallel_loop3A_624 = arith.constant 112 : index
      %parallel_loop3A_625 = tpu.vector_load %arg8[%parallel_loop3A_623, %parallel_loop3A_624] {strides = array<i32>} : memref<256x128xi32, #tpu.memory_space<vmem>>, vector<16xi32>,
      tpu.vector_store %arg8[%parallel_loop3A_623, %parallel_loop3A_624], %parallel_loop3A_622 {strides = array<i32>} : memref<256x128xi32, #tpu.memory_space<vmem>>, vector<16xi32>,
    } {sc.loop_unroll_factor = 2 : i64, sc.parallel_access}
    %mul3A_377 = arith.constant 256 : i32
    %mul3A_378 = arith.muli %add3A, %mul3A_377 : i32
    %add3A_379 = arith.constant 192 : i32
    %add3A_380 = arith.addi %mul3A_378, %add3A_379 : i32
    %dma_start3A_381 = arith.constant 192 : i32
    %dma_start3A_382 = arith.constant 0 : i32
    %dma_start3A_383 = tpu.memref_slice %arg8[%dma_start3A_381, %dma_start3A_382] : memref<256x128xi32, #tpu.memory_space<vmem>> -> memref<64x128xi32, #tpu.memory_space<vmem>>
    %dma_start3A_384 = tpu.memref_bitcast %arg4 : memref<16384x128xbf16, #tpu.memory_space<hbm>> -> memref<8192x128xi32, #tpu.memory_space<hbm>>
    %dma_start3A_385 = arith.constant 0 : i32
    %dma_start3A_386 = tpu.memref_slice %dma_start3A_384[%add3A_380, %dma_start3A_385] : memref<8192x128xi32, #tpu.memory_space<hbm>> -> memref<64x128xi32, #tpu.memory_space<hbm>>
    %dma_start3A_387 = tpu.memref_bitcast %arg4 : memref<16384x128xbf16, #tpu.memory_space<hbm>> -> memref<8192x128xi32, #tpu.memory_space<hbm>>
    %dma_start3A_388 = arith.constant 0 : i32
    %dma_start3A_389 = tpu.memref_slice %dma_start3A_387[%add3A_380, %dma_start3A_388] : memref<8192x128xi32, #tpu.memory_space<hbm>> -> memref<64x128xi32, #tpu.memory_space<hbm>>
    %dma_start3A_390 = arith.constant 192 : i32
    %dma_start3A_391 = arith.constant 0 : i32
    %dma_start3A_392 = tpu.memref_slice %arg8[%dma_start3A_390, %dma_start3A_391] : memref<256x128xi32, #tpu.memory_space<vmem>> -> memref<64x128xi32, #tpu.memory_space<vmem>>
    tpu.enqueue_dma source(%dma_start3A_392 : memref<64x128xi32, #tpu.memory_space<vmem>>) target(%dma_start3A_389 : memref<64x128xi32, #tpu.memory_space<hbm>>) target_semaphore(%arg10 : memref<!tpu.dma_semaphore, #tpu.memory_space<semaphore_mem>>)
    %dma_wait3A_393 = arith.constant 0 : i32
    %dma_wait3A_394 = arith.constant 0 : i32
    %dma_wait3A_395 = tpu.memref_slice %arg8[%dma_wait3A_393, %dma_wait3A_394] : memref<256x128xi32, #tpu.memory_space<vmem>> -> memref<64x128xi32, #tpu.memory_space<vmem>>
    %dma_wait3A_396 = tpu.memref_bitcast %arg4 : memref<16384x128xbf16, #tpu.memory_space<hbm>> -> memref<8192x128xi32, #tpu.memory_space<hbm>>
    %dma_wait3A_397 = arith.constant 0 : i32
    %dma_wait3A_398 = tpu.memref_slice %dma_wait3A_396[%add3A_287, %dma_wait3A_397] : memref<8192x128xi32, #tpu.memory_space<hbm>> -> memref<64x128xi32, #tpu.memory_space<hbm>>
    %dma_wait3A_399 = tpu.memref_bitcast %arg4 : memref<16384x128xbf16, #tpu.memory_space<hbm>> -> memref<8192x128xi32, #tpu.memory_space<hbm>>
    %dma_wait3A_400 = arith.constant 0 : i32
    %dma_wait3A_401 = tpu.memref_slice %dma_wait3A_399[%add3A_287, %dma_wait3A_400] : memref<8192x128xi32, #tpu.memory_space<hbm>> -> memref<64x128xi32, #tpu.memory_space<hbm>>
    %dma_wait3A_402 = arith.constant 0 : i32
    %dma_wait3A_403 = arith.constant 0 : i32
    %dma_wait3A_404 = tpu.memref_slice %arg8[%dma_wait3A_402, %dma_wait3A_403] : memref<256x128xi32, #tpu.memory_space<vmem>> -> memref<64x128xi32, #tpu.memory_space<vmem>>
    tpu.wait_dma2 semaphore(%arg10 : memref<!tpu.dma_semaphore, #tpu.memory_space<semaphore_mem>>) src(%dma_wait3A_404 : memref<64x128xi32, #tpu.memory_space<vmem>>) dst(%dma_wait3A_401 : memref<64x128xi32, #tpu.memory_space<hbm>>)
    %dma_wait3A_405 = arith.constant 64 : i32
    %dma_wait3A_406 = arith.constant 0 : i32
    %dma_wait3A_407 = tpu.memref_slice %arg8[%dma_wait3A_405, %dma_wait3A_406] : memref<256x128xi32, #tpu.memory_space<vmem>> -> memref<64x128xi32, #tpu.memory_space<vmem>>
    %dma_wait3A_408 = tpu.memref_bitcast %arg4 : memref<16384x128xbf16, #tpu.memory_space<hbm>> -> memref<8192x128xi32, #tpu.memory_space<hbm>>
    %dma_wait3A_409 = arith.constant 0 : i32
    %dma_wait3A_410 = tpu.memref_slice %dma_wait3A_408[%add3A_318, %dma_wait3A_409] : memref<8192x128xi32, #tpu.memory_space<hbm>> -> memref<64x128xi32, #tpu.memory_space<hbm>>
    %dma_wait3A_411 = tpu.memref_bitcast %arg4 : memref<16384x128xbf16, #tpu.memory_space<hbm>> -> memref<8192x128xi32, #tpu.memory_space<hbm>>
    %dma_wait3A_412 = arith.constant 0 : i32
    %dma_wait3A_413 = tpu.memref_slice %dma_wait3A_411[%add3A_318, %dma_wait3A_412] : memref<8192x128xi32, #tpu.memory_space<hbm>> -> memref<64x128xi32, #tpu.memory_space<hbm>>
    %dma_wait3A_414 = arith.constant 64 : i32
    %dma_wait3A_415 = arith.constant 0 : i32
    %dma_wait3A_416 = tpu.memref_slice %arg8[%dma_wait3A_414, %dma_wait3A_415] : memref<256x128xi32, #tpu.memory_space<vmem>> -> memref<64x128xi32, #tpu.memory_space<vmem>>
    tpu.wait_dma2 semaphore(%arg10 : memref<!tpu.dma_semaphore, #tpu.memory_space<semaphore_mem>>) src(%dma_wait3A_416 : memref<64x128xi32, #tpu.memory_space<vmem>>) dst(%dma_wait3A_413 : memref<64x128xi32, #tpu.memory_space<hbm>>)
    %dma_wait3A_417 = arith.constant 128 : i32
    %dma_wait3A_418 = arith.constant 0 : i32
    %dma_wait3A_419 = tpu.memref_slice %arg8[%dma_wait3A_417, %dma_wait3A_418] : memref<256x128xi32, #tpu.memory_space<vmem>> -> memref<64x128xi32, #tpu.memory_space<vmem>>
    %dma_wait3A_420 = tpu.memref_bitcast %arg4 : memref<16384x128xbf16, #tpu.memory_space<hbm>> -> memref<8192x128xi32, #tpu.memory_space<hbm>>
    %dma_wait3A_421 = arith.constant 0 : i32
    %dma_wait3A_422 = tpu.memref_slice %dma_wait3A_420[%add3A_349, %dma_wait3A_421] : memref<8192x128xi32, #tpu.memory_space<hbm>> -> memref<64x128xi32, #tpu.memory_space<hbm>>
    %dma_wait3A_423 = tpu.memref_bitcast %arg4 : memref<16384x128xbf16, #tpu.memory_space<hbm>> -> memref<8192x128xi32, #tpu.memory_space<hbm>>
    %dma_wait3A_424 = arith.constant 0 : i32
    %dma_wait3A_425 = tpu.memref_slice %dma_wait3A_423[%add3A_349, %dma_wait3A_424] : memref<8192x128xi32, #tpu.memory_space<hbm>> -> memref<64x128xi32, #tpu.memory_space<hbm>>
    %dma_wait3A_426 = arith.constant 128 : i32
    %dma_wait3A_427 = arith.constant 0 : i32
    %dma_wait3A_428 = tpu.memref_slice %arg8[%dma_wait3A_426, %dma_wait3A_427] : memref<256x128xi32, #tpu.memory_space<vmem>> -> memref<64x128xi32, #tpu.memory_space<vmem>>
    tpu.wait_dma2 semaphore(%arg10 : memref<!tpu.dma_semaphore, #tpu.memory_space<semaphore_mem>>) src(%dma_wait3A_428 : memref<64x128xi32, #tpu.memory_space<vmem>>) dst(%dma_wait3A_425 : memref<64x128xi32, #tpu.memory_space<hbm>>)
    %dma_wait3A_429 = arith.constant 192 : i32
    %dma_wait3A_430 = arith.constant 0 : i32
    %dma_wait3A_431 = tpu.memref_slice %arg8[%dma_wait3A_429, %dma_wait3A_430] : memref<256x128xi32, #tpu.memory_space<vmem>> -> memref<64x128xi32, #tpu.memory_space<vmem>>
    %dma_wait3A_432 = tpu.memref_bitcast %arg4 : memref<16384x128xbf16, #tpu.memory_space<hbm>> -> memref<8192x128xi32, #tpu.memory_space<hbm>>
    %dma_wait3A_433 = arith.constant 0 : i32
    %dma_wait3A_434 = tpu.memref_slice %dma_wait3A_432[%add3A_380, %dma_wait3A_433] : memref<8192x128xi32, #tpu.memory_space<hbm>> -> memref<64x128xi32, #tpu.memory_space<hbm>>
    %dma_wait3A_435 = tpu.memref_bitcast %arg4 : memref<16384x128xbf16, #tpu.memory_space<hbm>> -> memref<8192x128xi32, #tpu.memory_space<hbm>>
    %dma_wait3A_436 = arith.constant 0 : i32
    %dma_wait3A_437 = tpu.memref_slice %dma_wait3A_435[%add3A_380, %dma_wait3A_436] : memref<8192x128xi32, #tpu.memory_space<hbm>> -> memref<64x128xi32, #tpu.memory_space<hbm>>
    %dma_wait3A_438 = arith.constant 192 : i32
    %dma_wait3A_439 = arith.constant 0 : i32
    %dma_wait3A_440 = tpu.memref_slice %arg8[%dma_wait3A_438, %dma_wait3A_439] : memref<256x128xi32, #tpu.memory_space<vmem>> -> memref<64x128xi32, #tpu.memory_space<vmem>>
    tpu.wait_dma2 semaphore(%arg10 : memref<!tpu.dma_semaphore, #tpu.memory_space<semaphore_mem>>) src(%dma_wait3A_440 : memref<64x128xi32, #tpu.memory_space<vmem>>) dst(%dma_wait3A_437 : memref<64x128xi32, #tpu.memory_space<hbm>>)
    return
  }
}

</mosaic_0001>

<sc_bundles>
// kernel: kernel.3.cloned.1.call-start
scs
__scs_entry_jumppad:
0x0: {  	(pc) =	sbr.rel $0x88, $3  }
0x1: {  	(tag) =	ssettag $0x0;
	lr =	simm.s32 $0x1  }
0x2: {  	[smem:$0x3F9F] =	sst lr;
	_ =	strace $0xD0000000  }
0x3: {  	_ = 	snop  }
0x4: {  	_ = 	snop  }
0x5: {  	_ = 	snop  }
0x6: {  	_ = 	snop  }
0x7: {  	_ = 	snop  }
__scs_overlays_trampoline_lowered:
0x8: {  	[smem:$0x3FAE] =	sst s0  }
0x9: {  	[smem:$0x3FAF] =	sst s1  }
0xa: {  	[smem:$0x3FB0] =	sst s2  }
0xb: {  	[smem:$0x3FB1] =	sst s3  }
0xc: {  	[smem:$0x3FB2] =	sst s4  }
0xd: {  	[smem:$0x3FB3] =	sst s5  }
0xe: {  	[smem:$0x3FB4] =	sst s6  }
0xf: {  	[smem:$0x3FB5] =	sst s7  }
0x10: {  	[smem:$0x3FB6] =	sst s8  }
0x11: {  	[smem:$0x3FB7] =	sst s9;
	s0 =	simm.s32 @!p0 $0x0  }
0x12: {  	s1 =	sld [smem:$0x3F9D];
	s0 =	simm.s32 @p0 $0x1  }
0x13: {  	[smem:$0x3FB8] =	sst s0;
	s0 =	simm.s32 @!p1 $0x0  }
0x14: {  	s2 =	sld [smem:$0x3F9C];
	s0 =	simm.s32 @p1 $0x1  }
0x15: {  	[smem:$0x3FB9] =	sst s0;
	s0 =	simm.s32 @!p2 $0x0  }
0x16: {  	s3 =	sld [smem:$0x3FDB];
	s0 =	simm.s32 @p2 $0x1  }
0x17: {  	s4 =	simm.s32 $0x1BF5;
	[smem:$0x3FBB] =	sst s0  }
0x18: {  	s0 =	sld [smem:$0x3F9E];
	_ =	swait.ge [sflag:s4], $0x0  }
0x19: {  	s7 =	sld [smem:$0x3F9F]  }
0x1a: {  	s8 =	sadd.s32 $0xFFFFE003, lr  }
0x1b: {  	s9 =	sadd.s32 $0xFFFFFEF7, lr;
	s5 =	simm.s32 $0xFFFFFFFF;
	p2 =	slt.u32 s8, $0xFFFFF086  }
0x1c: {  	p1 =	slt.u32 s9, $0xF7A;
	s5 =	simm.s32 @!p2 $0x0  }
0x1d: {  	s5 =	simm.s32 @p1 $0x1;
	p0 =	seq.s32 s7, s2  }
0x1e: {  	s7 =	smul.u32 @!p0 $0xF7A, s2;
	p2 =	seq.s32 @!p0 s5, $0x0  }
0x1f: {  	s9 =	smul.u32 $0xF7A, s1;
	s8 =	simm.s32 @!p0 $0x1BF5;
	p2 =	por !p2, p0  }
0x20: {  	[sflag:s8] =	ssyncset.s32 @!p0 $0xFFFFF086;
	s6 =	sadd.s32 @!p0 s3, s7;
	s7 =	simm.s32 @!p0 $0x108  }
0x21: {  	s3 =	sadd.s32 s3, s9;
	s6 =	sadd.s32 @!p0 $0x88, s6;
	s7 =	simm.s32 @p2 $0x1082  }
0x22: {  	[simem:s7], [sflag:s8] =	dma.local @!p0 [hbm:s6], $0xF7A  }
0x23: {  	s9 =	sor.u32 $0xD0000000, s2;
	s6 =	simm.s32 $0x108;
	_ =	swait.ge @!p0 [sflag:s8], $0x0  }
0x24: {  	s3 =	sadd.s32 $0x88, s3;
	s6 =	simm.s32 @!p1 $0x1082;
	[sflag:s4] =	ssyncset.s32 $0xFFFFF086  }
0x25: {  	[simem:s6], [sflag:s4] =	dma.local [hbm:s3], $0xF7A  }
0x26: {  	[smem:$0x3F9F] =	sst s1;
	(tag) =	ssettag s2;
	_ =	strace s9  }
0x27: {  	s1 =	sld [smem:$0x3FAF]  }
0x28: {  	s2 =	sld [smem:$0x3FB0]  }
0x29: {  	s4 =	sld [smem:$0x3FB2]  }
0x2a: {  	p0 =	seq.s32 s5, $0x0;
	s5 =	sld [smem:$0x3FB3]  }
0x2b: {  	s6 =	sld [smem:$0x3FB4]  }
0x2c: {  	s7 =	sld [smem:$0x3FB5]  }
0x2d: {  	s3 =	simm.s32 $0x108;
	s8 =	sld [smem:$0x3FB6]  }
0x2e: {  	s3 =	simm.s32 @!p0 $0x1082;
	s9 =	sld [smem:$0x3FB7]  }
0x2f: {  	lr =	sadd.s32 s0, s3;
	s0 =	sld [smem:$0x3FAE]  }
0x30: {  	s3 =	sld [smem:$0x3FB1]  }
0x31: {  	[smem:$0x3FBA] =	sst s10  }
0x32: {  	s10 =	sld [smem:$0x3FB8];
	_ =	sdelay $0x3  }
0x33: {  	p0 =	seq.s32 s10, $0x1;
	s10 =	sld [smem:$0x3FBA];
	_ =	sdelay $0x3  }
0x34: {  	[smem:$0x3FBA] =	sst s10  }
0x35: {  	s10 =	sld [smem:$0x3FB9];
	_ =	sdelay $0x3  }
0x36: {  	p1 =	seq.s32 s10, $0x1;
	s10 =	sld [smem:$0x3FBA];
	_ =	sdelay $0x3  }
0x37: {  	[smem:$0x3FBA] =	sst s10  }
0x38: {  	s10 =	sld [smem:$0x3FBB]  }
0x39: {  	_ = 	snop;
	(pc) =	sbr.ind lr, $3  }
0x3a: {  	_ = 	snop  }
0x3b: {  	_ = 	snop  }
0x3c: {  	p2 =	seq.s32 s10, $0x1;
	s10 =	sld [smem:$0x3FBA]  }
0x3d: {  	_ =	shalt  }
0x3e: {  	_ =	shalt  }
0x3f: {  	_ =	shalt  }
0x40: {  	_ =	shalt  }
0x41: {  	_ =	shalt  }
0x42: {  	_ =	shalt  }
0x43: {  	_ =	shalt  }
0x44: {  	_ =	shalt  }
0x45: {  	_ =	shalt  }
0x46: {  	_ =	shalt  }
0x47: {  	_ =	shalt  }
0x48: {  	_ =	shalt  }
0x49: {  	_ =	shalt  }
0x4a: {  	_ =	shalt  }
0x4b: {  	_ =	shalt  }
0x4c: {  	_ =	shalt  }
0x4d: {  	_ =	shalt  }
0x4e: {  	_ =	shalt  }
0x4f: {  	_ =	shalt  }
0x50: {  	_ =	shalt  }
0x51: {  	_ =	shalt  }
0x52: {  	_ =	shalt  }
0x53: {  	_ =	shalt  }
0x54: {  	_ =	shalt  }
0x55: {  	_ =	shalt  }
0x56: {  	_ =	shalt  }
0x57: {  	_ =	shalt  }
0x58: {  	_ =	shalt  }
0x59: {  	_ =	shalt  }
0x5a: {  	_ =	shalt  }
0x5b: {  	_ =	shalt  }
0x5c: {  	_ =	shalt  }
0x5d: {  	_ =	shalt  }
0x5e: {  	_ =	shalt  }
0x5f: {  	_ =	shalt  }
0x60: {  	_ =	shalt  }
0x61: {  	_ =	shalt  }
0x62: {  	_ =	shalt  }
0x63: {  	_ =	shalt  }
0x64: {  	_ =	shalt  }
0x65: {  	_ =	shalt  }
0x66: {  	_ =	shalt  }
0x67: {  	_ =	shalt  }
0x68: {  	_ =	shalt  }
0x69: {  	_ =	shalt  }
0x6a: {  	_ =	shalt  }
0x6b: {  	_ =	shalt  }
0x6c: {  	_ =	shalt  }
0x6d: {  	_ =	shalt  }
0x6e: {  	_ =	shalt  }
0x6f: {  	_ =	shalt  }
0x70: {  	_ =	shalt  }
0x71: {  	_ =	shalt  }
0x72: {  	_ =	shalt  }
0x73: {  	_ =	shalt  }
0x74: {  	_ =	shalt  }
0x75: {  	_ =	shalt  }
0x76: {  	_ =	shalt  }
0x77: {  	_ =	shalt  }
0x78: {  	_ =	shalt  }
0x79: {  	_ =	shalt  }
0x7a: {  	_ =	shalt  }
0x7b: {  	_ =	shalt  }
0x7c: {  	_ =	shalt  }
0x7d: {  	_ =	shalt  }
0x7e: {  	_ =	shalt  }
0x7f: {  	_ =	shalt  }
0x80: {  	_ =	shalt  }
0x81: {  	_ =	shalt  }
0x82: {  	_ =	shalt  }
0x83: {  	_ =	shalt  }
0x84: {  	_ =	shalt  }
0x85: {  	_ =	shalt  }
0x86: {  	_ =	shalt  }
0x87: {  	_ =	shalt  }
.Lfunc_end0:
.L_simem_size_0:
called_computation_lowered:
.L_overlay_start_0:
0x88: {  	s2 =	sld [smem:$0x3FD9]  }
0x89: {  	s3 =	sld [smem:$0x3FFE];
	_ =	sdelay $0x1  }
0x8a: {  	s1 =	srdreg.scid  }
0x8b: {  	s0 =	sand.u32 $0x1, s1  }
0x8c: {  	s18 =	sshll.u32 s0, $0xA;
	s2 =	sadd.s32 s3, s2  }
0x8d: {  	s2 =	sadd.s32 s2, s18  }
0x8e: {  	[smem:$0x3FC6] =	sst s2  }
0x8f: {  	_ = 	snop  }
0x90: {  	s2 =	sld [smem:$0x3FC9]  }
0x91: {  	s19 =	sld [smem:$0x3FC8]  }
0x92: {  	s4 =	sld [smem:$0x3FD0];
	(tm) =	ssettm $0x1  }
0x93: {  	s5 =	sld [smem:$0x3FFB];
	_ =	sdelay $0x3  }
0x94: {  	_ =	strace s5  }
0x95: {  	s5 =	sld [smem:$0x3FFC];
	_ =	sdelay $0x3  }
0x96: {  	_ =	strace s5  }
0x97: {  	s5 =	sld [smem:$0x3FFD];
	_ =	sdelay $0x3  }
0x98: {  	_ =	strace s5  }
0x99: {  	_ =	strace $0x8FFFFFFF  }
0x9a: {  	s20 =	sld [smem:$0x3FDB];
	_ =	sdelay $0x1  }
0x9b: {  	s6 =	simm.s32 $_scs_section_size  }
0x9c: {  	s7 =	simm.s32 $_size__tile_overlayer_lowered;
	s8 =	simm.s32 $_tile_overlayer_lowered  }
0x9d: {  	s23 =	simm.s32 $0x1BFF;
	s22 =	sshll.u32 s8, $0x1;
	s5 =	sadd.s32 s6, s20  }
0x9e: {  	s9 =	simm.s32 $0x0;
	s21 =	sshll.u32 s7, $0x1;
	s7 =	sadd.s32 s22, s5  }
0x9f: {  	[timem:s9], [sflag:s23] =	dma.local [hbm:s7], s21  }
0xa0: {  	_ =	swait.ge [sflag:s23], s21  }
0xa1: {  	s6 =	ssub.s32 $0x0, s21;
	[sflag:s23] =	ssyncset.done $0x0  }
0xa2: {  	[sflag:s23] =	ssyncadd.s32 s6;
	_ =	sdelay $0x1  }
0xa3: {  	s24 =	simm.s32 $0x1B8B  }
0xa4: {  	_ =	swait.ge [sflag:s24], $0x1  }
0xa5: {  	[sflag:s24] =	ssyncset.done $0x0  }
0xa6: {  	s25 =	simm.s32 $0x1B8E;
	[sflag:s24] =	ssyncadd.s32 $0xFFFFFFFF  }
0xa7: {  	s26 =	simm.s32 $execute0_lowered;
	[smem:$0x3FD2] =	sst s25  }
0xa8: {  	s6 =	sshll.u32 s26, $0x1;
	_ =	strace $0x80000046;
	[dreg:$0x1] =	wrdreg $0xFFFFFFFF  }
0xa9: {  	s28 =	simm.s32 $_size_execute0_lowered;
	s5 =	sadd.s32 s5, s6;
	[dreg:$0x0] =	wrdreg $0x0  }
0xaa: {  	s6 =	sshll.u32 s28, $0x1;
	[dreg:$0x2] =	wrdreg s5  }
0xab: {  	[dreg:$0x3] =	wrdreg s6  }
0xac: {  	[dreg:$0x4] =	wrdreg $0xC0  }
0xad: {  	_ =	task [dreg:s9], $0x5FFFF  }
0xae: {  	[dreg:$0x1] =	wrdreg $0xFFFFFFFF  }
0xaf: {  	[dreg:$0x0] =	wrdreg $0x60  }
0xb0: {  	[dreg:$0x2] =	wrdreg s2  }
0xb1: {  	[dreg:$0x3] =	wrdreg s19  }
0xb2: {  	[dreg:$0x4] =	wrdreg s4  }
0xb3: {  	[dreg:$0x5] =	wrdreg $0x9  }
0xb4: {  	_ =	task.clear_ibuf [dreg:s9], $0x6FFFF;
	_ =	strace $0x90000046  }
0xb5: {  	s29 =	simm.s32 $0x9;
	_ =	strace $0x80000048  }
0xb6: {  	_ =	swait.ge [sflag:s29], $0x1  }
0xb7: {  	[sflag:s29] =	ssyncadd.s32 $0xFFFFFFFF  }
0xb8: {  	_ =	strace $0x90000048  }
0xb9: {  	_ =	sfence  }
0xba: {  	s30 =	sld [smem:$0x0];
	_ =	sdelay $0x2  }
0xbb: {  	s31 =	sshll.u32 s1, $0xD;
	s1 =	sshrl.u32 s1, $0x2  }
0xbc: {  	s3 =	sand.u32 $0x4000, s31;
	s1 =	sadd.s32 s1, s30  }
0xbd: {  	s0 =	sor.u32 s3, s0;
	s1 =	sshll.u32 s1, $0x11  }
0xbe: {  	s0 =	sor.u32 s1, s0  }
0xbf: {  	s0 =	sadd.s32 $0x8F2B, s0  }
0xc0: {  	[sflag:s0] =	ssyncadd.remote.s32 $0x1  }
0xc1: {  	_ =	sfence.sel $0xFFFF  }
0xc2: {  	[dreg:$0x0] =	wrdreg $0xFFFFFFFF;
	(pc) =	sbr.abs _section_cstart, $3  }
0xc3: {  	[dreg:$0x1] =	wrdreg $0xFFFFFFFF  }
0xc4: {  	_ =	task.clear_ibuf [dreg:s9], $0x2FFFF;
	_ =	strace $0x9FFFFFFF  }
0xc5: {  	(tm) =	ssettm $0x7FFFFFFF  }
tec
execute0_lowered:
.L_overlay_start_1:
0x0: {  	(tag) =	ssettag $0x1  }
0x1: {  	s1 =	rddreg [dreg:$0x0]  }
0x2: {  	s0 =	rddreg [dreg:$0x1]  }
0x3: {  	s2 =	rddreg [dreg:$0x2];
	s4 =	srdreg.scid  }
0x4: {  	s5 =	stileid.u32;
	s3 =	simm.s32 $0x0;
	s10 =	simm.s32 $0x5  }
0x5: {  	s11 =	simm.s32 $0x80;
	s18 =	simm.s32 $0x1;
	s22 =	simm.s32 $0x2  }
0x6: {  	s24 =	simm.s32 $0x3;
	s28 =	simm.s32 $0x4;
	s29 =	simm.s32 $0x0  }
0x7: {  	s4 =	sand.u32 $0x1, s4;
	s5 =	sshll.u32 s5, $0x1;
	[smem:$0x7FF] =	sst s3  }
0x8: {  	s6 =	ssub.s32 $0x2, s4;
	s4 =	sor.u32 s4, s5;
	_ =	strace $0x80000047  }
0x9: {  	s26 =	sshrl.u32 s6, $0x1;
	s7 =	sshll.u32 s4, $0xC;
	s30 =	sshll.u32 s4, $0x6  }
0xa: {  	s5 =	ssub.s32 s6, s26;
	s4 =	sadd.s32 s2, s7;
	s0 =	sadd.s32 s0, s30  }
0xb: {  	[dreg:$0x4] =	wrdreg s0;
	s31 =	sadd.s32 $0x400, s4;
	s7 =	sadd.s32 $0x800, s4  }
0xc: {  	s8 =	sadd.s32 $0xC00, s4;
	s9 =	smax.u32 s5, $0x1;
	[dreg:$0x5] =	wrdreg s31  }
.LBB2_1:
0xd: {  	s0 =	rddreg [dreg:$0x4]  }
0xe: {  	[tilespmem:s3], [sflag:$0x5] =	stream.linear.gather [hbm4b:s0+s3], $0x200, $0x38;
	[tilespmem:$0x18480] =	vst v63  }
0xf: {  	_ =	swait.ge [sflag:s10], $0x200  }
0x10: {  	[sflag:s10] =	ssyncset.done $0x0  }
0x11: {  	[sflag:s10] =	ssyncadd.s32 $0xFFFFFE00  }
0x12: {  	v0 =	vld [tilespmem:$0x0]  }
0x13: {  	v1 =	vld [tilespmem:$0x10]  }
0x14: {  	v2 =	vld [tilespmem:$0x20]  }
0x15: {  	v3 =	vld [tilespmem:$0x30]  }
0x16: {  	v4 =	vld [tilespmem:$0x40]  }
0x17: {  	v5 =	vld [tilespmem:$0x50];
	v0 =	vshrl.u32 v0, $0x1  }
0x18: {  	[tilespmem:$0x280] =	vst v0;
	v0 =	vshrl.u32 v1, $0x1;
	v1 =	vld [tilespmem:$0x60]  }
0x19: {  	[tilespmem:$0x290] =	vst v0;
	v0 =	vshrl.u32 v2, $0x1;
	v2 =	vld [tilespmem:$0x70]  }
0x1a: {  	[tilespmem:$0x2A0] =	vst v0;
	v0 =	vshrl.u32 v3, $0x1  }
0x1b: {  	[tilespmem:$0x2B0] =	vst v0;
	v0 =	vshrl.u32 v4, $0x1  }
0x1c: {  	[tilespmem:$0x2C0] =	vst v0;
	v0 =	vshrl.u32 v5, $0x1  }
0x1d: {  	[tilespmem:$0x2D0] =	vst v0;
	v0 =	vshrl.u32 v1, $0x1  }
0x1e: {  	[tilespmem:$0x2E0] =	vst v0;
	v0 =	vshrl.u32 v2, $0x1  }
0x1f: {  	s13 =	simm.s32 $0x280;
	s2 =	simm.s32 $0x480;
	[tilespmem:$0x2F0] =	vst v0  }
0x20: {  	[tilespmem:s2], [sflag:$0x1] =	stream.indirect.gather [hbm4b:s1+s11], $0x80, s13, s11, $0xb8;
	[tilespmem:$0x18480] =	vst v63  }
0x21: {  	v0 =	vld [tilespmem:$0x80]  }
0x22: {  	v1 =	vld [tilespmem:$0x90]  }
0x23: {  	v2 =	vld [tilespmem:$0xA0]  }
0x24: {  	v3 =	vld [tilespmem:$0xB0]  }
0x25: {  	v4 =	vld [tilespmem:$0xC0]  }
0x26: {  	v5 =	vld [tilespmem:$0xD0];
	v0 =	vshrl.u32 v0, $0x1  }
0x27: {  	[tilespmem:$0x300] =	vst v0;
	v0 =	vshrl.u32 v1, $0x1;
	v1 =	vld [tilespmem:$0xE0]  }
0x28: {  	[tilespmem:$0x310] =	vst v0;
	v0 =	vshrl.u32 v2, $0x1;
	v2 =	vld [tilespmem:$0xF0]  }
0x29: {  	[tilespmem:$0x320] =	vst v0;
	v0 =	vshrl.u32 v3, $0x1  }
0x2a: {  	[tilespmem:$0x330] =	vst v0;
	v0 =	vshrl.u32 v4, $0x1  }
0x2b: {  	[tilespmem:$0x340] =	vst v0;
	v0 =	vshrl.u32 v5, $0x1  }
0x2c: {  	[tilespmem:$0x350] =	vst v0;
	v0 =	vshrl.u32 v1, $0x1  }
0x2d: {  	[tilespmem:$0x360] =	vst v0;
	v0 =	vshrl.u32 v2, $0x1  }
0x2e: {  	s14 =	simm.s32 $0x300;
	s15 =	simm.s32 $0x4480;
	[tilespmem:$0x370] =	vst v0  }
0x2f: {  	[tilespmem:s15], [sflag:$0x2] =	stream.indirect.gather [hbm4b:s1+s11], $0x80, s14, s11, $0xb8;
	[tilespmem:$0x18480] =	vst v63  }
0x30: {  	v0 =	vld [tilespmem:$0x100]  }
0x31: {  	v1 =	vld [tilespmem:$0x110]  }
0x32: {  	v2 =	vld [tilespmem:$0x120]  }
0x33: {  	v3 =	vld [tilespmem:$0x130]  }
0x34: {  	v4 =	vld [tilespmem:$0x140]  }
0x35: {  	v5 =	vld [tilespmem:$0x150];
	v0 =	vshrl.u32 v0, $0x1  }
0x36: {  	[tilespmem:$0x380] =	vst v0;
	v0 =	vshrl.u32 v1, $0x1;
	v1 =	vld [tilespmem:$0x160]  }
0x37: {  	[tilespmem:$0x390] =	vst v0;
	v0 =	vshrl.u32 v2, $0x1;
	v2 =	vld [tilespmem:$0x170]  }
0x38: {  	[tilespmem:$0x3A0] =	vst v0;
	v0 =	vshrl.u32 v3, $0x1  }
0x39: {  	[tilespmem:$0x3B0] =	vst v0;
	v0 =	vshrl.u32 v4, $0x1  }
0x3a: {  	[tilespmem:$0x3C0] =	vst v0;
	v0 =	vshrl.u32 v5, $0x1  }
0x3b: {  	[tilespmem:$0x3D0] =	vst v0;
	v0 =	vshrl.u32 v1, $0x1  }
0x3c: {  	[tilespmem:$0x3E0] =	vst v0;
	v0 =	vshrl.u32 v2, $0x1  }
0x3d: {  	s16 =	simm.s32 $0x380;
	s17 =	simm.s32 $0x8480;
	[tilespmem:$0x3F0] =	vst v0  }
0x3e: {  	[tilespmem:s17], [sflag:$0x3] =	stream.indirect.gather [hbm4b:s1+s11], $0x80, s16, s11, $0xb8;
	[tilespmem:$0x18480] =	vst v63  }
0x3f: {  	_ =	swait.ge [sflag:s18], $0x4000  }
0x40: {  	[sflag:s18] =	ssyncset.done $0x0  }
0x41: {  	[sflag:s18] =	ssyncadd.s32 $0xFFFFC000  }
0x42: {  	v0 =	vld [tilespmem:$0x180]  }
0x43: {  	v1 =	vld [tilespmem:$0x190]  }
0x44: {  	v2 =	vld [tilespmem:$0x1A0]  }
0x45: {  	v3 =	vld [tilespmem:$0x1B0]  }
0x46: {  	v4 =	vld [tilespmem:$0x1C0]  }
0x47: {  	v5 =	vld [tilespmem:$0x1D0];
	v0 =	vshrl.u32 v0, $0x1  }
0x48: {  	[tilespmem:$0x400] =	vst v0;
	v0 =	vshrl.u32 v1, $0x1;
	v1 =	vld [tilespmem:$0x1E0]  }
0x49: {  	[tilespmem:$0x410] =	vst v0;
	v0 =	vshrl.u32 v2, $0x1;
	v2 =	vld [tilespmem:$0x1F0]  }
0x4a: {  	[tilespmem:$0x420] =	vst v0;
	v0 =	vshrl.u32 v3, $0x1  }
0x4b: {  	[tilespmem:$0x430] =	vst v0;
	v0 =	vshrl.u32 v4, $0x1  }
0x4c: {  	[tilespmem:$0x440] =	vst v0;
	v0 =	vshrl.u32 v5, $0x1  }
0x4d: {  	[tilespmem:$0x450] =	vst v0;
	v0 =	vshrl.u32 v1, $0x1  }
0x4e: {  	[tilespmem:$0x460] =	vst v0;
	v0 =	vshrl.u32 v2, $0x1  }
0x4f: {  	s19 =	simm.s32 $0x400;
	s20 =	simm.s32 $0xC480;
	[tilespmem:$0x470] =	vst v0  }
0x50: {  	[tilespmem:s20], [sflag:$0x1] =	stream.indirect.gather [hbm4b:s1+s11], $0x80, s19, s11, $0xb8;
	[tilespmem:$0x18480] =	vst v63  }
0x51: {  	v0 =	vld [tilespmem:s22+$0x0];
	_ =	sdelay $0x4  }
0x52: {  	v1 =	vld [tilespmem:s22+$0xFFFFFFFE];
	v0 =	vshll.u32 v0, $0x4  }
0x53: {  	(v2sf) =	vpush v0, $0x0  }
0x54: {  	(v2sf) =	vpush v0, $0x1;
	_ =	sdelay $0x2  }
0x55: {  	v0 =	vshll.u32 v1, $0x4  }
0x56: {  	(v2sf) =	vpush v0, $0x0  }
0x57: {  	(v2sf) =	vpush v0, $0x1;
	_ =	sdelay $0x4  }
0x58: {  	s2 =	simm.s32 $0x580  }
0x59: {  	v1 =	vld [tilespmem:s2+$0x80]  }
0x5a: {  	v0 =	vld [tilespmem:s2+$0x0];
	_ =	sdelay $0x1  }
0x5b: {  	s21 =	spop (v2sf)  }
0x5c: {  	s6 =	spop (v2sf)  }
0x5d: {  	v2 =	vld [tilespmem:s2+$0xFFFFFF00];
	s5 =	sand.u32 $0x10, s21;
	s6 =	sand.u32 $0x10, s6  }
0x5e: {  	v3 =	vld [tilespmem:s2+$0xFFFFFF80];
	v0 =	vshrl.u32 v0, s5;
	v1 =	vshrl.u32 v1, s6  }
0x5f: {  	s30 =	simm.s32 $0x10500;
	v0 =	vpack.i.b32.b16 v1, v0  }
0x60: {  	s23 =	spop (v2sf);
	[tilespmem:s30+$0x0] =	vst v0  }
0x61: {  	s12 =	spop (v2sf);
	v0 =	vld [tilespmem:s2+$0x10]  }
0x62: {  	s31 =	sand.u32 $0x10, s23;
	s0 =	sand.u32 $0x10, s12;
	v1 =	vld [tilespmem:s2+$0x90]  }
0x63: {  	v2 =	vshrl.u32 v2, s31;
	v3 =	vshrl.u32 v3, s0  }
0x64: {  	v2 =	vpack.i.b32.b16 v3, v2  }
0x65: {  	[tilespmem:s30+$0xFFFFFF80] =	vst v2  }
0x66: {  	v2 =	vld [tilespmem:s2+$0xFFFFFF10]  }
0x67: {  	s25 =	simm.s32 $0x6;
	v3 =	vld [tilespmem:s2+$0xFFFFFF90];
	v0 =	vshrl.u32 v0, s5;
	v1 =	vshrl.u32 v1, s6  }
0x68: {  	v4 =	vld [tilespmem:s25+$0x0];
	v0 =	vpack.i.b32.b16 v1, v0  }
0x69: {  	[tilespmem:s30+$0x10] =	vst v0  }
0x6a: {  	v0 =	vld [tilespmem:s2+$0x20]  }
0x6b: {  	v1 =	vld [tilespmem:s2+$0xA0]  }
0x6c: {  	v5 =	vld [tilespmem:s25+$0xFFFFFFFE];
	v2 =	vshrl.u32 v2, s31;
	v3 =	vshrl.u32 v3, s0  }
0x6d: {  	v2 =	vpack.i.b32.b16 v3, v2;
	v3 =	vshll.u32 v4, $0x4  }
0x6e: {  	(v2sf) =	vpush v3, $0x0  }
0x6f: {  	[tilespmem:s30+$0xFFFFFF90] =	vst v2;
	(v2sf) =	vpush v3, $0x1  }
0x70: {  	v2 =	vld [tilespmem:s2+$0xFFFFFF20];
	v0 =	vshrl.u32 v0, s5;
	v1 =	vshrl.u32 v1, s6  }
0x71: {  	v4 =	vshll.u32 v5, $0x4;
	v3 =	vld [tilespmem:s2+$0xFFFFFFA0];
	v0 =	vpack.i.b32.b16 v1, v0  }
0x72: {  	(v2sf) =	vpush v4, $0x0;
	[tilespmem:s30+$0x20] =	vst v0  }
0x73: {  	(v2sf) =	vpush v4, $0x1;
	v0 =	vld [tilespmem:s2+$0x30]  }
0x74: {  	v1 =	vld [tilespmem:s2+$0xB0];
	_ =	sdelay $0x1  }
0x75: {  	v2 =	vshrl.u32 v2, s31;
	v3 =	vshrl.u32 v3, s0  }
0x76: {  	s13 =	simm.s32 $0x780;
	v2 =	vpack.i.b32.b16 v3, v2  }
0x77: {  	v4 =	vld [tilespmem:s13+$0x0];
	[tilespmem:s30+$0xFFFFFFA0] =	vst v2  }
0x78: {  	v2 =	vld [tilespmem:s2+$0xFFFFFF30];
	v0 =	vshrl.u32 v0, s5;
	v1 =	vshrl.u32 v1, s6  }
0x79: {  	v3 =	vld [tilespmem:s2+$0xFFFFFFB0];
	v0 =	vpack.i.b32.b16 v1, v0  }
0x7a: {  	v1 =	vld [tilespmem:s13+$0x80];
	[tilespmem:s30+$0x30] =	vst v0  }
0x7b: {  	v0 =	vld [tilespmem:s2+$0x40]  }
0x7c: {  	s26 =	spop (v2sf);
	v5 =	vld [tilespmem:s2+$0xC0]  }
0x7d: {  	v6 =	vld [tilespmem:s13+$0xFFFFFF00];
	s15 =	spop (v2sf)  }
0x7e: {  	v7 =	vld [tilespmem:s13+$0xFFFFFF80];
	v2 =	vshrl.u32 v2, s31;
	v3 =	vshrl.u32 v3, s0;
	s14 =	sand.u32 $0x10, s26;
	s15 =	sand.u32 $0x10, s15  }
0x7f: {  	v2 =	vpack.i.b32.b16 v3, v2;
	v3 =	vshrl.u32 v4, s14;
	v1 =	vshrl.u32 v1, s15  }
0x80: {  	s19 =	simm.s32 $0xA;
	s12 =	simm.s32 $0x10600;
	s16 =	spop (v2sf);
	v1 =	vpack.i.b32.b16 v1, v3  }
0x81: {  	v8 =	vld [tilespmem:s19+$0x0];
	s17 =	spop (v2sf);
	[tilespmem:s12+$0x0] =	vst v1;
	v0 =	vshrl.u32 v0, s5;
	v1 =	vshrl.u32 v5, s6  }
0x82: {  	s16 =	sand.u32 $0x10, s16;
	s17 =	sand.u32 $0x10, s17;
	v3 =	vld [tilespmem:s13+$0x10];
	v0 =	vpack.i.b32.b16 v1, v0  }
0x83: {  	v4 =	vshrl.u32 v7, s17;
	v1 =	vshrl.u32 v6, s16;
	v5 =	vld [tilespmem:s13+$0x90];
	[tilespmem:s30+$0x40] =	vst v0  }
0x84: {  	v0 =	vpack.i.b32.b16 v4, v1;
	v1 =	vld [tilespmem:s2+$0x50]  }
0x85: {  	[tilespmem:s12+$0xFFFFFF80] =	vst v0;
	v0 =	vld [tilespmem:s2+$0xD0]  }
0x86: {  	v4 =	vld [tilespmem:s13+$0xFFFFFF10]  }
0x87: {  	[tilespmem:s30+$0xFFFFFFB0] =	vst v2;
	v6 =	vld [tilespmem:s13+$0xFFFFFF90]  }
0x88: {  	v2 =	vld [tilespmem:s2+$0xFFFFFF40];
	v3 =	vshrl.u32 v3, s14;
	v5 =	vshrl.u32 v5, s15  }
0x89: {  	v7 =	vld [tilespmem:s2+$0xFFFFFFC0];
	v3 =	vpack.i.b32.b16 v5, v3  }
0x8a: {  	v5 =	vld [tilespmem:s19+$0xFFFFFFFE];
	[tilespmem:s12+$0x10] =	vst v3;
	v1 =	vshrl.u32 v1, s5;
	v0 =	vshrl.u32 v0, s6  }
0x8b: {  	v3 =	vld [tilespmem:s13+$0x20];
	v0 =	vpack.i.b32.b16 v0, v1  }
0x8c: {  	v1 =	vshrl.u32 v4, s16;
	v4 =	vshrl.u32 v6, s17;
	v6 =	vld [tilespmem:s13+$0xA0];
	[tilespmem:s30+$0x50] =	vst v0  }
0x8d: {  	v0 =	vpack.i.b32.b16 v4, v1;
	v1 =	vld [tilespmem:s2+$0x60]  }
0x8e: {  	v2 =	vshrl.u32 v2, s31;
	v4 =	vshrl.u32 v7, s0;
	v7 =	vshll.u32 v8, $0x4;
	[tilespmem:s12+$0xFFFFFF90] =	vst v0;
	v0 =	vld [tilespmem:s2+$0xE0]  }
0x8f: {  	v2 =	vpack.i.b32.b16 v4, v2;
	(v2sf) =	vpush v7, $0x0;
	v4 =	vld [tilespmem:s13+$0xFFFFFF20]  }
0x90: {  	[tilespmem:s30+$0xFFFFFFC0] =	vst v2;
	(v2sf) =	vpush v7, $0x1;
	v2 =	vld [tilespmem:s13+$0xFFFFFFA0]  }
0x91: {  	v7 =	vld [tilespmem:s2+$0xFFFFFF50];
	v3 =	vshrl.u32 v3, s14;
	v6 =	vshrl.u32 v6, s15  }
0x92: {  	v5 =	vshll.u32 v5, $0x4;
	v8 =	vld [tilespmem:s2+$0xFFFFFFD0];
	v3 =	vpack.i.b32.b16 v6, v3  }
0x93: {  	(v2sf) =	vpush v5, $0x0;
	[tilespmem:s12+$0x20] =	vst v3  }
0x94: {  	(v2sf) =	vpush v5, $0x1;
	v1 =	vshrl.u32 v1, s5;
	v0 =	vshrl.u32 v0, s6;
	v3 =	vld [tilespmem:s13+$0x30]  }
0x95: {  	s19 =	simm.s32 $0x980;
	v0 =	vpack.i.b32.b16 v0, v1;
	v1 =	vshrl.u32 v4, s16;
	v2 =	vshrl.u32 v2, s17;
	v4 =	vld [tilespmem:s13+$0xB0]  }
0x96: {  	v9 =	vld [tilespmem:s19+$0xFFFFFF00];
	[tilespmem:s30+$0x60] =	vst v0;
	v0 =	vpack.i.b32.b16 v2, v1  }
0x97: {  	v2 =	vshrl.u32 v7, s31;
	v5 =	vshrl.u32 v8, s0;
	v7 =	vld [tilespmem:s19+$0x0];
	[tilespmem:s12+$0xFFFFFFA0] =	vst v0  }
0x98: {  	v2 =	vpack.i.b32.b16 v5, v2;
	v5 =	vld [tilespmem:s13+$0xFFFFFF30]  }
0x99: {  	[tilespmem:s30+$0xFFFFFFD0] =	vst v2;
	v2 =	vld [tilespmem:s13+$0xFFFFFFB0]  }
0x9a: {  	v1 =	vld [tilespmem:s2+$0x70];
	v3 =	vshrl.u32 v3, s14;
	v4 =	vshrl.u32 v4, s15  }
0x9b: {  	v0 =	vld [tilespmem:s2+$0xF0];
	v3 =	vpack.i.b32.b16 v4, v3  }
0x9c: {  	v4 =	vld [tilespmem:s19+$0x80];
	[tilespmem:s12+$0x30] =	vst v3  }
0x9d: {  	v3 =	vld [tilespmem:s13+$0x40]  }
0x9e: {  	v5 =	vshrl.u32 v5, s16;
	v2 =	vshrl.u32 v2, s17;
	v8 =	vld [tilespmem:s13+$0xC0];
	s20 =	spop (v2sf)  }
0x9f: {  	v6 =	vld [tilespmem:s2+$0xFFFFFF60];
	v2 =	vpack.i.b32.b16 v2, v5;
	s23 =	spop (v2sf)  }
0xa0: {  	v5 =	vld [tilespmem:s19+$0xFFFFFF80];
	s21 =	sand.u32 $0x10, s20;
	[tilespmem:s12+$0xFFFFFFB0] =	vst v2;
	s23 =	sand.u32 $0x10, s23  }
0xa1: {  	v2 =	vshrl.u32 v7, s21;
	v7 =	vld [tilespmem:s13+$0xFFFFFF40];
	v4 =	vshrl.u32 v4, s23  }
0xa2: {  	s20 =	simm.s32 $0x10700;
	s25 =	spop (v2sf);
	v2 =	vpack.i.b32.b16 v4, v2;
	v4 =	vld [tilespmem:s13+$0xFFFFFFC0]  }
0xa3: {  	s26 =	spop (v2sf);
	[tilespmem:s20+$0x0] =	vst v2;
	v2 =	vshrl.u32 v3, s14;
	v3 =	vshrl.u32 v8, s15;
	v8 =	vld [tilespmem:s2+$0xFFFFFFE0]  }
0xa4: {  	s25 =	sand.u32 $0x10, s25;
	s26 =	sand.u32 $0x10, s26;
	v2 =	vpack.i.b32.b16 v3, v2;
	v10 =	vld [tilespmem:s19+$0x10]  }
0xa5: {  	v5 =	vshrl.u32 v5, s26;
	v3 =	vshrl.u32 v9, s25;
	[tilespmem:s12+$0x40] =	vst v2;
	v2 =	vld [tilespmem:s19+$0x90]  }
0xa6: {  	v1 =	vshrl.u32 v1, s5;
	v63 =	vshrl.u32 v0, s6;
	v3 =	vpack.i.b32.b16 v5, v3;
	v0 =	vld [tilespmem:s13+$0x50]  }
0xa7: {  	v5 =	vpack.i.b32.b16 v63, v1;
	v7 =	vshrl.u32 v7, s16;
	[tilespmem:s20+$0xFFFFFF80] =	vst v3;
	v1 =	vld [tilespmem:s13+$0xD0];
	v4 =	vshrl.u32 v4, s17  }
0xa8: {  	[tilespmem:s30+$0x70] =	vst v5;
	v5 =	vshrl.u32 v6, s31;
	v3 =	vld [tilespmem:s19+$0xFFFFFF10];
	v6 =	vpack.i.b32.b16 v4, v7;
	v7 =	vshrl.u32 v8, s0  }
0xa9: {  	v4 =	vld [tilespmem:s19+$0xFFFFFF90];
	[tilespmem:s12+$0xFFFFFFC0] =	vst v6;
	v7 =	vpack.i.b32.b16 v7, v5  }
0xaa: {  	s5 =	simm.s32 $0x4;
	s6 =	simm.s32 $0xE;
	v5 =	vshrl.u32 v10, s21;
	v6 =	vshrl.u32 v2, s23;
	v2 =	vld [tilespmem:s13+$0xFFFFFF50];
	[tilespmem:s30+$0xFFFFFFE0] =	vst v7  }
.LBB2_2:
0xab: {  	v7 =	vld [tilespmem:s6+$0x0];
	v5 =	vpack.i.b32.b16 v6, v5  }
0xac: {  	v0 =	vshrl.u32 v0, s14;
	v6 =	vld [tilespmem:s6+$0xFFFFFFFE];
	[tilespmem:s20+$0x10] =	vst v5;
	v1 =	vshrl.u32 v1, s15  }
0xad: {  	v3 =	vshrl.u32 v3, s25;
	v5 =	vld [tilespmem:s19+$0x20];
	v0 =	vpack.i.b32.b16 v1, v0  }
0xae: {  	v1 =	vshrl.u32 v4, s26;
	v4 =	vld [tilespmem:s19+$0xA0];
	[tilespmem:s12+$0x50] =	vst v0  }
0xaf: {  	v0 =	vpack.i.b32.b16 v1, v3;
	v1 =	vshrl.u32 v2, s16;
	v2 =	vld [tilespmem:s13+$0x60]  }
0xb0: {  	v3 =	vshll.u32 v7, $0x4;
	[tilespmem:s20+$0xFFFFFF90] =	vst v0;
	v0 =	vld [tilespmem:s13+$0xE0]  }
0xb1: {  	v6 =	vshll.u32 v6, $0x4;
	(v2sf) =	vpush v3, $0x0;
	v7 =	vld [tilespmem:s19+$0xFFFFFF20]  }
0xb2: {  	(v2sf) =	vpush v3, $0x1;
	v3 =	vld [tilespmem:s19+$0xFFFFFFA0]  }
0xb3: {  	s5 =	sadd.s32 $0x2, s5;
	v5 =	vshrl.u32 v5, s21;
	(v2sf) =	vpush v6, $0x0;
	v4 =	vshrl.u32 v4, s23;
	v8 =	vld [tilespmem:s13+$0xFFFFFFD0]  }
0xb4: {  	p0 =	slt.u32 s5, $0x3E;
	(v2sf) =	vpush v6, $0x1;
	v4 =	vpack.i.b32.b16 v4, v5;
	v5 =	vld [tilespmem:s2+$0xFFFFFF70]  }
0xb5: {  	v2 =	vshrl.u32 v2, s14;
	[tilespmem:s20+$0x20] =	vst v4;
	v0 =	vshrl.u32 v0, s15;
	v4 =	vld [tilespmem:s2+$0xFFFFFFF0];
	s2 =	smov.u32 s13;
	s13 =	smov.u32 s19  }
0xb6: {  	v6 =	vshrl.u32 v7, s25;
	v7 =	vld [tilespmem:s19+$0x30];
	v0 =	vpack.i.b32.b16 v0, v2  }
0xb7: {  	v2 =	vshrl.u32 v3, s26;
	v3 =	vld [tilespmem:s19+$0xB0];
	[tilespmem:s12+$0x60] =	vst v0  }
0xb8: {  	v0 =	vpack.i.b32.b16 v2, v6;
	v2 =	vshrl.u32 v8, s17;
	v6 =	vld [tilespmem:s2+$0x70]  }
0xb9: {  	[tilespmem:s20+$0xFFFFFFA0] =	vst v0;
	v0 =	vpack.i.b32.b16 v2, v1;
	v1 =	vld [tilespmem:s2+$0xF0];
	v2 =	vshrl.u32 v5, s31;
	s31 =	smov.u32 s16;
	s16 =	smov.u32 s25  }
0xba: {  	v5 =	vld [tilespmem:s19+$0xFFFFFF30];
	[tilespmem:s12+$0xFFFFFFD0] =	vst v0;
	v0 =	vshrl.u32 v4, s0;
	s0 =	smov.u32 s17;
	s17 =	smov.u32 s26  }
0xbb: {  	v4 =	vld [tilespmem:s19+$0xFFFFFFB0];
	v0 =	vpack.i.b32.b16 v0, v2  }
0xbc: {  	v2 =	vshrl.u32 v7, s21;
	s19 =	sadd.s32 $0x200, s19;
	v3 =	vshrl.u32 v3, s23;
	v7 =	vld [tilespmem:s2+$0xFFFFFF60];
	[tilespmem:s30+$0xFFFFFFF0] =	vst v0;
	s30 =	smov.u32 s12;
	s12 =	smov.u32 s20  }
0xbd: {  	v0 =	vld [tilespmem:s19+$0x0];
	v2 =	vpack.i.b32.b16 v3, v2  }
0xbe: {  	v3 =	vld [tilespmem:s19+$0x80];
	[tilespmem:s20+$0x30] =	vst v2;
	v2 =	vshrl.u32 v6, s14;
	v1 =	vshrl.u32 v1, s15;
	s14 =	smov.u32 s21;
	s15 =	smov.u32 s23  }
0xbf: {  	v5 =	vshrl.u32 v5, s16;
	v6 =	vld [tilespmem:s13+$0x40];
	v1 =	vpack.i.b32.b16 v1, v2  }
0xc0: {  	s21 =	spop (v2sf);
	v2 =	vshrl.u32 v4, s17;
	v4 =	vld [tilespmem:s13+$0xC0];
	[tilespmem:s30+$0x70] =	vst v1  }
0xc1: {  	v1 =	vld [tilespmem:s19+$0xFFFFFF00];
	s23 =	spop (v2sf);
	v2 =	vpack.i.b32.b16 v2, v5;
	v5 =	vshrl.u32 v7, s31  }
0xc2: {  	s21 =	sand.u32 $0x10, s21;
	v7 =	vld [tilespmem:s19+$0xFFFFFF80];
	s23 =	sand.u32 $0x10, s23;
	s25 =	spop (v2sf);
	[tilespmem:s20+$0xFFFFFFB0] =	vst v2  }
0xc3: {  	v0 =	vshrl.u32 v0, s21;
	s25 =	sand.u32 $0x10, s25;
	v2 =	vshrl.u32 v3, s23;
	s26 =	spop (v2sf);
	v3 =	vld [tilespmem:s13+$0xFFFFFF40]  }
0xc4: {  	s20 =	sadd.s32 $0x100, s20;
	s26 =	sand.u32 $0x10, s26;
	v0 =	vpack.i.b32.b16 v2, v0;
	v2 =	vld [tilespmem:s13+$0xFFFFFFC0]  }
0xc5: {  	[tilespmem:s20+$0x0] =	vst v0;
	v0 =	vshrl.u32 v6, s14;
	v4 =	vshrl.u32 v4, s15;
	v6 =	vld [tilespmem:s2+$0xFFFFFFE0]  }
0xc6: {  	v1 =	vshrl.u32 v1, s25;
	v8 =	vld [tilespmem:s19+$0x10];
	v0 =	vpack.i.b32.b16 v4, v0  }
0xc7: {  	v4 =	vshrl.u32 v7, s26;
	v7 =	vld [tilespmem:s19+$0x90];
	[tilespmem:s12+$0x40] =	vst v0  }
.Ltmp0:
0xc8: {  	v1 =	vpack.i.b32.b16 v4, v1;
	v4 =	vshrl.u32 v3, s16;
	v0 =	vld [tilespmem:s13+$0x50];
	(pc) =	sbr.rel @p0 .LBB2_2-.Ltmp0, $4  }
0xc9: {  	[tilespmem:s20+$0xFFFFFF80] =	vst v1;
	v2 =	vshrl.u32 v2, s17;
	v1 =	vld [tilespmem:s13+$0xD0]  }
0xca: {  	v3 =	vld [tilespmem:s19+$0xFFFFFF10];
	v2 =	vpack.i.b32.b16 v2, v4;
	v6 =	vshrl.u32 v6, s0  }
0xcb: {  	v4 =	vld [tilespmem:s19+$0xFFFFFF90];
	[tilespmem:s12+$0xFFFFFFC0] =	vst v2;
	v9 =	vpack.i.b32.b16 v6, v5  }
0xcc: {  	s6 =	sadd.s32 $0x4, s6;
	v5 =	vshrl.u32 v8, s21;
	v6 =	vshrl.u32 v7, s23;
	v2 =	vld [tilespmem:s13+$0xFFFFFF50];
	[tilespmem:s30+$0xFFFFFFE0] =	vst v9  }
0xcd: {  	_ =	sdelay $0x1  }
0xce: {  	v5 =	vpack.i.b32.b16 v6, v5  }
0xcf: {  	[tilespmem:s20+$0x10] =	vst v5;
	v3 =	vshrl.u32 v3, s25;
	v4 =	vshrl.u32 v4, s26  }
0xd0: {  	v5 =	vld [tilespmem:s19+$0x20];
	v3 =	vpack.i.b32.b16 v4, v3  }
0xd1: {  	v4 =	vld [tilespmem:s19+$0xA0];
	[tilespmem:s20+$0xFFFFFF90] =	vst v3  }
0xd2: {  	v3 =	vld [tilespmem:s19+$0xFFFFFF20]  }
0xd3: {  	v6 =	vld [tilespmem:s19+$0xFFFFFFA0];
	_ =	sdelay $0x2  }
0xd4: {  	v5 =	vshrl.u32 v5, s21;
	v4 =	vshrl.u32 v4, s23  }
0xd5: {  	v4 =	vpack.i.b32.b16 v4, v5  }
0xd6: {  	[tilespmem:s20+$0x20] =	vst v4;
	v3 =	vshrl.u32 v3, s25;
	v4 =	vshrl.u32 v6, s26  }
0xd7: {  	v5 =	vld [tilespmem:s19+$0x30];
	v3 =	vpack.i.b32.b16 v4, v3  }
0xd8: {  	v4 =	vld [tilespmem:s19+$0xB0];
	[tilespmem:s20+$0xFFFFFFA0] =	vst v3  }
0xd9: {  	v3 =	vld [tilespmem:s19+$0xFFFFFF30]  }
0xda: {  	v6 =	vld [tilespmem:s19+$0xFFFFFFB0];
	_ =	sdelay $0x2  }
0xdb: {  	v5 =	vshrl.u32 v5, s21;
	v4 =	vshrl.u32 v4, s23  }
0xdc: {  	v4 =	vpack.i.b32.b16 v4, v5  }
0xdd: {  	[tilespmem:s20+$0x30] =	vst v4;
	v3 =	vshrl.u32 v3, s25;
	v4 =	vshrl.u32 v6, s26  }
0xde: {  	v5 =	vld [tilespmem:s19+$0x40];
	v3 =	vpack.i.b32.b16 v4, v3  }
0xdf: {  	v4 =	vld [tilespmem:s19+$0xC0];
	[tilespmem:s20+$0xFFFFFFB0] =	vst v3  }
0xe0: {  	v3 =	vld [tilespmem:s19+$0xFFFFFF40]  }
0xe1: {  	v6 =	vld [tilespmem:s19+$0xFFFFFFC0];
	_ =	sdelay $0x2  }
0xe2: {  	v5 =	vshrl.u32 v5, s21;
	v4 =	vshrl.u32 v4, s23  }
0xe3: {  	v4 =	vpack.i.b32.b16 v4, v5  }
0xe4: {  	v5 =	vld [tilespmem:s13+$0xFFFFFFD0];
	[tilespmem:s20+$0x40] =	vst v4;
	v3 =	vshrl.u32 v3, s25;
	v4 =	vshrl.u32 v6, s26  }
0xe5: {  	v6 =	vld [tilespmem:s19+$0x50];
	v3 =	vpack.i.b32.b16 v4, v3  }
0xe6: {  	v0 =	vshrl.u32 v0, s14;
	v1 =	vshrl.u32 v1, s15;
	v4 =	vld [tilespmem:s19+$0xD0];
	[tilespmem:s20+$0xFFFFFFC0] =	vst v3  }
0xe7: {  	v0 =	vpack.i.b32.b16 v1, v0;
	v1 =	vld [tilespmem:s19+$0xFFFFFF50]  }
0xe8: {  	[tilespmem:s12+$0x50] =	vst v0;
	v0 =	vld [tilespmem:s19+$0xFFFFFFD0]  }
0xe9: {  	v8 =	vld [tilespmem:s2+$0xFFFFFFF0];
	v2 =	vshrl.u32 v2, s16;
	v5 =	vshrl.u32 v5, s17  }
0xea: {  	v7 =	vld [tilespmem:s13+$0xE0];
	v2 =	vpack.i.b32.b16 v5, v2  }
0xeb: {  	v3 =	vld [tilespmem:s13+$0x60];
	[tilespmem:s12+$0xFFFFFFD0] =	vst v2;
	v2 =	vshrl.u32 v6, s21;
	v4 =	vshrl.u32 v4, s23  }
0xec: {  	v6 =	vld [tilespmem:s13+$0xFFFFFF60];
	v2 =	vpack.i.b32.b16 v4, v2  }
0xed: {  	v4 =	vld [tilespmem:s13+$0xFFFFFFE0];
	[tilespmem:s20+$0x50] =	vst v2;
	v1 =	vshrl.u32 v1, s25;
	v0 =	vshrl.u32 v0, s26  }
0xee: {  	v2 =	vld [tilespmem:s19+$0x60];
	v0 =	vpack.i.b32.b16 v0, v1  }
0xef: {  	v1 =	vld [tilespmem:s19+$0xE0];
	[tilespmem:s20+$0xFFFFFFD0] =	vst v0  }
0xf0: {  	v0 =	vshrl.u32 v3, s14;
	v3 =	vshrl.u32 v7, s15;
	v7 =	vld [tilespmem:s19+$0xFFFFFF60]  }
0xf1: {  	v0 =	vpack.i.b32.b16 v3, v0;
	v3 =	vld [tilespmem:s19+$0xFFFFFFE0]  }
0xf2: {  	v5 =	vld [tilespmem:s2+$0xFFFFFF70];
	[tilespmem:s12+$0x60] =	vst v0;
	v0 =	vshrl.u32 v6, s16;
	v4 =	vshrl.u32 v4, s17  }
0xf3: {  	v6 =	vld [tilespmem:s13+$0x70];
	v0 =	vpack.i.b32.b16 v4, v0  }
0xf4: {  	v4 =	vld [tilespmem:s13+$0xF0];
	[tilespmem:s12+$0xFFFFFFE0] =	vst v0;
	v0 =	vshrl.u32 v2, s21;
	v1 =	vshrl.u32 v1, s23  }
0xf5: {  	v2 =	vld [tilespmem:s13+$0xFFFFFF70];
	v0 =	vpack.i.b32.b16 v1, v0  }
0xf6: {  	v1 =	vld [tilespmem:s13+$0xFFFFFFF0];
	[tilespmem:s20+$0x60] =	vst v0;
	v0 =	vshrl.u32 v7, s25;
	v3 =	vshrl.u32 v3, s26  }
0xf7: {  	v7 =	vld [tilespmem:s19+$0x70];
	v0 =	vpack.i.b32.b16 v3, v0  }
0xf8: {  	v3 =	vld [tilespmem:s19+$0xF0];
	[tilespmem:s20+$0xFFFFFFE0] =	vst v0  }
0xf9: {  	v0 =	vld [tilespmem:s19+$0xFFFFFF70]  }
0xfa: {  	v9 =	vld [tilespmem:s19+$0xFFFFFFF0]  }
0xfb: {  	v8 =	vshrl.u32 v8, s0;
	v5 =	vshrl.u32 v5, s31  }
0xfc: {  	v5 =	vpack.i.b32.b16 v8, v5;
	v6 =	vshrl.u32 v6, s14;
	v4 =	vshrl.u32 v4, s15  }
0xfd: {  	[tilespmem:s30+$0xFFFFFFF0] =	vst v5;
	v4 =	vpack.i.b32.b16 v4, v6;
	v2 =	vshrl.u32 v2, s16;
	v1 =	vshrl.u32 v1, s17  }
0xfe: {  	[tilespmem:s12+$0x70] =	vst v4;
	v1 =	vpack.i.b32.b16 v1, v2;
	v2 =	vshrl.u32 v7, s21;
	v3 =	vshrl.u32 v3, s23  }
0xff: {  	[tilespmem:s12+$0xFFFFFFF0] =	vst v1;
	v1 =	vpack.i.b32.b16 v3, v2;
	v0 =	vshrl.u32 v0, s25;
	v2 =	vshrl.u32 v9, s26  }
0x100: {  	[tilespmem:s20+$0x70] =	vst v1;
	v0 =	vpack.i.b32.b16 v2, v0  }
0x101: {  	s6 =	simm.s32 $0x10480;
	[tilespmem:s20+$0xFFFFFFF0] =	vst v0  }
0x102: {  	[hbm4b:s4+s3] =	stream.linear.scatter [tilespmem:s6], [sflag:$0x4], $0x2000, $0x38;
	[tilespmem:$0x18480] =	vst v63  }
0x103: {  	_ =	swait.ge [sflag:s22], $0x4000  }
0x104: {  	[sflag:s22] =	ssyncset.done $0x0  }
0x105: {  	s12 =	simm.s32 $0x82;
	[sflag:s22] =	ssyncadd.s32 $0xFFFFC000  }
0x106: {  	v0 =	vld [tilespmem:s12+$0x0];
	_ =	sdelay $0x4  }
0x107: {  	v1 =	vld [tilespmem:s12+$0xFFFFFFFE];
	v0 =	vshll.u32 v0, $0x4  }
0x108: {  	(v2sf) =	vpush v0, $0x0  }
0x109: {  	(v2sf) =	vpush v0, $0x1;
	_ =	sdelay $0x2  }
0x10a: {  	v0 =	vshll.u32 v1, $0x4  }
0x10b: {  	(v2sf) =	vpush v0, $0x0  }
0x10c: {  	(v2sf) =	vpush v0, $0x1;
	_ =	sdelay $0x4  }
0x10d: {  	s2 =	simm.s32 $0x4670  }
0x10e: {  	v1 =	vld [tilespmem:s2+$0xFFFFFF90]  }
0x10f: {  	v0 =	vld [tilespmem:s2+$0xFFFFFF10];
	_ =	sdelay $0x1  }
0x110: {  	s13 =	spop (v2sf)  }
0x111: {  	s6 =	spop (v2sf)  }
0x112: {  	v2 =	vld [tilespmem:s2+$0xFFFFFE10];
	s5 =	sand.u32 $0x10, s13;
	s6 =	sand.u32 $0x10, s6  }
0x113: {  	v3 =	vld [tilespmem:s2+$0xFFFFFE90];
	v0 =	vshrl.u32 v0, s5;
	v1 =	vshrl.u32 v1, s6  }
0x114: {  	s30 =	simm.s32 $0x12570;
	v0 =	vpack.i.b32.b16 v1, v0  }
0x115: {  	s14 =	spop (v2sf);
	[tilespmem:s30+$0xFFFFFF90] =	vst v0  }
0x116: {  	s15 =	spop (v2sf);
	v0 =	vld [tilespmem:s2+$0xFFFFFF20]  }
0x117: {  	s0 =	sand.u32 $0x10, s14;
	s31 =	sand.u32 $0x10, s15;
	v1 =	vld [tilespmem:s2+$0xFFFFFFA0]  }
0x118: {  	v2 =	vshrl.u32 v2, s0;
	v3 =	vshrl.u32 v3, s31  }
0x119: {  	v2 =	vpack.i.b32.b16 v3, v2  }
0x11a: {  	[tilespmem:s30+$0xFFFFFF10] =	vst v2  }
0x11b: {  	v2 =	vld [tilespmem:s2+$0xFFFFFE20]  }
0x11c: {  	s16 =	simm.s32 $0x86;
	v3 =	vld [tilespmem:s2+$0xFFFFFEA0];
	v0 =	vshrl.u32 v0, s5;
	v1 =	vshrl.u32 v1, s6  }
0x11d: {  	v4 =	vld [tilespmem:s16+$0x0];
	v0 =	vpack.i.b32.b16 v1, v0  }
0x11e: {  	[tilespmem:s30+$0xFFFFFFA0] =	vst v0  }
0x11f: {  	v0 =	vld [tilespmem:s2+$0xFFFFFF30]  }
0x120: {  	v1 =	vld [tilespmem:s2+$0xFFFFFFB0]  }
0x121: {  	v5 =	vld [tilespmem:s16+$0xFFFFFFFE];
	v2 =	vshrl.u32 v2, s0;
	v3 =	vshrl.u32 v3, s31  }
0x122: {  	v2 =	vpack.i.b32.b16 v3, v2;
	v3 =	vshll.u32 v4, $0x4  }
0x123: {  	(v2sf) =	vpush v3, $0x0  }
0x124: {  	[tilespmem:s30+$0xFFFFFF20] =	vst v2;
	(v2sf) =	vpush v3, $0x1  }
0x125: {  	v2 =	vld [tilespmem:s2+$0xFFFFFE30];
	v0 =	vshrl.u32 v0, s5;
	v1 =	vshrl.u32 v1, s6  }
0x126: {  	v4 =	vshll.u32 v5, $0x4;
	v3 =	vld [tilespmem:s2+$0xFFFFFEB0];
	v0 =	vpack.i.b32.b16 v1, v0  }
0x127: {  	(v2sf) =	vpush v4, $0x0;
	[tilespmem:s30+$0xFFFFFFB0] =	vst v0  }
0x128: {  	(v2sf) =	vpush v4, $0x1;
	v0 =	vld [tilespmem:s2+$0xFFFFFF40]  }
0x129: {  	v1 =	vld [tilespmem:s2+$0xFFFFFFC0];
	_ =	sdelay $0x1  }
0x12a: {  	v2 =	vshrl.u32 v2, s0;
	v3 =	vshrl.u32 v3, s31  }
0x12b: {  	s13 =	simm.s32 $0x4870;
	v2 =	vpack.i.b32.b16 v3, v2  }
0x12c: {  	v4 =	vld [tilespmem:s13+$0xFFFFFF10];
	[tilespmem:s30+$0xFFFFFF30] =	vst v2  }
0x12d: {  	v2 =	vld [tilespmem:s2+$0xFFFFFE40];
	v0 =	vshrl.u32 v0, s5;
	v1 =	vshrl.u32 v1, s6  }
0x12e: {  	v3 =	vld [tilespmem:s2+$0xFFFFFEC0];
	v0 =	vpack.i.b32.b16 v1, v0  }
0x12f: {  	v1 =	vld [tilespmem:s13+$0xFFFFFF90];
	[tilespmem:s30+$0xFFFFFFC0] =	vst v0  }
0x130: {  	v0 =	vld [tilespmem:s2+$0xFFFFFF50]  }
0x131: {  	s17 =	spop (v2sf);
	v5 =	vld [tilespmem:s2+$0xFFFFFFD0]  }
0x132: {  	v6 =	vld [tilespmem:s13+$0xFFFFFE10];
	s19 =	spop (v2sf)  }
0x133: {  	v7 =	vld [tilespmem:s13+$0xFFFFFE90];
	v2 =	vshrl.u32 v2, s0;
	v3 =	vshrl.u32 v3, s31;
	s14 =	sand.u32 $0x10, s17;
	s15 =	sand.u32 $0x10, s19  }
0x134: {  	v2 =	vpack.i.b32.b16 v3, v2;
	v3 =	vshrl.u32 v4, s14;
	v1 =	vshrl.u32 v1, s15  }
0x135: {  	s23 =	simm.s32 $0x8A;
	s12 =	simm.s32 $0x12670;
	s20 =	spop (v2sf);
	v1 =	vpack.i.b32.b16 v1, v3  }
0x136: {  	v8 =	vld [tilespmem:s23+$0x0];
	s21 =	spop (v2sf);
	[tilespmem:s12+$0xFFFFFF90] =	vst v1;
	v0 =	vshrl.u32 v0, s5;
	v1 =	vshrl.u32 v5, s6  }
0x137: {  	s16 =	sand.u32 $0x10, s20;
	s17 =	sand.u32 $0x10, s21;
	v3 =	vld [tilespmem:s13+$0xFFFFFF20];
	v0 =	vpack.i.b32.b16 v1, v0  }
0x138: {  	v4 =	vshrl.u32 v7, s17;
	v1 =	vshrl.u32 v6, s16;
	v5 =	vld [tilespmem:s13+$0xFFFFFFA0];
	[tilespmem:s30+$0xFFFFFFD0] =	vst v0  }
0x139: {  	v0 =	vpack.i.b32.b16 v4, v1;
	v1 =	vld [tilespmem:s2+$0xFFFFFF60]  }
0x13a: {  	[tilespmem:s12+$0xFFFFFF10] =	vst v0;
	v0 =	vld [tilespmem:s2+$0xFFFFFFE0]  }
0x13b: {  	v4 =	vld [tilespmem:s13+$0xFFFFFE20]  }
0x13c: {  	[tilespmem:s30+$0xFFFFFF40] =	vst v2;
	v6 =	vld [tilespmem:s13+$0xFFFFFEA0]  }
0x13d: {  	v2 =	vld [tilespmem:s2+$0xFFFFFE50];
	v3 =	vshrl.u32 v3, s14;
	v5 =	vshrl.u32 v5, s15  }
0x13e: {  	v7 =	vld [tilespmem:s2+$0xFFFFFED0];
	v3 =	vpack.i.b32.b16 v5, v3  }
0x13f: {  	v5 =	vld [tilespmem:s23+$0xFFFFFFFE];
	[tilespmem:s12+$0xFFFFFFA0] =	vst v3;
	v1 =	vshrl.u32 v1, s5;
	v0 =	vshrl.u32 v0, s6  }
0x140: {  	v3 =	vld [tilespmem:s13+$0xFFFFFF30];
	v0 =	vpack.i.b32.b16 v0, v1  }
0x141: {  	v1 =	vshrl.u32 v4, s16;
	v4 =	vshrl.u32 v6, s17;
	v6 =	vld [tilespmem:s13+$0xFFFFFFB0];
	[tilespmem:s30+$0xFFFFFFE0] =	vst v0  }
0x142: {  	v0 =	vpack.i.b32.b16 v4, v1;
	v1 =	vld [tilespmem:s2+$0xFFFFFF70]  }
0x143: {  	v2 =	vshrl.u32 v2, s0;
	v4 =	vshrl.u32 v7, s31;
	v7 =	vshll.u32 v8, $0x4;
	[tilespmem:s12+$0xFFFFFF20] =	vst v0;
	v0 =	vld [tilespmem:s2+$0xFFFFFFF0]  }
0x144: {  	v2 =	vpack.i.b32.b16 v4, v2;
	(v2sf) =	vpush v7, $0x0;
	v4 =	vld [tilespmem:s13+$0xFFFFFE30]  }
0x145: {  	[tilespmem:s30+$0xFFFFFF50] =	vst v2;
	(v2sf) =	vpush v7, $0x1;
	v2 =	vld [tilespmem:s13+$0xFFFFFEB0]  }
0x146: {  	v7 =	vld [tilespmem:s2+$0xFFFFFE60];
	v3 =	vshrl.u32 v3, s14;
	v6 =	vshrl.u32 v6, s15  }
0x147: {  	v5 =	vshll.u32 v5, $0x4;
	v8 =	vld [tilespmem:s2+$0xFFFFFEE0];
	v3 =	vpack.i.b32.b16 v6, v3  }
0x148: {  	(v2sf) =	vpush v5, $0x0;
	[tilespmem:s12+$0xFFFFFFB0] =	vst v3  }
0x149: {  	(v2sf) =	vpush v5, $0x1;
	v1 =	vshrl.u32 v1, s5;
	v0 =	vshrl.u32 v0, s6;
	v3 =	vld [tilespmem:s13+$0xFFFFFF40]  }
0x14a: {  	s19 =	simm.s32 $0x4A70;
	v0 =	vpack.i.b32.b16 v0, v1;
	v1 =	vshrl.u32 v4, s16;
	v2 =	vshrl.u32 v2, s17;
	v4 =	vld [tilespmem:s13+$0xFFFFFFC0]  }
0x14b: {  	v62 =	vld [tilespmem:s19+$0xFFFFFE10];
	[tilespmem:s30+$0xFFFFFFF0] =	vst v0;
	v0 =	vpack.i.b32.b16 v2, v1  }
0x14c: {  	v2 =	vshrl.u32 v7, s0;
	v5 =	vshrl.u32 v8, s31;
	v7 =	vld [tilespmem:s19+$0xFFFFFF10];
	[tilespmem:s12+$0xFFFFFF30] =	vst v0  }
0x14d: {  	v2 =	vpack.i.b32.b16 v5, v2;
	v5 =	vld [tilespmem:s13+$0xFFFFFE40]  }
0x14e: {  	[tilespmem:s30+$0xFFFFFF60] =	vst v2;
	v2 =	vld [tilespmem:s13+$0xFFFFFEC0]  }
0x14f: {  	v1 =	vld [tilespmem:s2+$0xFFFFFF80];
	v3 =	vshrl.u32 v3, s14;
	v4 =	vshrl.u32 v4, s15  }
0x150: {  	v0 =	vld [tilespmem:s2+$0x0];
	v3 =	vpack.i.b32.b16 v4, v3  }
0x151: {  	v4 =	vld [tilespmem:s19+$0xFFFFFF90];
	[tilespmem:s12+$0xFFFFFFC0] =	vst v3  }
0x152: {  	v3 =	vld [tilespmem:s13+$0xFFFFFF50]  }
0x153: {  	v5 =	vshrl.u32 v5, s16;
	v2 =	vshrl.u32 v2, s17;
	v8 =	vld [tilespmem:s13+$0xFFFFFFD0];
	s25 =	spop (v2sf)  }
0x154: {  	v6 =	vld [tilespmem:s2+$0xFFFFFE70];
	v2 =	vpack.i.b32.b16 v2, v5;
	s26 =	spop (v2sf)  }
0x155: {  	v5 =	vld [tilespmem:s19+$0xFFFFFE90];
	s21 =	sand.u32 $0x10, s25;
	[tilespmem:s12+$0xFFFFFF40] =	vst v2;
	s23 =	sand.u32 $0x10, s26  }
0x156: {  	v2 =	vshrl.u32 v7, s21;
	v7 =	vld [tilespmem:s13+$0xFFFFFE50];
	v4 =	vshrl.u32 v4, s23  }
0x157: {  	s20 =	simm.s32 $0x12770;
	s25 =	spop (v2sf);
	v2 =	vpack.i.b32.b16 v4, v2;
	v4 =	vld [tilespmem:s13+$0xFFFFFED0]  }
0x158: {  	s26 =	spop (v2sf);
	[tilespmem:s20+$0xFFFFFF90] =	vst v2;
	v2 =	vshrl.u32 v3, s14;
	v3 =	vshrl.u32 v8, s15;
	v8 =	vld [tilespmem:s2+$0xFFFFFEF0]  }
0x159: {  	s25 =	sand.u32 $0x10, s25;
	s26 =	sand.u32 $0x10, s26;
	v2 =	vpack.i.b32.b16 v3, v2;
	v10 =	vld [tilespmem:s19+$0xFFFFFF20]  }
0x15a: {  	v5 =	vshrl.u32 v5, s26;
	v3 =	vshrl.u32 v62, s25;
	[tilespmem:s12+$0xFFFFFFD0] =	vst v2;
	v2 =	vld [tilespmem:s19+$0xFFFFFFA0]  }
0x15b: {  	v1 =	vshrl.u32 v1, s5;
	v63 =	vshrl.u32 v0, s6;
	v3 =	vpack.i.b32.b16 v5, v3;
	v0 =	vld [tilespmem:s13+$0xFFFFFF60]  }
0x15c: {  	v5 =	vpack.i.b32.b16 v63, v1;
	v7 =	vshrl.u32 v7, s16;
	[tilespmem:s20+$0xFFFFFF10] =	vst v3;
	v1 =	vld [tilespmem:s13+$0xFFFFFFE0];
	v4 =	vshrl.u32 v4, s17  }
0x15d: {  	[tilespmem:s30+$0x0] =	vst v5;
	v5 =	vshrl.u32 v6, s0;
	v3 =	vld [tilespmem:s19+$0xFFFFFE20];
	v6 =	vpack.i.b32.b16 v4, v7;
	v7 =	vshrl.u32 v8, s31  }
0x15e: {  	v4 =	vld [tilespmem:s19+$0xFFFFFEA0];
	[tilespmem:s12+$0xFFFFFF50] =	vst v6;
	v7 =	vpack.i.b32.b16 v7, v5  }
0x15f: {  	s5 =	simm.s32 $0x44;
	s6 =	simm.s32 $0x8E;
	v5 =	vshrl.u32 v10, s21;
	v6 =	vshrl.u32 v2, s23;
	v2 =	vld [tilespmem:s13+$0xFFFFFE60];
	[tilespmem:s30+$0xFFFFFF70] =	vst v7  }
.LBB2_4:
0x160: {  	v7 =	vld [tilespmem:s6+$0x0];
	v5 =	vpack.i.b32.b16 v6, v5  }
0x161: {  	v0 =	vshrl.u32 v0, s14;
	v6 =	vld [tilespmem:s6+$0xFFFFFFFE];
	[tilespmem:s20+$0xFFFFFFA0] =	vst v5;
	v1 =	vshrl.u32 v1, s15  }
0x162: {  	v3 =	vshrl.u32 v3, s25;
	v5 =	vld [tilespmem:s19+$0xFFFFFF30];
	v0 =	vpack.i.b32.b16 v1, v0  }
0x163: {  	v1 =	vshrl.u32 v4, s26;
	v4 =	vld [tilespmem:s19+$0xFFFFFFB0];
	[tilespmem:s12+$0xFFFFFFE0] =	vst v0  }
0x164: {  	v0 =	vpack.i.b32.b16 v1, v3;
	v1 =	vshrl.u32 v2, s16;
	v2 =	vld [tilespmem:s13+$0xFFFFFF70]  }
0x165: {  	v3 =	vshll.u32 v7, $0x4;
	[tilespmem:s20+$0xFFFFFF20] =	vst v0;
	v0 =	vld [tilespmem:s13+$0xFFFFFFF0]  }
0x166: {  	v6 =	vshll.u32 v6, $0x4;
	(v2sf) =	vpush v3, $0x0;
	v7 =	vld [tilespmem:s19+$0xFFFFFE30]  }
0x167: {  	(v2sf) =	vpush v3, $0x1;
	v3 =	vld [tilespmem:s19+$0xFFFFFEB0]  }
0x168: {  	s5 =	sadd.s32 $0x2, s5;
	v5 =	vshrl.u32 v5, s21;
	(v2sf) =	vpush v6, $0x0;
	v4 =	vshrl.u32 v4, s23;
	v8 =	vld [tilespmem:s13+$0xFFFFFEE0]  }
0x169: {  	p0 =	slt.u32 s5, $0x7E;
	(v2sf) =	vpush v6, $0x1;
	v4 =	vpack.i.b32.b16 v4, v5;
	v5 =	vld [tilespmem:s2+$0xFFFFFE80]  }
0x16a: {  	v2 =	vshrl.u32 v2, s14;
	[tilespmem:s20+$0xFFFFFFB0] =	vst v4;
	v0 =	vshrl.u32 v0, s15;
	v4 =	vld [tilespmem:s2+$0xFFFFFF00];
	s2 =	smov.u32 s13;
	s13 =	smov.u32 s19  }
0x16b: {  	v6 =	vshrl.u32 v7, s25;
	v7 =	vld [tilespmem:s19+$0xFFFFFF40];
	v0 =	vpack.i.b32.b16 v0, v2  }
0x16c: {  	v2 =	vshrl.u32 v3, s26;
	v3 =	vld [tilespmem:s19+$0xFFFFFFC0];
	[tilespmem:s12+$0xFFFFFFF0] =	vst v0  }
0x16d: {  	v0 =	vpack.i.b32.b16 v2, v6;
	v2 =	vshrl.u32 v8, s17;
	v6 =	vld [tilespmem:s2+$0xFFFFFF80]  }
0x16e: {  	[tilespmem:s20+$0xFFFFFF30] =	vst v0;
	v0 =	vpack.i.b32.b16 v2, v1;
	v1 =	vld [tilespmem:s2+$0x0];
	v2 =	vshrl.u32 v5, s0;
	s0 =	smov.u32 s16;
	s16 =	smov.u32 s25  }
0x16f: {  	v5 =	vld [tilespmem:s19+$0xFFFFFE40];
	[tilespmem:s12+$0xFFFFFF60] =	vst v0;
	v0 =	vshrl.u32 v4, s31;
	s31 =	smov.u32 s17;
	s17 =	smov.u32 s26  }
0x170: {  	v4 =	vld [tilespmem:s19+$0xFFFFFEC0];
	v0 =	vpack.i.b32.b16 v0, v2  }
0x171: {  	v2 =	vshrl.u32 v7, s21;
	s19 =	sadd.s32 $0x200, s19;
	v3 =	vshrl.u32 v3, s23;
	v7 =	vld [tilespmem:s2+$0xFFFFFE70];
	[tilespmem:s30+$0xFFFFFF80] =	vst v0;
	s30 =	smov.u32 s12;
	s12 =	smov.u32 s20  }
0x172: {  	v0 =	vld [tilespmem:s19+$0xFFFFFF10];
	v2 =	vpack.i.b32.b16 v3, v2  }
0x173: {  	v3 =	vld [tilespmem:s19+$0xFFFFFF90];
	[tilespmem:s20+$0xFFFFFFC0] =	vst v2;
	v2 =	vshrl.u32 v6, s14;
	v1 =	vshrl.u32 v1, s15;
	s14 =	smov.u32 s21;
	s15 =	smov.u32 s23  }
0x174: {  	v5 =	vshrl.u32 v5, s16;
	v6 =	vld [tilespmem:s13+$0xFFFFFF50];
	v1 =	vpack.i.b32.b16 v1, v2  }
0x175: {  	s21 =	spop (v2sf);
	v2 =	vshrl.u32 v4, s17;
	v4 =	vld [tilespmem:s13+$0xFFFFFFD0];
	[tilespmem:s30+$0x0] =	vst v1  }
0x176: {  	v1 =	vld [tilespmem:s19+$0xFFFFFE10];
	s23 =	spop (v2sf);
	v2 =	vpack.i.b32.b16 v2, v5;
	v5 =	vshrl.u32 v7, s0  }
0x177: {  	s21 =	sand.u32 $0x10, s21;
	v7 =	vld [tilespmem:s19+$0xFFFFFE90];
	s23 =	sand.u32 $0x10, s23;
	s25 =	spop (v2sf);
	[tilespmem:s20+$0xFFFFFF40] =	vst v2  }
0x178: {  	v0 =	vshrl.u32 v0, s21;
	s25 =	sand.u32 $0x10, s25;
	v2 =	vshrl.u32 v3, s23;
	s26 =	spop (v2sf);
	v3 =	vld [tilespmem:s13+$0xFFFFFE50]  }
0x179: {  	s20 =	sadd.s32 $0x100, s20;
	s26 =	sand.u32 $0x10, s26;
	v0 =	vpack.i.b32.b16 v2, v0;
	v2 =	vld [tilespmem:s13+$0xFFFFFED0]  }
0x17a: {  	[tilespmem:s20+$0xFFFFFF90] =	vst v0;
	v0 =	vshrl.u32 v6, s14;
	v4 =	vshrl.u32 v4, s15;
	v6 =	vld [tilespmem:s2+$0xFFFFFEF0]  }
0x17b: {  	v1 =	vshrl.u32 v1, s25;
	v8 =	vld [tilespmem:s19+$0xFFFFFF20];
	v0 =	vpack.i.b32.b16 v4, v0  }
0x17c: {  	v4 =	vshrl.u32 v7, s26;
	v7 =	vld [tilespmem:s19+$0xFFFFFFA0];
	[tilespmem:s12+$0xFFFFFFD0] =	vst v0  }
.Ltmp1:
0x17d: {  	v1 =	vpack.i.b32.b16 v4, v1;
	v4 =	vshrl.u32 v3, s16;
	v0 =	vld [tilespmem:s13+$0xFFFFFF60];
	(pc) =	sbr.rel @p0 .LBB2_4-.Ltmp1, $4  }
0x17e: {  	[tilespmem:s20+$0xFFFFFF10] =	vst v1;
	v2 =	vshrl.u32 v2, s17;
	v1 =	vld [tilespmem:s13+$0xFFFFFFE0]  }
0x17f: {  	v3 =	vld [tilespmem:s19+$0xFFFFFE20];
	v2 =	vpack.i.b32.b16 v2, v4;
	v6 =	vshrl.u32 v6, s31  }
0x180: {  	v4 =	vld [tilespmem:s19+$0xFFFFFEA0];
	[tilespmem:s12+$0xFFFFFF50] =	vst v2;
	v9 =	vpack.i.b32.b16 v6, v5  }
0x181: {  	s6 =	sadd.s32 $0x4, s6;
	v5 =	vshrl.u32 v8, s21;
	v6 =	vshrl.u32 v7, s23;
	v2 =	vld [tilespmem:s13+$0xFFFFFE60];
	[tilespmem:s30+$0xFFFFFF70] =	vst v9  }
0x182: {  	_ =	sdelay $0x1  }
0x183: {  	v5 =	vpack.i.b32.b16 v6, v5  }
0x184: {  	[tilespmem:s20+$0xFFFFFFA0] =	vst v5;
	v3 =	vshrl.u32 v3, s25;
	v4 =	vshrl.u32 v4, s26  }
0x185: {  	v5 =	vld [tilespmem:s19+$0xFFFFFF30];
	v3 =	vpack.i.b32.b16 v4, v3  }
0x186: {  	v4 =	vld [tilespmem:s19+$0xFFFFFFB0];
	[tilespmem:s20+$0xFFFFFF20] =	vst v3  }
0x187: {  	v3 =	vld [tilespmem:s19+$0xFFFFFE30]  }
0x188: {  	v6 =	vld [tilespmem:s19+$0xFFFFFEB0];
	_ =	sdelay $0x2  }
0x189: {  	v5 =	vshrl.u32 v5, s21;
	v4 =	vshrl.u32 v4, s23  }
0x18a: {  	v4 =	vpack.i.b32.b16 v4, v5  }
0x18b: {  	[tilespmem:s20+$0xFFFFFFB0] =	vst v4;
	v3 =	vshrl.u32 v3, s25;
	v4 =	vshrl.u32 v6, s26  }
0x18c: {  	v5 =	vld [tilespmem:s19+$0xFFFFFF40];
	v3 =	vpack.i.b32.b16 v4, v3  }
0x18d: {  	v4 =	vld [tilespmem:s19+$0xFFFFFFC0];
	[tilespmem:s20+$0xFFFFFF30] =	vst v3  }
0x18e: {  	v3 =	vld [tilespmem:s19+$0xFFFFFE40]  }
0x18f: {  	v6 =	vld [tilespmem:s19+$0xFFFFFEC0];
	_ =	sdelay $0x2  }
0x190: {  	v5 =	vshrl.u32 v5, s21;
	v4 =	vshrl.u32 v4, s23  }
0x191: {  	v4 =	vpack.i.b32.b16 v4, v5  }
0x192: {  	[tilespmem:s20+$0xFFFFFFC0] =	vst v4;
	v3 =	vshrl.u32 v3, s25;
	v4 =	vshrl.u32 v6, s26  }
0x193: {  	v5 =	vld [tilespmem:s19+$0xFFFFFF50];
	v3 =	vpack.i.b32.b16 v4, v3  }
0x194: {  	v4 =	vld [tilespmem:s19+$0xFFFFFFD0];
	[tilespmem:s20+$0xFFFFFF40] =	vst v3  }
0x195: {  	v3 =	vld [tilespmem:s19+$0xFFFFFE50]  }
0x196: {  	v6 =	vld [tilespmem:s19+$0xFFFFFED0];
	_ =	sdelay $0x2  }
0x197: {  	v5 =	vshrl.u32 v5, s21;
	v4 =	vshrl.u32 v4, s23  }
0x198: {  	v4 =	vpack.i.b32.b16 v4, v5  }
0x199: {  	v5 =	vld [tilespmem:s13+$0xFFFFFEE0];
	[tilespmem:s20+$0xFFFFFFD0] =	vst v4;
	v3 =	vshrl.u32 v3, s25;
	v4 =	vshrl.u32 v6, s26  }
0x19a: {  	v6 =	vld [tilespmem:s19+$0xFFFFFF60];
	v3 =	vpack.i.b32.b16 v4, v3  }
0x19b: {  	v0 =	vshrl.u32 v0, s14;
	v1 =	vshrl.u32 v1, s15;
	v4 =	vld [tilespmem:s19+$0xFFFFFFE0];
	[tilespmem:s20+$0xFFFFFF50] =	vst v3  }
0x19c: {  	v0 =	vpack.i.b32.b16 v1, v0;
	v1 =	vld [tilespmem:s19+$0xFFFFFE60]  }
0x19d: {  	[tilespmem:s12+$0xFFFFFFE0] =	vst v0;
	v0 =	vld [tilespmem:s19+$0xFFFFFEE0]  }
0x19e: {  	v8 =	vld [tilespmem:s2+$0xFFFFFF00];
	v2 =	vshrl.u32 v2, s16;
	v5 =	vshrl.u32 v5, s17  }
0x19f: {  	v7 =	vld [tilespmem:s13+$0xFFFFFFF0];
	v2 =	vpack.i.b32.b16 v5, v2  }
0x1a0: {  	v3 =	vld [tilespmem:s13+$0xFFFFFF70];
	[tilespmem:s12+$0xFFFFFF60] =	vst v2;
	v2 =	vshrl.u32 v6, s21;
	v4 =	vshrl.u32 v4, s23  }
0x1a1: {  	v6 =	vld [tilespmem:s13+$0xFFFFFE70];
	v2 =	vpack.i.b32.b16 v4, v2  }
0x1a2: {  	v4 =	vld [tilespmem:s13+$0xFFFFFEF0];
	[tilespmem:s20+$0xFFFFFFE0] =	vst v2;
	v1 =	vshrl.u32 v1, s25;
	v0 =	vshrl.u32 v0, s26  }
0x1a3: {  	v2 =	vld [tilespmem:s19+$0xFFFFFF70];
	v0 =	vpack.i.b32.b16 v0, v1  }
0x1a4: {  	v1 =	vld [tilespmem:s19+$0xFFFFFFF0];
	[tilespmem:s20+$0xFFFFFF60] =	vst v0  }
0x1a5: {  	v0 =	vshrl.u32 v3, s14;
	v3 =	vshrl.u32 v7, s15;
	v7 =	vld [tilespmem:s19+$0xFFFFFE70]  }
0x1a6: {  	v0 =	vpack.i.b32.b16 v3, v0;
	v3 =	vld [tilespmem:s19+$0xFFFFFEF0]  }
0x1a7: {  	v5 =	vld [tilespmem:s2+$0xFFFFFE80];
	[tilespmem:s12+$0xFFFFFFF0] =	vst v0;
	v0 =	vshrl.u32 v6, s16;
	v4 =	vshrl.u32 v4, s17  }
0x1a8: {  	v6 =	vld [tilespmem:s13+$0xFFFFFF80];
	v0 =	vpack.i.b32.b16 v4, v0  }
0x1a9: {  	v4 =	vld [tilespmem:s13+$0x0];
	[tilespmem:s12+$0xFFFFFF70] =	vst v0;
	v0 =	vshrl.u32 v2, s21;
	v1 =	vshrl.u32 v1, s23  }
0x1aa: {  	v2 =	vld [tilespmem:s13+$0xFFFFFE80];
	v0 =	vpack.i.b32.b16 v1, v0  }
0x1ab: {  	v1 =	vld [tilespmem:s13+$0xFFFFFF00];
	[tilespmem:s20+$0xFFFFFFF0] =	vst v0;
	v0 =	vshrl.u32 v7, s25;
	v3 =	vshrl.u32 v3, s26  }
0x1ac: {  	v7 =	vld [tilespmem:s19+$0xFFFFFF80];
	v0 =	vpack.i.b32.b16 v3, v0  }
0x1ad: {  	v3 =	vld [tilespmem:s19+$0x0];
	[tilespmem:s20+$0xFFFFFF70] =	vst v0  }
0x1ae: {  	v0 =	vld [tilespmem:s19+$0xFFFFFE80]  }
0x1af: {  	v9 =	vld [tilespmem:s19+$0xFFFFFF00]  }
0x1b0: {  	v8 =	vshrl.u32 v8, s31;
	v5 =	vshrl.u32 v5, s0  }
0x1b1: {  	v5 =	vpack.i.b32.b16 v8, v5;
	v6 =	vshrl.u32 v6, s14;
	v4 =	vshrl.u32 v4, s15  }
0x1b2: {  	[tilespmem:s30+$0xFFFFFF80] =	vst v5;
	v4 =	vpack.i.b32.b16 v4, v6;
	v2 =	vshrl.u32 v2, s16;
	v1 =	vshrl.u32 v1, s17  }
0x1b3: {  	[tilespmem:s12+$0x0] =	vst v4;
	v1 =	vpack.i.b32.b16 v1, v2;
	v2 =	vshrl.u32 v7, s21;
	v3 =	vshrl.u32 v3, s23  }
0x1b4: {  	[tilespmem:s12+$0xFFFFFF80] =	vst v1;
	v1 =	vpack.i.b32.b16 v3, v2;
	v0 =	vshrl.u32 v0, s25;
	v2 =	vshrl.u32 v9, s26  }
0x1b5: {  	[tilespmem:s20+$0x0] =	vst v1;
	v0 =	vpack.i.b32.b16 v2, v0  }
0x1b6: {  	[tilespmem:s20+$0xFFFFFF80] =	vst v0  }
0x1b7: {  	s6 =	simm.s32 $0x12480;
	s5 =	rddreg [dreg:$0x5]  }
0x1b8: {  	[hbm4b:s5+s3] =	stream.linear.scatter [tilespmem:s6], [sflag:$0x4], $0x2000, $0x38;
	[tilespmem:$0x18480] =	vst v63  }
0x1b9: {  	_ =	swait.ge [sflag:s24], $0x4000  }
0x1ba: {  	[sflag:s24] =	ssyncset.done $0x0  }
0x1bb: {  	s12 =	simm.s32 $0x102;
	[sflag:s24] =	ssyncadd.s32 $0xFFFFC000  }
0x1bc: {  	v0 =	vld [tilespmem:s12+$0x0];
	_ =	sdelay $0x4  }
0x1bd: {  	v1 =	vld [tilespmem:s12+$0xFFFFFFFE];
	v0 =	vshll.u32 v0, $0x4  }
0x1be: {  	(v2sf) =	vpush v0, $0x0  }
0x1bf: {  	(v2sf) =	vpush v0, $0x1;
	_ =	sdelay $0x2  }
0x1c0: {  	v0 =	vshll.u32 v1, $0x4  }
0x1c1: {  	(v2sf) =	vpush v0, $0x0  }
0x1c2: {  	(v2sf) =	vpush v0, $0x1;
	_ =	sdelay $0x4  }
0x1c3: {  	s2 =	simm.s32 $0x8670  }
0x1c4: {  	v1 =	vld [tilespmem:s2+$0xFFFFFF90]  }
0x1c5: {  	v0 =	vld [tilespmem:s2+$0xFFFFFF10];
	_ =	sdelay $0x1  }
0x1c6: {  	s13 =	spop (v2sf)  }
0x1c7: {  	s6 =	spop (v2sf)  }
0x1c8: {  	v2 =	vld [tilespmem:s2+$0xFFFFFE10];
	s5 =	sand.u32 $0x10, s13;
	s6 =	sand.u32 $0x10, s6  }
0x1c9: {  	v3 =	vld [tilespmem:s2+$0xFFFFFE90];
	v0 =	vshrl.u32 v0, s5;
	v1 =	vshrl.u32 v1, s6  }
0x1ca: {  	s30 =	simm.s32 $0x14570;
	v0 =	vpack.i.b32.b16 v1, v0  }
0x1cb: {  	s14 =	spop (v2sf);
	[tilespmem:s30+$0xFFFFFF90] =	vst v0  }
0x1cc: {  	s15 =	spop (v2sf);
	v0 =	vld [tilespmem:s2+$0xFFFFFF20]  }
0x1cd: {  	s0 =	sand.u32 $0x10, s14;
	s31 =	sand.u32 $0x10, s15;
	v1 =	vld [tilespmem:s2+$0xFFFFFFA0]  }
0x1ce: {  	v2 =	vshrl.u32 v2, s0;
	v3 =	vshrl.u32 v3, s31  }
0x1cf: {  	v2 =	vpack.i.b32.b16 v3, v2  }
0x1d0: {  	[tilespmem:s30+$0xFFFFFF10] =	vst v2  }
0x1d1: {  	v2 =	vld [tilespmem:s2+$0xFFFFFE20]  }
0x1d2: {  	s16 =	simm.s32 $0x106;
	v3 =	vld [tilespmem:s2+$0xFFFFFEA0];
	v0 =	vshrl.u32 v0, s5;
	v1 =	vshrl.u32 v1, s6  }
0x1d3: {  	v4 =	vld [tilespmem:s16+$0x0];
	v0 =	vpack.i.b32.b16 v1, v0  }
0x1d4: {  	[tilespmem:s30+$0xFFFFFFA0] =	vst v0  }
0x1d5: {  	v0 =	vld [tilespmem:s2+$0xFFFFFF30]  }
0x1d6: {  	v1 =	vld [tilespmem:s2+$0xFFFFFFB0]  }
0x1d7: {  	v5 =	vld [tilespmem:s16+$0xFFFFFFFE];
	v2 =	vshrl.u32 v2, s0;
	v3 =	vshrl.u32 v3, s31  }
0x1d8: {  	v2 =	vpack.i.b32.b16 v3, v2;
	v3 =	vshll.u32 v4, $0x4  }
0x1d9: {  	(v2sf) =	vpush v3, $0x0  }
0x1da: {  	[tilespmem:s30+$0xFFFFFF20] =	vst v2;
	(v2sf) =	vpush v3, $0x1  }
0x1db: {  	v2 =	vld [tilespmem:s2+$0xFFFFFE30];
	v0 =	vshrl.u32 v0, s5;
	v1 =	vshrl.u32 v1, s6  }
0x1dc: {  	v4 =	vshll.u32 v5, $0x4;
	v3 =	vld [tilespmem:s2+$0xFFFFFEB0];
	v0 =	vpack.i.b32.b16 v1, v0  }
0x1dd: {  	(v2sf) =	vpush v4, $0x0;
	[tilespmem:s30+$0xFFFFFFB0] =	vst v0  }
0x1de: {  	(v2sf) =	vpush v4, $0x1;
	v0 =	vld [tilespmem:s2+$0xFFFFFF40]  }
0x1df: {  	v1 =	vld [tilespmem:s2+$0xFFFFFFC0];
	_ =	sdelay $0x1  }
0x1e0: {  	v2 =	vshrl.u32 v2, s0;
	v3 =	vshrl.u32 v3, s31  }
0x1e1: {  	s13 =	simm.s32 $0x8870;
	v2 =	vpack.i.b32.b16 v3, v2  }
0x1e2: {  	v4 =	vld [tilespmem:s13+$0xFFFFFF10];
	[tilespmem:s30+$0xFFFFFF30] =	vst v2  }
0x1e3: {  	v2 =	vld [tilespmem:s2+$0xFFFFFE40];
	v0 =	vshrl.u32 v0, s5;
	v1 =	vshrl.u32 v1, s6  }
0x1e4: {  	v3 =	vld [tilespmem:s2+$0xFFFFFEC0];
	v0 =	vpack.i.b32.b16 v1, v0  }
0x1e5: {  	v1 =	vld [tilespmem:s13+$0xFFFFFF90];
	[tilespmem:s30+$0xFFFFFFC0] =	vst v0  }
0x1e6: {  	v0 =	vld [tilespmem:s2+$0xFFFFFF50]  }
0x1e7: {  	s17 =	spop (v2sf);
	v5 =	vld [tilespmem:s2+$0xFFFFFFD0]  }
0x1e8: {  	v6 =	vld [tilespmem:s13+$0xFFFFFE10];
	s19 =	spop (v2sf)  }
0x1e9: {  	v7 =	vld [tilespmem:s13+$0xFFFFFE90];
	v2 =	vshrl.u32 v2, s0;
	v3 =	vshrl.u32 v3, s31;
	s14 =	sand.u32 $0x10, s17;
	s15 =	sand.u32 $0x10, s19  }
0x1ea: {  	v2 =	vpack.i.b32.b16 v3, v2;
	v3 =	vshrl.u32 v4, s14;
	v1 =	vshrl.u32 v1, s15  }
0x1eb: {  	s23 =	simm.s32 $0x10A;
	s12 =	simm.s32 $0x14670;
	s20 =	spop (v2sf);
	v1 =	vpack.i.b32.b16 v1, v3  }
0x1ec: {  	v8 =	vld [tilespmem:s23+$0x0];
	s21 =	spop (v2sf);
	[tilespmem:s12+$0xFFFFFF90] =	vst v1;
	v0 =	vshrl.u32 v0, s5;
	v1 =	vshrl.u32 v5, s6  }
0x1ed: {  	s16 =	sand.u32 $0x10, s20;
	s17 =	sand.u32 $0x10, s21;
	v3 =	vld [tilespmem:s13+$0xFFFFFF20];
	v0 =	vpack.i.b32.b16 v1, v0  }
0x1ee: {  	v4 =	vshrl.u32 v7, s17;
	v1 =	vshrl.u32 v6, s16;
	v5 =	vld [tilespmem:s13+$0xFFFFFFA0];
	[tilespmem:s30+$0xFFFFFFD0] =	vst v0  }
0x1ef: {  	v0 =	vpack.i.b32.b16 v4, v1;
	v1 =	vld [tilespmem:s2+$0xFFFFFF60]  }
0x1f0: {  	[tilespmem:s12+$0xFFFFFF10] =	vst v0;
	v0 =	vld [tilespmem:s2+$0xFFFFFFE0]  }
0x1f1: {  	v4 =	vld [tilespmem:s13+$0xFFFFFE20]  }
0x1f2: {  	[tilespmem:s30+$0xFFFFFF40] =	vst v2;
	v6 =	vld [tilespmem:s13+$0xFFFFFEA0]  }
0x1f3: {  	v2 =	vld [tilespmem:s2+$0xFFFFFE50];
	v3 =	vshrl.u32 v3, s14;
	v5 =	vshrl.u32 v5, s15  }
0x1f4: {  	v7 =	vld [tilespmem:s2+$0xFFFFFED0];
	v3 =	vpack.i.b32.b16 v5, v3  }
0x1f5: {  	v5 =	vld [tilespmem:s23+$0xFFFFFFFE];
	[tilespmem:s12+$0xFFFFFFA0] =	vst v3;
	v1 =	vshrl.u32 v1, s5;
	v0 =	vshrl.u32 v0, s6  }
0x1f6: {  	v3 =	vld [tilespmem:s13+$0xFFFFFF30];
	v0 =	vpack.i.b32.b16 v0, v1  }
0x1f7: {  	v1 =	vshrl.u32 v4, s16;
	v4 =	vshrl.u32 v6, s17;
	v6 =	vld [tilespmem:s13+$0xFFFFFFB0];
	[tilespmem:s30+$0xFFFFFFE0] =	vst v0  }
0x1f8: {  	v0 =	vpack.i.b32.b16 v4, v1;
	v1 =	vld [tilespmem:s2+$0xFFFFFF70]  }
0x1f9: {  	v2 =	vshrl.u32 v2, s0;
	v4 =	vshrl.u32 v7, s31;
	v7 =	vshll.u32 v8, $0x4;
	[tilespmem:s12+$0xFFFFFF20] =	vst v0;
	v0 =	vld [tilespmem:s2+$0xFFFFFFF0]  }
0x1fa: {  	v2 =	vpack.i.b32.b16 v4, v2;
	(v2sf) =	vpush v7, $0x0;
	v4 =	vld [tilespmem:s13+$0xFFFFFE30]  }
0x1fb: {  	[tilespmem:s30+$0xFFFFFF50] =	vst v2;
	(v2sf) =	vpush v7, $0x1;
	v2 =	vld [tilespmem:s13+$0xFFFFFEB0]  }
0x1fc: {  	v7 =	vld [tilespmem:s2+$0xFFFFFE60];
	v3 =	vshrl.u32 v3, s14;
	v6 =	vshrl.u32 v6, s15  }
0x1fd: {  	v5 =	vshll.u32 v5, $0x4;
	v8 =	vld [tilespmem:s2+$0xFFFFFEE0];
	v3 =	vpack.i.b32.b16 v6, v3  }
0x1fe: {  	(v2sf) =	vpush v5, $0x0;
	[tilespmem:s12+$0xFFFFFFB0] =	vst v3  }
0x1ff: {  	(v2sf) =	vpush v5, $0x1;
	v1 =	vshrl.u32 v1, s5;
	v0 =	vshrl.u32 v0, s6;
	v3 =	vld [tilespmem:s13+$0xFFFFFF40]  }
0x200: {  	s19 =	simm.s32 $0x8A70;
	v0 =	vpack.i.b32.b16 v0, v1;
	v1 =	vshrl.u32 v4, s16;
	v2 =	vshrl.u32 v2, s17;
	v4 =	vld [tilespmem:s13+$0xFFFFFFC0]  }
0x201: {  	v62 =	vld [tilespmem:s19+$0xFFFFFE10];
	[tilespmem:s30+$0xFFFFFFF0] =	vst v0;
	v0 =	vpack.i.b32.b16 v2, v1  }
0x202: {  	v2 =	vshrl.u32 v7, s0;
	v5 =	vshrl.u32 v8, s31;
	v7 =	vld [tilespmem:s19+$0xFFFFFF10];
	[tilespmem:s12+$0xFFFFFF30] =	vst v0  }
0x203: {  	v2 =	vpack.i.b32.b16 v5, v2;
	v5 =	vld [tilespmem:s13+$0xFFFFFE40]  }
0x204: {  	[tilespmem:s30+$0xFFFFFF60] =	vst v2;
	v2 =	vld [tilespmem:s13+$0xFFFFFEC0]  }
0x205: {  	v1 =	vld [tilespmem:s2+$0xFFFFFF80];
	v3 =	vshrl.u32 v3, s14;
	v4 =	vshrl.u32 v4, s15  }
0x206: {  	v0 =	vld [tilespmem:s2+$0x0];
	v3 =	vpack.i.b32.b16 v4, v3  }
0x207: {  	v4 =	vld [tilespmem:s19+$0xFFFFFF90];
	[tilespmem:s12+$0xFFFFFFC0] =	vst v3  }
0x208: {  	v3 =	vld [tilespmem:s13+$0xFFFFFF50]  }
0x209: {  	v5 =	vshrl.u32 v5, s16;
	v2 =	vshrl.u32 v2, s17;
	v8 =	vld [tilespmem:s13+$0xFFFFFFD0];
	s25 =	spop (v2sf)  }
0x20a: {  	v6 =	vld [tilespmem:s2+$0xFFFFFE70];
	v2 =	vpack.i.b32.b16 v2, v5;
	s26 =	spop (v2sf)  }
0x20b: {  	v5 =	vld [tilespmem:s19+$0xFFFFFE90];
	s21 =	sand.u32 $0x10, s25;
	[tilespmem:s12+$0xFFFFFF40] =	vst v2;
	s23 =	sand.u32 $0x10, s26  }
0x20c: {  	v2 =	vshrl.u32 v7, s21;
	v7 =	vld [tilespmem:s13+$0xFFFFFE50];
	v4 =	vshrl.u32 v4, s23  }
0x20d: {  	s20 =	simm.s32 $0x14770;
	s25 =	spop (v2sf);
	v2 =	vpack.i.b32.b16 v4, v2;
	v4 =	vld [tilespmem:s13+$0xFFFFFED0]  }
0x20e: {  	s26 =	spop (v2sf);
	[tilespmem:s20+$0xFFFFFF90] =	vst v2;
	v2 =	vshrl.u32 v3, s14;
	v3 =	vshrl.u32 v8, s15;
	v8 =	vld [tilespmem:s2+$0xFFFFFEF0]  }
0x20f: {  	s25 =	sand.u32 $0x10, s25;
	s26 =	sand.u32 $0x10, s26;
	v2 =	vpack.i.b32.b16 v3, v2;
	v10 =	vld [tilespmem:s19+$0xFFFFFF20]  }
0x210: {  	v5 =	vshrl.u32 v5, s26;
	v3 =	vshrl.u32 v62, s25;
	[tilespmem:s12+$0xFFFFFFD0] =	vst v2;
	v2 =	vld [tilespmem:s19+$0xFFFFFFA0]  }
0x211: {  	v1 =	vshrl.u32 v1, s5;
	v63 =	vshrl.u32 v0, s6;
	v3 =	vpack.i.b32.b16 v5, v3;
	v0 =	vld [tilespmem:s13+$0xFFFFFF60]  }
0x212: {  	v5 =	vpack.i.b32.b16 v63, v1;
	v7 =	vshrl.u32 v7, s16;
	[tilespmem:s20+$0xFFFFFF10] =	vst v3;
	v1 =	vld [tilespmem:s13+$0xFFFFFFE0];
	v4 =	vshrl.u32 v4, s17  }
0x213: {  	[tilespmem:s30+$0x0] =	vst v5;
	v5 =	vshrl.u32 v6, s0;
	v3 =	vld [tilespmem:s19+$0xFFFFFE20];
	v6 =	vpack.i.b32.b16 v4, v7;
	v7 =	vshrl.u32 v8, s31  }
0x214: {  	v4 =	vld [tilespmem:s19+$0xFFFFFEA0];
	[tilespmem:s12+$0xFFFFFF50] =	vst v6;
	v7 =	vpack.i.b32.b16 v7, v5  }
0x215: {  	s5 =	simm.s32 $0x84;
	s6 =	simm.s32 $0x10E;
	v5 =	vshrl.u32 v10, s21;
	v6 =	vshrl.u32 v2, s23;
	v2 =	vld [tilespmem:s13+$0xFFFFFE60];
	[tilespmem:s30+$0xFFFFFF70] =	vst v7  }
.LBB2_6:
0x216: {  	v7 =	vld [tilespmem:s6+$0x0];
	v5 =	vpack.i.b32.b16 v6, v5  }
0x217: {  	v0 =	vshrl.u32 v0, s14;
	v6 =	vld [tilespmem:s6+$0xFFFFFFFE];
	[tilespmem:s20+$0xFFFFFFA0] =	vst v5;
	v1 =	vshrl.u32 v1, s15  }
0x218: {  	v3 =	vshrl.u32 v3, s25;
	v5 =	vld [tilespmem:s19+$0xFFFFFF30];
	v0 =	vpack.i.b32.b16 v1, v0  }
0x219: {  	v1 =	vshrl.u32 v4, s26;
	v4 =	vld [tilespmem:s19+$0xFFFFFFB0];
	[tilespmem:s12+$0xFFFFFFE0] =	vst v0  }
0x21a: {  	v0 =	vpack.i.b32.b16 v1, v3;
	v1 =	vshrl.u32 v2, s16;
	v2 =	vld [tilespmem:s13+$0xFFFFFF70]  }
0x21b: {  	v3 =	vshll.u32 v7, $0x4;
	[tilespmem:s20+$0xFFFFFF20] =	vst v0;
	v0 =	vld [tilespmem:s13+$0xFFFFFFF0]  }
0x21c: {  	v6 =	vshll.u32 v6, $0x4;
	(v2sf) =	vpush v3, $0x0;
	v7 =	vld [tilespmem:s19+$0xFFFFFE30]  }
0x21d: {  	(v2sf) =	vpush v3, $0x1;
	v3 =	vld [tilespmem:s19+$0xFFFFFEB0]  }
0x21e: {  	s5 =	sadd.s32 $0x2, s5;
	v5 =	vshrl.u32 v5, s21;
	(v2sf) =	vpush v6, $0x0;
	v4 =	vshrl.u32 v4, s23;
	v8 =	vld [tilespmem:s13+$0xFFFFFEE0]  }
0x21f: {  	p0 =	slt.u32 s5, $0xBE;
	(v2sf) =	vpush v6, $0x1;
	v4 =	vpack.i.b32.b16 v4, v5;
	v5 =	vld [tilespmem:s2+$0xFFFFFE80]  }
0x220: {  	v2 =	vshrl.u32 v2, s14;
	[tilespmem:s20+$0xFFFFFFB0] =	vst v4;
	v0 =	vshrl.u32 v0, s15;
	v4 =	vld [tilespmem:s2+$0xFFFFFF00];
	s2 =	smov.u32 s13;
	s13 =	smov.u32 s19  }
0x221: {  	v6 =	vshrl.u32 v7, s25;
	v7 =	vld [tilespmem:s19+$0xFFFFFF40];
	v0 =	vpack.i.b32.b16 v0, v2  }
0x222: {  	v2 =	vshrl.u32 v3, s26;
	v3 =	vld [tilespmem:s19+$0xFFFFFFC0];
	[tilespmem:s12+$0xFFFFFFF0] =	vst v0  }
0x223: {  	v0 =	vpack.i.b32.b16 v2, v6;
	v2 =	vshrl.u32 v8, s17;
	v6 =	vld [tilespmem:s2+$0xFFFFFF80]  }
0x224: {  	[tilespmem:s20+$0xFFFFFF30] =	vst v0;
	v0 =	vpack.i.b32.b16 v2, v1;
	v1 =	vld [tilespmem:s2+$0x0];
	v2 =	vshrl.u32 v5, s0;
	s0 =	smov.u32 s16;
	s16 =	smov.u32 s25  }
0x225: {  	v5 =	vld [tilespmem:s19+$0xFFFFFE40];
	[tilespmem:s12+$0xFFFFFF60] =	vst v0;
	v0 =	vshrl.u32 v4, s31;
	s31 =	smov.u32 s17;
	s17 =	smov.u32 s26  }
0x226: {  	v4 =	vld [tilespmem:s19+$0xFFFFFEC0];
	v0 =	vpack.i.b32.b16 v0, v2  }
0x227: {  	v2 =	vshrl.u32 v7, s21;
	s19 =	sadd.s32 $0x200, s19;
	v3 =	vshrl.u32 v3, s23;
	v7 =	vld [tilespmem:s2+$0xFFFFFE70];
	[tilespmem:s30+$0xFFFFFF80] =	vst v0;
	s30 =	smov.u32 s12;
	s12 =	smov.u32 s20  }
0x228: {  	v0 =	vld [tilespmem:s19+$0xFFFFFF10];
	v2 =	vpack.i.b32.b16 v3, v2  }
0x229: {  	v3 =	vld [tilespmem:s19+$0xFFFFFF90];
	[tilespmem:s20+$0xFFFFFFC0] =	vst v2;
	v2 =	vshrl.u32 v6, s14;
	v1 =	vshrl.u32 v1, s15;
	s14 =	smov.u32 s21;
	s15 =	smov.u32 s23  }
0x22a: {  	v5 =	vshrl.u32 v5, s16;
	v6 =	vld [tilespmem:s13+$0xFFFFFF50];
	v1 =	vpack.i.b32.b16 v1, v2  }
0x22b: {  	s21 =	spop (v2sf);
	v2 =	vshrl.u32 v4, s17;
	v4 =	vld [tilespmem:s13+$0xFFFFFFD0];
	[tilespmem:s30+$0x0] =	vst v1  }
0x22c: {  	v1 =	vld [tilespmem:s19+$0xFFFFFE10];
	s23 =	spop (v2sf);
	v2 =	vpack.i.b32.b16 v2, v5;
	v5 =	vshrl.u32 v7, s0  }
0x22d: {  	s21 =	sand.u32 $0x10, s21;
	v7 =	vld [tilespmem:s19+$0xFFFFFE90];
	s23 =	sand.u32 $0x10, s23;
	s25 =	spop (v2sf);
	[tilespmem:s20+$0xFFFFFF40] =	vst v2  }
0x22e: {  	v0 =	vshrl.u32 v0, s21;
	s25 =	sand.u32 $0x10, s25;
	v2 =	vshrl.u32 v3, s23;
	s26 =	spop (v2sf);
	v3 =	vld [tilespmem:s13+$0xFFFFFE50]  }
0x22f: {  	s20 =	sadd.s32 $0x100, s20;
	s26 =	sand.u32 $0x10, s26;
	v0 =	vpack.i.b32.b16 v2, v0;
	v2 =	vld [tilespmem:s13+$0xFFFFFED0]  }
0x230: {  	[tilespmem:s20+$0xFFFFFF90] =	vst v0;
	v0 =	vshrl.u32 v6, s14;
	v4 =	vshrl.u32 v4, s15;
	v6 =	vld [tilespmem:s2+$0xFFFFFEF0]  }
0x231: {  	v1 =	vshrl.u32 v1, s25;
	v8 =	vld [tilespmem:s19+$0xFFFFFF20];
	v0 =	vpack.i.b32.b16 v4, v0  }
0x232: {  	v4 =	vshrl.u32 v7, s26;
	v7 =	vld [tilespmem:s19+$0xFFFFFFA0];
	[tilespmem:s12+$0xFFFFFFD0] =	vst v0  }
.Ltmp2:
0x233: {  	v1 =	vpack.i.b32.b16 v4, v1;
	v4 =	vshrl.u32 v3, s16;
	v0 =	vld [tilespmem:s13+$0xFFFFFF60];
	(pc) =	sbr.rel @p0 .LBB2_6-.Ltmp2, $4  }
0x234: {  	[tilespmem:s20+$0xFFFFFF10] =	vst v1;
	v2 =	vshrl.u32 v2, s17;
	v1 =	vld [tilespmem:s13+$0xFFFFFFE0]  }
0x235: {  	v3 =	vld [tilespmem:s19+$0xFFFFFE20];
	v2 =	vpack.i.b32.b16 v2, v4;
	v6 =	vshrl.u32 v6, s31  }
0x236: {  	v4 =	vld [tilespmem:s19+$0xFFFFFEA0];
	[tilespmem:s12+$0xFFFFFF50] =	vst v2;
	v9 =	vpack.i.b32.b16 v6, v5  }
0x237: {  	s6 =	sadd.s32 $0x4, s6;
	v5 =	vshrl.u32 v8, s21;
	v6 =	vshrl.u32 v7, s23;
	v2 =	vld [tilespmem:s13+$0xFFFFFE60];
	[tilespmem:s30+$0xFFFFFF70] =	vst v9  }
0x238: {  	_ =	sdelay $0x1  }
0x239: {  	v5 =	vpack.i.b32.b16 v6, v5  }
0x23a: {  	[tilespmem:s20+$0xFFFFFFA0] =	vst v5;
	v3 =	vshrl.u32 v3, s25;
	v4 =	vshrl.u32 v4, s26  }
0x23b: {  	v5 =	vld [tilespmem:s19+$0xFFFFFF30];
	v3 =	vpack.i.b32.b16 v4, v3  }
0x23c: {  	v4 =	vld [tilespmem:s19+$0xFFFFFFB0];
	[tilespmem:s20+$0xFFFFFF20] =	vst v3  }
0x23d: {  	v3 =	vld [tilespmem:s19+$0xFFFFFE30]  }
0x23e: {  	v6 =	vld [tilespmem:s19+$0xFFFFFEB0];
	_ =	sdelay $0x2  }
0x23f: {  	v5 =	vshrl.u32 v5, s21;
	v4 =	vshrl.u32 v4, s23  }
0x240: {  	v4 =	vpack.i.b32.b16 v4, v5  }
0x241: {  	[tilespmem:s20+$0xFFFFFFB0] =	vst v4;
	v3 =	vshrl.u32 v3, s25;
	v4 =	vshrl.u32 v6, s26  }
0x242: {  	v5 =	vld [tilespmem:s19+$0xFFFFFF40];
	v3 =	vpack.i.b32.b16 v4, v3  }
0x243: {  	v4 =	vld [tilespmem:s19+$0xFFFFFFC0];
	[tilespmem:s20+$0xFFFFFF30] =	vst v3  }
0x244: {  	v3 =	vld [tilespmem:s19+$0xFFFFFE40]  }
0x245: {  	v6 =	vld [tilespmem:s19+$0xFFFFFEC0];
	_ =	sdelay $0x2  }
0x246: {  	v5 =	vshrl.u32 v5, s21;
	v4 =	vshrl.u32 v4, s23  }
0x247: {  	v4 =	vpack.i.b32.b16 v4, v5  }
0x248: {  	[tilespmem:s20+$0xFFFFFFC0] =	vst v4;
	v3 =	vshrl.u32 v3, s25;
	v4 =	vshrl.u32 v6, s26  }
0x249: {  	v5 =	vld [tilespmem:s19+$0xFFFFFF50];
	v3 =	vpack.i.b32.b16 v4, v3  }
0x24a: {  	v4 =	vld [tilespmem:s19+$0xFFFFFFD0];
	[tilespmem:s20+$0xFFFFFF40] =	vst v3  }
0x24b: {  	v3 =	vld [tilespmem:s19+$0xFFFFFE50]  }
0x24c: {  	v6 =	vld [tilespmem:s19+$0xFFFFFED0];
	_ =	sdelay $0x2  }
0x24d: {  	v5 =	vshrl.u32 v5, s21;
	v4 =	vshrl.u32 v4, s23  }
0x24e: {  	v4 =	vpack.i.b32.b16 v4, v5  }
0x24f: {  	v5 =	vld [tilespmem:s13+$0xFFFFFEE0];
	[tilespmem:s20+$0xFFFFFFD0] =	vst v4;
	v3 =	vshrl.u32 v3, s25;
	v4 =	vshrl.u32 v6, s26  }
0x250: {  	v6 =	vld [tilespmem:s19+$0xFFFFFF60];
	v3 =	vpack.i.b32.b16 v4, v3  }
0x251: {  	v0 =	vshrl.u32 v0, s14;
	v1 =	vshrl.u32 v1, s15;
	v4 =	vld [tilespmem:s19+$0xFFFFFFE0];
	[tilespmem:s20+$0xFFFFFF50] =	vst v3  }
0x252: {  	v0 =	vpack.i.b32.b16 v1, v0;
	v1 =	vld [tilespmem:s19+$0xFFFFFE60]  }
0x253: {  	[tilespmem:s12+$0xFFFFFFE0] =	vst v0;
	v0 =	vld [tilespmem:s19+$0xFFFFFEE0]  }
0x254: {  	v8 =	vld [tilespmem:s2+$0xFFFFFF00];
	v2 =	vshrl.u32 v2, s16;
	v5 =	vshrl.u32 v5, s17  }
0x255: {  	v7 =	vld [tilespmem:s13+$0xFFFFFFF0];
	v2 =	vpack.i.b32.b16 v5, v2  }
0x256: {  	v3 =	vld [tilespmem:s13+$0xFFFFFF70];
	[tilespmem:s12+$0xFFFFFF60] =	vst v2;
	v2 =	vshrl.u32 v6, s21;
	v4 =	vshrl.u32 v4, s23  }
0x257: {  	v6 =	vld [tilespmem:s13+$0xFFFFFE70];
	v2 =	vpack.i.b32.b16 v4, v2  }
0x258: {  	v4 =	vld [tilespmem:s13+$0xFFFFFEF0];
	[tilespmem:s20+$0xFFFFFFE0] =	vst v2;
	v1 =	vshrl.u32 v1, s25;
	v0 =	vshrl.u32 v0, s26  }
0x259: {  	v2 =	vld [tilespmem:s19+$0xFFFFFF70];
	v0 =	vpack.i.b32.b16 v0, v1  }
0x25a: {  	v1 =	vld [tilespmem:s19+$0xFFFFFFF0];
	[tilespmem:s20+$0xFFFFFF60] =	vst v0  }
0x25b: {  	v0 =	vshrl.u32 v3, s14;
	v3 =	vshrl.u32 v7, s15;
	v7 =	vld [tilespmem:s19+$0xFFFFFE70]  }
0x25c: {  	v0 =	vpack.i.b32.b16 v3, v0;
	v3 =	vld [tilespmem:s19+$0xFFFFFEF0]  }
0x25d: {  	v5 =	vld [tilespmem:s2+$0xFFFFFE80];
	[tilespmem:s12+$0xFFFFFFF0] =	vst v0;
	v0 =	vshrl.u32 v6, s16;
	v4 =	vshrl.u32 v4, s17  }
0x25e: {  	v6 =	vld [tilespmem:s13+$0xFFFFFF80];
	v0 =	vpack.i.b32.b16 v4, v0  }
0x25f: {  	v4 =	vld [tilespmem:s13+$0x0];
	[tilespmem:s12+$0xFFFFFF70] =	vst v0;
	v0 =	vshrl.u32 v2, s21;
	v1 =	vshrl.u32 v1, s23  }
0x260: {  	v2 =	vld [tilespmem:s13+$0xFFFFFE80];
	v0 =	vpack.i.b32.b16 v1, v0  }
0x261: {  	v1 =	vld [tilespmem:s13+$0xFFFFFF00];
	[tilespmem:s20+$0xFFFFFFF0] =	vst v0;
	v0 =	vshrl.u32 v7, s25;
	v3 =	vshrl.u32 v3, s26  }
0x262: {  	v7 =	vld [tilespmem:s19+$0xFFFFFF80];
	v0 =	vpack.i.b32.b16 v3, v0  }
0x263: {  	v3 =	vld [tilespmem:s19+$0x0];
	[tilespmem:s20+$0xFFFFFF70] =	vst v0  }
0x264: {  	v0 =	vld [tilespmem:s19+$0xFFFFFE80]  }
0x265: {  	v9 =	vld [tilespmem:s19+$0xFFFFFF00]  }
0x266: {  	v8 =	vshrl.u32 v8, s31;
	v5 =	vshrl.u32 v5, s0  }
0x267: {  	v5 =	vpack.i.b32.b16 v8, v5;
	v6 =	vshrl.u32 v6, s14;
	v4 =	vshrl.u32 v4, s15  }
0x268: {  	[tilespmem:s30+$0xFFFFFF80] =	vst v5;
	v4 =	vpack.i.b32.b16 v4, v6;
	v2 =	vshrl.u32 v2, s16;
	v1 =	vshrl.u32 v1, s17  }
0x269: {  	[tilespmem:s12+$0x0] =	vst v4;
	v1 =	vpack.i.b32.b16 v1, v2;
	v2 =	vshrl.u32 v7, s21;
	v3 =	vshrl.u32 v3, s23  }
0x26a: {  	[tilespmem:s12+$0xFFFFFF80] =	vst v1;
	v1 =	vpack.i.b32.b16 v3, v2;
	v0 =	vshrl.u32 v0, s25;
	v2 =	vshrl.u32 v9, s26  }
0x26b: {  	[tilespmem:s20+$0x0] =	vst v1;
	v0 =	vpack.i.b32.b16 v2, v0  }
0x26c: {  	s6 =	simm.s32 $0x14480;
	[tilespmem:s20+$0xFFFFFF80] =	vst v0  }
0x26d: {  	[hbm4b:s7+s3] =	stream.linear.scatter [tilespmem:s6], [sflag:$0x4], $0x2000, $0x38;
	[tilespmem:$0x18480] =	vst v63  }
0x26e: {  	_ =	swait.ge [sflag:s18], $0x4000  }
0x26f: {  	[sflag:s18] =	ssyncset.done $0x0  }
0x270: {  	s12 =	simm.s32 $0x182;
	[sflag:s18] =	ssyncadd.s32 $0xFFFFC000  }
0x271: {  	v0 =	vld [tilespmem:s12+$0x0];
	_ =	sdelay $0x4  }
0x272: {  	v1 =	vld [tilespmem:s12+$0xFFFFFFFE];
	v0 =	vshll.u32 v0, $0x4  }
0x273: {  	(v2sf) =	vpush v0, $0x0  }
0x274: {  	(v2sf) =	vpush v0, $0x1;
	_ =	sdelay $0x2  }
0x275: {  	v0 =	vshll.u32 v1, $0x4  }
0x276: {  	(v2sf) =	vpush v0, $0x0  }
0x277: {  	(v2sf) =	vpush v0, $0x1;
	_ =	sdelay $0x4  }
0x278: {  	s2 =	simm.s32 $0xC670  }
0x279: {  	v1 =	vld [tilespmem:s2+$0xFFFFFF90]  }
0x27a: {  	v0 =	vld [tilespmem:s2+$0xFFFFFF10];
	_ =	sdelay $0x1  }
0x27b: {  	s13 =	spop (v2sf)  }
0x27c: {  	s6 =	spop (v2sf)  }
0x27d: {  	v2 =	vld [tilespmem:s2+$0xFFFFFE10];
	s5 =	sand.u32 $0x10, s13;
	s6 =	sand.u32 $0x10, s6  }
0x27e: {  	v3 =	vld [tilespmem:s2+$0xFFFFFE90];
	v0 =	vshrl.u32 v0, s5;
	v1 =	vshrl.u32 v1, s6  }
0x27f: {  	s30 =	simm.s32 $0x16570;
	v0 =	vpack.i.b32.b16 v1, v0  }
0x280: {  	s14 =	spop (v2sf);
	[tilespmem:s30+$0xFFFFFF90] =	vst v0  }
0x281: {  	s15 =	spop (v2sf);
	v0 =	vld [tilespmem:s2+$0xFFFFFF20]  }
0x282: {  	s0 =	sand.u32 $0x10, s14;
	s31 =	sand.u32 $0x10, s15;
	v1 =	vld [tilespmem:s2+$0xFFFFFFA0]  }
0x283: {  	v2 =	vshrl.u32 v2, s0;
	v3 =	vshrl.u32 v3, s31  }
0x284: {  	v2 =	vpack.i.b32.b16 v3, v2  }
0x285: {  	[tilespmem:s30+$0xFFFFFF10] =	vst v2  }
0x286: {  	v2 =	vld [tilespmem:s2+$0xFFFFFE20]  }
0x287: {  	s16 =	simm.s32 $0x186;
	v3 =	vld [tilespmem:s2+$0xFFFFFEA0];
	v0 =	vshrl.u32 v0, s5;
	v1 =	vshrl.u32 v1, s6  }
0x288: {  	v4 =	vld [tilespmem:s16+$0x0];
	v0 =	vpack.i.b32.b16 v1, v0  }
0x289: {  	[tilespmem:s30+$0xFFFFFFA0] =	vst v0  }
0x28a: {  	v0 =	vld [tilespmem:s2+$0xFFFFFF30]  }
0x28b: {  	v1 =	vld [tilespmem:s2+$0xFFFFFFB0]  }
0x28c: {  	v5 =	vld [tilespmem:s16+$0xFFFFFFFE];
	v2 =	vshrl.u32 v2, s0;
	v3 =	vshrl.u32 v3, s31  }
0x28d: {  	v2 =	vpack.i.b32.b16 v3, v2;
	v3 =	vshll.u32 v4, $0x4  }
0x28e: {  	(v2sf) =	vpush v3, $0x0  }
0x28f: {  	[tilespmem:s30+$0xFFFFFF20] =	vst v2;
	(v2sf) =	vpush v3, $0x1  }
0x290: {  	v2 =	vld [tilespmem:s2+$0xFFFFFE30];
	v0 =	vshrl.u32 v0, s5;
	v1 =	vshrl.u32 v1, s6  }
0x291: {  	v4 =	vshll.u32 v5, $0x4;
	v3 =	vld [tilespmem:s2+$0xFFFFFEB0];
	v0 =	vpack.i.b32.b16 v1, v0  }
0x292: {  	(v2sf) =	vpush v4, $0x0;
	[tilespmem:s30+$0xFFFFFFB0] =	vst v0  }
0x293: {  	(v2sf) =	vpush v4, $0x1;
	v0 =	vld [tilespmem:s2+$0xFFFFFF40]  }
0x294: {  	v1 =	vld [tilespmem:s2+$0xFFFFFFC0];
	_ =	sdelay $0x1  }
0x295: {  	v2 =	vshrl.u32 v2, s0;
	v3 =	vshrl.u32 v3, s31  }
0x296: {  	s13 =	simm.s32 $0xC870;
	v2 =	vpack.i.b32.b16 v3, v2  }
0x297: {  	v4 =	vld [tilespmem:s13+$0xFFFFFF10];
	[tilespmem:s30+$0xFFFFFF30] =	vst v2  }
0x298: {  	v2 =	vld [tilespmem:s2+$0xFFFFFE40];
	v0 =	vshrl.u32 v0, s5;
	v1 =	vshrl.u32 v1, s6  }
0x299: {  	v3 =	vld [tilespmem:s2+$0xFFFFFEC0];
	v0 =	vpack.i.b32.b16 v1, v0  }
0x29a: {  	v1 =	vld [tilespmem:s13+$0xFFFFFF90];
	[tilespmem:s30+$0xFFFFFFC0] =	vst v0  }
0x29b: {  	v0 =	vld [tilespmem:s2+$0xFFFFFF50]  }
0x29c: {  	s17 =	spop (v2sf);
	v5 =	vld [tilespmem:s2+$0xFFFFFFD0]  }
0x29d: {  	v6 =	vld [tilespmem:s13+$0xFFFFFE10];
	s19 =	spop (v2sf)  }
0x29e: {  	v7 =	vld [tilespmem:s13+$0xFFFFFE90];
	v2 =	vshrl.u32 v2, s0;
	v3 =	vshrl.u32 v3, s31;
	s14 =	sand.u32 $0x10, s17;
	s15 =	sand.u32 $0x10, s19  }
0x29f: {  	v2 =	vpack.i.b32.b16 v3, v2;
	v3 =	vshrl.u32 v4, s14;
	v1 =	vshrl.u32 v1, s15  }
0x2a0: {  	s23 =	simm.s32 $0x18A;
	s12 =	simm.s32 $0x16670;
	s20 =	spop (v2sf);
	v1 =	vpack.i.b32.b16 v1, v3  }
0x2a1: {  	v8 =	vld [tilespmem:s23+$0x0];
	s21 =	spop (v2sf);
	[tilespmem:s12+$0xFFFFFF90] =	vst v1;
	v0 =	vshrl.u32 v0, s5;
	v1 =	vshrl.u32 v5, s6  }
0x2a2: {  	s16 =	sand.u32 $0x10, s20;
	s17 =	sand.u32 $0x10, s21;
	v3 =	vld [tilespmem:s13+$0xFFFFFF20];
	v0 =	vpack.i.b32.b16 v1, v0  }
0x2a3: {  	v4 =	vshrl.u32 v7, s17;
	v1 =	vshrl.u32 v6, s16;
	v5 =	vld [tilespmem:s13+$0xFFFFFFA0];
	[tilespmem:s30+$0xFFFFFFD0] =	vst v0  }
0x2a4: {  	v0 =	vpack.i.b32.b16 v4, v1;
	v1 =	vld [tilespmem:s2+$0xFFFFFF60]  }
0x2a5: {  	[tilespmem:s12+$0xFFFFFF10] =	vst v0;
	v0 =	vld [tilespmem:s2+$0xFFFFFFE0]  }
0x2a6: {  	v4 =	vld [tilespmem:s13+$0xFFFFFE20]  }
0x2a7: {  	[tilespmem:s30+$0xFFFFFF40] =	vst v2;
	v6 =	vld [tilespmem:s13+$0xFFFFFEA0]  }
0x2a8: {  	v2 =	vld [tilespmem:s2+$0xFFFFFE50];
	v3 =	vshrl.u32 v3, s14;
	v5 =	vshrl.u32 v5, s15  }
0x2a9: {  	v7 =	vld [tilespmem:s2+$0xFFFFFED0];
	v3 =	vpack.i.b32.b16 v5, v3  }
0x2aa: {  	v5 =	vld [tilespmem:s23+$0xFFFFFFFE];
	[tilespmem:s12+$0xFFFFFFA0] =	vst v3;
	v1 =	vshrl.u32 v1, s5;
	v0 =	vshrl.u32 v0, s6  }
0x2ab: {  	v3 =	vld [tilespmem:s13+$0xFFFFFF30];
	v0 =	vpack.i.b32.b16 v0, v1  }
0x2ac: {  	v1 =	vshrl.u32 v4, s16;
	v4 =	vshrl.u32 v6, s17;
	v6 =	vld [tilespmem:s13+$0xFFFFFFB0];
	[tilespmem:s30+$0xFFFFFFE0] =	vst v0  }
0x2ad: {  	v0 =	vpack.i.b32.b16 v4, v1;
	v1 =	vld [tilespmem:s2+$0xFFFFFF70]  }
0x2ae: {  	v2 =	vshrl.u32 v2, s0;
	v4 =	vshrl.u32 v7, s31;
	v7 =	vshll.u32 v8, $0x4;
	[tilespmem:s12+$0xFFFFFF20] =	vst v0;
	v0 =	vld [tilespmem:s2+$0xFFFFFFF0]  }
0x2af: {  	v2 =	vpack.i.b32.b16 v4, v2;
	(v2sf) =	vpush v7, $0x0;
	v4 =	vld [tilespmem:s13+$0xFFFFFE30]  }
0x2b0: {  	[tilespmem:s30+$0xFFFFFF50] =	vst v2;
	(v2sf) =	vpush v7, $0x1;
	v2 =	vld [tilespmem:s13+$0xFFFFFEB0]  }
0x2b1: {  	v7 =	vld [tilespmem:s2+$0xFFFFFE60];
	v3 =	vshrl.u32 v3, s14;
	v6 =	vshrl.u32 v6, s15  }
0x2b2: {  	v5 =	vshll.u32 v5, $0x4;
	v8 =	vld [tilespmem:s2+$0xFFFFFEE0];
	v3 =	vpack.i.b32.b16 v6, v3  }
0x2b3: {  	(v2sf) =	vpush v5, $0x0;
	[tilespmem:s12+$0xFFFFFFB0] =	vst v3  }
0x2b4: {  	(v2sf) =	vpush v5, $0x1;
	v1 =	vshrl.u32 v1, s5;
	v0 =	vshrl.u32 v0, s6;
	v3 =	vld [tilespmem:s13+$0xFFFFFF40]  }
0x2b5: {  	s19 =	simm.s32 $0xCA70;
	v0 =	vpack.i.b32.b16 v0, v1;
	v1 =	vshrl.u32 v4, s16;
	v2 =	vshrl.u32 v2, s17;
	v4 =	vld [tilespmem:s13+$0xFFFFFFC0]  }
0x2b6: {  	v62 =	vld [tilespmem:s19+$0xFFFFFE10];
	[tilespmem:s30+$0xFFFFFFF0] =	vst v0;
	v0 =	vpack.i.b32.b16 v2, v1  }
0x2b7: {  	v2 =	vshrl.u32 v7, s0;
	v5 =	vshrl.u32 v8, s31;
	v7 =	vld [tilespmem:s19+$0xFFFFFF10];
	[tilespmem:s12+$0xFFFFFF30] =	vst v0  }
0x2b8: {  	v2 =	vpack.i.b32.b16 v5, v2;
	v5 =	vld [tilespmem:s13+$0xFFFFFE40]  }
0x2b9: {  	[tilespmem:s30+$0xFFFFFF60] =	vst v2;
	v2 =	vld [tilespmem:s13+$0xFFFFFEC0]  }
0x2ba: {  	v1 =	vld [tilespmem:s2+$0xFFFFFF80];
	v3 =	vshrl.u32 v3, s14;
	v4 =	vshrl.u32 v4, s15  }
0x2bb: {  	v0 =	vld [tilespmem:s2+$0x0];
	v3 =	vpack.i.b32.b16 v4, v3  }
0x2bc: {  	v4 =	vld [tilespmem:s19+$0xFFFFFF90];
	[tilespmem:s12+$0xFFFFFFC0] =	vst v3  }
0x2bd: {  	v3 =	vld [tilespmem:s13+$0xFFFFFF50]  }
0x2be: {  	v5 =	vshrl.u32 v5, s16;
	v2 =	vshrl.u32 v2, s17;
	v8 =	vld [tilespmem:s13+$0xFFFFFFD0];
	s25 =	spop (v2sf)  }
0x2bf: {  	v6 =	vld [tilespmem:s2+$0xFFFFFE70];
	v2 =	vpack.i.b32.b16 v2, v5;
	s26 =	spop (v2sf)  }
0x2c0: {  	v5 =	vld [tilespmem:s19+$0xFFFFFE90];
	s21 =	sand.u32 $0x10, s25;
	[tilespmem:s12+$0xFFFFFF40] =	vst v2;
	s23 =	sand.u32 $0x10, s26  }
0x2c1: {  	v2 =	vshrl.u32 v7, s21;
	v7 =	vld [tilespmem:s13+$0xFFFFFE50];
	v4 =	vshrl.u32 v4, s23  }
0x2c2: {  	s20 =	simm.s32 $0x16770;
	s25 =	spop (v2sf);
	v2 =	vpack.i.b32.b16 v4, v2;
	v4 =	vld [tilespmem:s13+$0xFFFFFED0]  }
0x2c3: {  	s26 =	spop (v2sf);
	[tilespmem:s20+$0xFFFFFF90] =	vst v2;
	v2 =	vshrl.u32 v3, s14;
	v3 =	vshrl.u32 v8, s15;
	v8 =	vld [tilespmem:s2+$0xFFFFFEF0]  }
0x2c4: {  	s25 =	sand.u32 $0x10, s25;
	s26 =	sand.u32 $0x10, s26;
	v2 =	vpack.i.b32.b16 v3, v2;
	v10 =	vld [tilespmem:s19+$0xFFFFFF20]  }
0x2c5: {  	v5 =	vshrl.u32 v5, s26;
	v3 =	vshrl.u32 v62, s25;
	[tilespmem:s12+$0xFFFFFFD0] =	vst v2;
	v2 =	vld [tilespmem:s19+$0xFFFFFFA0]  }
0x2c6: {  	v1 =	vshrl.u32 v1, s5;
	v63 =	vshrl.u32 v0, s6;
	v3 =	vpack.i.b32.b16 v5, v3;
	v0 =	vld [tilespmem:s13+$0xFFFFFF60]  }
0x2c7: {  	v5 =	vpack.i.b32.b16 v63, v1;
	v7 =	vshrl.u32 v7, s16;
	[tilespmem:s20+$0xFFFFFF10] =	vst v3;
	v1 =	vld [tilespmem:s13+$0xFFFFFFE0];
	v4 =	vshrl.u32 v4, s17  }
0x2c8: {  	[tilespmem:s30+$0x0] =	vst v5;
	v5 =	vshrl.u32 v6, s0;
	v3 =	vld [tilespmem:s19+$0xFFFFFE20];
	v6 =	vpack.i.b32.b16 v4, v7;
	v7 =	vshrl.u32 v8, s31  }
0x2c9: {  	v4 =	vld [tilespmem:s19+$0xFFFFFEA0];
	[tilespmem:s12+$0xFFFFFF50] =	vst v6;
	v7 =	vpack.i.b32.b16 v7, v5  }
0x2ca: {  	s5 =	simm.s32 $0xC4;
	s6 =	simm.s32 $0x18E;
	v5 =	vshrl.u32 v10, s21;
	v6 =	vshrl.u32 v2, s23;
	v2 =	vld [tilespmem:s13+$0xFFFFFE60];
	[tilespmem:s30+$0xFFFFFF70] =	vst v7  }
.LBB2_8:
0x2cb: {  	v7 =	vld [tilespmem:s6+$0x0];
	v5 =	vpack.i.b32.b16 v6, v5  }
0x2cc: {  	v0 =	vshrl.u32 v0, s14;
	v6 =	vld [tilespmem:s6+$0xFFFFFFFE];
	[tilespmem:s20+$0xFFFFFFA0] =	vst v5;
	v1 =	vshrl.u32 v1, s15  }
0x2cd: {  	v3 =	vshrl.u32 v3, s25;
	v5 =	vld [tilespmem:s19+$0xFFFFFF30];
	v0 =	vpack.i.b32.b16 v1, v0  }
0x2ce: {  	v1 =	vshrl.u32 v4, s26;
	v4 =	vld [tilespmem:s19+$0xFFFFFFB0];
	[tilespmem:s12+$0xFFFFFFE0] =	vst v0  }
0x2cf: {  	v0 =	vpack.i.b32.b16 v1, v3;
	v1 =	vshrl.u32 v2, s16;
	v2 =	vld [tilespmem:s13+$0xFFFFFF70]  }
0x2d0: {  	v3 =	vshll.u32 v7, $0x4;
	[tilespmem:s20+$0xFFFFFF20] =	vst v0;
	v0 =	vld [tilespmem:s13+$0xFFFFFFF0]  }
0x2d1: {  	v6 =	vshll.u32 v6, $0x4;
	(v2sf) =	vpush v3, $0x0;
	v7 =	vld [tilespmem:s19+$0xFFFFFE30]  }
0x2d2: {  	(v2sf) =	vpush v3, $0x1;
	v3 =	vld [tilespmem:s19+$0xFFFFFEB0]  }
0x2d3: {  	s5 =	sadd.s32 $0x2, s5;
	v5 =	vshrl.u32 v5, s21;
	(v2sf) =	vpush v6, $0x0;
	v4 =	vshrl.u32 v4, s23;
	v8 =	vld [tilespmem:s13+$0xFFFFFEE0]  }
0x2d4: {  	p0 =	slt.u32 s5, $0xFE;
	(v2sf) =	vpush v6, $0x1;
	v4 =	vpack.i.b32.b16 v4, v5;
	v5 =	vld [tilespmem:s2+$0xFFFFFE80]  }
0x2d5: {  	v2 =	vshrl.u32 v2, s14;
	[tilespmem:s20+$0xFFFFFFB0] =	vst v4;
	v0 =	vshrl.u32 v0, s15;
	v4 =	vld [tilespmem:s2+$0xFFFFFF00];
	s2 =	smov.u32 s13;
	s13 =	smov.u32 s19  }
0x2d6: {  	v6 =	vshrl.u32 v7, s25;
	v7 =	vld [tilespmem:s19+$0xFFFFFF40];
	v0 =	vpack.i.b32.b16 v0, v2  }
0x2d7: {  	v2 =	vshrl.u32 v3, s26;
	v3 =	vld [tilespmem:s19+$0xFFFFFFC0];
	[tilespmem:s12+$0xFFFFFFF0] =	vst v0  }
0x2d8: {  	v0 =	vpack.i.b32.b16 v2, v6;
	v2 =	vshrl.u32 v8, s17;
	v6 =	vld [tilespmem:s2+$0xFFFFFF80]  }
0x2d9: {  	[tilespmem:s20+$0xFFFFFF30] =	vst v0;
	v0 =	vpack.i.b32.b16 v2, v1;
	v1 =	vld [tilespmem:s2+$0x0];
	v2 =	vshrl.u32 v5, s0;
	s0 =	smov.u32 s16;
	s16 =	smov.u32 s25  }
0x2da: {  	v5 =	vld [tilespmem:s19+$0xFFFFFE40];
	[tilespmem:s12+$0xFFFFFF60] =	vst v0;
	v0 =	vshrl.u32 v4, s31;
	s31 =	smov.u32 s17;
	s17 =	smov.u32 s26  }
0x2db: {  	v4 =	vld [tilespmem:s19+$0xFFFFFEC0];
	v0 =	vpack.i.b32.b16 v0, v2  }
0x2dc: {  	v2 =	vshrl.u32 v7, s21;
	s19 =	sadd.s32 $0x200, s19;
	v3 =	vshrl.u32 v3, s23;
	v7 =	vld [tilespmem:s2+$0xFFFFFE70];
	[tilespmem:s30+$0xFFFFFF80] =	vst v0;
	s30 =	smov.u32 s12;
	s12 =	smov.u32 s20  }
0x2dd: {  	v0 =	vld [tilespmem:s19+$0xFFFFFF10];
	v2 =	vpack.i.b32.b16 v3, v2  }
0x2de: {  	v3 =	vld [tilespmem:s19+$0xFFFFFF90];
	[tilespmem:s20+$0xFFFFFFC0] =	vst v2;
	v2 =	vshrl.u32 v6, s14;
	v1 =	vshrl.u32 v1, s15;
	s14 =	smov.u32 s21;
	s15 =	smov.u32 s23  }
0x2df: {  	v5 =	vshrl.u32 v5, s16;
	v6 =	vld [tilespmem:s13+$0xFFFFFF50];
	v1 =	vpack.i.b32.b16 v1, v2  }
0x2e0: {  	s21 =	spop (v2sf);
	v2 =	vshrl.u32 v4, s17;
	v4 =	vld [tilespmem:s13+$0xFFFFFFD0];
	[tilespmem:s30+$0x0] =	vst v1  }
0x2e1: {  	v1 =	vld [tilespmem:s19+$0xFFFFFE10];
	s23 =	spop (v2sf);
	v2 =	vpack.i.b32.b16 v2, v5;
	v5 =	vshrl.u32 v7, s0  }
0x2e2: {  	s21 =	sand.u32 $0x10, s21;
	v7 =	vld [tilespmem:s19+$0xFFFFFE90];
	s23 =	sand.u32 $0x10, s23;
	s25 =	spop (v2sf);
	[tilespmem:s20+$0xFFFFFF40] =	vst v2  }
0x2e3: {  	v0 =	vshrl.u32 v0, s21;
	s25 =	sand.u32 $0x10, s25;
	v2 =	vshrl.u32 v3, s23;
	s26 =	spop (v2sf);
	v3 =	vld [tilespmem:s13+$0xFFFFFE50]  }
0x2e4: {  	s20 =	sadd.s32 $0x100, s20;
	s26 =	sand.u32 $0x10, s26;
	v0 =	vpack.i.b32.b16 v2, v0;
	v2 =	vld [tilespmem:s13+$0xFFFFFED0]  }
0x2e5: {  	[tilespmem:s20+$0xFFFFFF90] =	vst v0;
	v0 =	vshrl.u32 v6, s14;
	v4 =	vshrl.u32 v4, s15;
	v6 =	vld [tilespmem:s2+$0xFFFFFEF0]  }
0x2e6: {  	v1 =	vshrl.u32 v1, s25;
	v8 =	vld [tilespmem:s19+$0xFFFFFF20];
	v0 =	vpack.i.b32.b16 v4, v0  }
0x2e7: {  	v4 =	vshrl.u32 v7, s26;
	v7 =	vld [tilespmem:s19+$0xFFFFFFA0];
	[tilespmem:s12+$0xFFFFFFD0] =	vst v0  }
.Ltmp3:
0x2e8: {  	v1 =	vpack.i.b32.b16 v4, v1;
	v4 =	vshrl.u32 v3, s16;
	v0 =	vld [tilespmem:s13+$0xFFFFFF60];
	(pc) =	sbr.rel @p0 .LBB2_8-.Ltmp3, $4  }
0x2e9: {  	[tilespmem:s20+$0xFFFFFF10] =	vst v1;
	v2 =	vshrl.u32 v2, s17;
	v1 =	vld [tilespmem:s13+$0xFFFFFFE0]  }
0x2ea: {  	v3 =	vld [tilespmem:s19+$0xFFFFFE20];
	v2 =	vpack.i.b32.b16 v2, v4;
	v6 =	vshrl.u32 v6, s31  }
0x2eb: {  	v4 =	vld [tilespmem:s19+$0xFFFFFEA0];
	[tilespmem:s12+$0xFFFFFF50] =	vst v2;
	v9 =	vpack.i.b32.b16 v6, v5  }
0x2ec: {  	s6 =	sadd.s32 $0x4, s6;
	v5 =	vshrl.u32 v8, s21;
	v6 =	vshrl.u32 v7, s23;
	v2 =	vld [tilespmem:s13+$0xFFFFFE60];
	[tilespmem:s30+$0xFFFFFF70] =	vst v9  }
0x2ed: {  	_ =	sdelay $0x1  }
0x2ee: {  	v5 =	vpack.i.b32.b16 v6, v5  }
0x2ef: {  	[tilespmem:s20+$0xFFFFFFA0] =	vst v5;
	v3 =	vshrl.u32 v3, s25;
	v4 =	vshrl.u32 v4, s26  }
0x2f0: {  	v5 =	vld [tilespmem:s19+$0xFFFFFF30];
	v3 =	vpack.i.b32.b16 v4, v3  }
0x2f1: {  	v26 =	vld [tilespmem:s19+$0xFFFFFFB0];
	[tilespmem:s20+$0xFFFFFF20] =	vst v3  }
0x2f2: {  	v3 =	vld [tilespmem:s19+$0xFFFFFE30]  }
0x2f3: {  	v27 =	vld [tilespmem:s19+$0xFFFFFEB0];
	_ =	sdelay $0x2  }
0x2f4: {  	v5 =	vshrl.u32 v5, s21;
	v4 =	vshrl.u32 v26, s23  }
0x2f5: {  	v4 =	vpack.i.b32.b16 v4, v5  }
0x2f6: {  	[tilespmem:s20+$0xFFFFFFB0] =	vst v4;
	v3 =	vshrl.u32 v3, s25;
	v28 =	vshrl.u32 v27, s26  }
0x2f7: {  	v29 =	vld [tilespmem:s19+$0xFFFFFF40];
	v3 =	vpack.i.b32.b16 v28, v3  }
0x2f8: {  	v30 =	vld [tilespmem:s19+$0xFFFFFFC0];
	[tilespmem:s20+$0xFFFFFF30] =	vst v3  }
0x2f9: {  	v3 =	vld [tilespmem:s19+$0xFFFFFE40]  }
0x2fa: {  	v31 =	vld [tilespmem:s19+$0xFFFFFEC0];
	_ =	sdelay $0x2  }
0x2fb: {  	v5 =	vshrl.u32 v29, s21;
	v4 =	vshrl.u32 v30, s23  }
0x2fc: {  	v4 =	vpack.i.b32.b16 v4, v5  }
0x2fd: {  	[tilespmem:s20+$0xFFFFFFC0] =	vst v4;
	v3 =	vshrl.u32 v3, s25;
	v32 =	vshrl.u32 v31, s26  }
0x2fe: {  	v33 =	vld [tilespmem:s19+$0xFFFFFF50];
	v3 =	vpack.i.b32.b16 v32, v3  }
0x2ff: {  	v34 =	vld [tilespmem:s19+$0xFFFFFFD0];
	[tilespmem:s20+$0xFFFFFF40] =	vst v3  }
0x300: {  	v3 =	vld [tilespmem:s19+$0xFFFFFE50]  }
0x301: {  	v35 =	vld [tilespmem:s19+$0xFFFFFED0];
	_ =	sdelay $0x2  }
0x302: {  	v5 =	vshrl.u32 v33, s21;
	v4 =	vshrl.u32 v34, s23  }
0x303: {  	v4 =	vpack.i.b32.b16 v4, v5  }
0x304: {  	v36 =	vld [tilespmem:s13+$0xFFFFFEE0];
	[tilespmem:s20+$0xFFFFFFD0] =	vst v4;
	v3 =	vshrl.u32 v3, s25;
	v37 =	vshrl.u32 v35, s26  }
0x305: {  	v38 =	vld [tilespmem:s19+$0xFFFFFF60];
	v3 =	vpack.i.b32.b16 v37, v3  }
0x306: {  	v39 =	vld [tilespmem:s19+$0xFFFFFFE0];
	[tilespmem:s20+$0xFFFFFF50] =	vst v3  }
0x307: {  	v0 =	vshrl.u32 v0, s14;
	v1 =	vshrl.u32 v1, s15;
	v40 =	vld [tilespmem:s19+$0xFFFFFE60]  }
0x308: {  	v0 =	vpack.i.b32.b16 v1, v0;
	v41 =	vld [tilespmem:s19+$0xFFFFFEE0]  }
0x309: {  	v43 =	vld [tilespmem:s2+$0xFFFFFE80];
	[tilespmem:s12+$0xFFFFFFE0] =	vst v0;
	v2 =	vshrl.u32 v2, s16;
	v5 =	vshrl.u32 v36, s17  }
0x30a: {  	v42 =	vld [tilespmem:s13+$0xFFFFFF70];
	v2 =	vpack.i.b32.b16 v5, v2  }
0x30b: {  	v7 =	vld [tilespmem:s13+$0xFFFFFFF0];
	[tilespmem:s12+$0xFFFFFF60] =	vst v2;
	v44 =	vshrl.u32 v38, s21;
	v4 =	vshrl.u32 v39, s23  }
0x30c: {  	v45 =	vld [tilespmem:s13+$0xFFFFFE70];
	v2 =	vpack.i.b32.b16 v4, v44  }
0x30d: {  	v46 =	vld [tilespmem:s13+$0xFFFFFEF0];
	[tilespmem:s20+$0xFFFFFFE0] =	vst v2;
	v1 =	vshrl.u32 v40, s25;
	v0 =	vshrl.u32 v41, s26  }
0x30e: {  	v2 =	vld [tilespmem:s19+$0xFFFFFF70];
	v0 =	vpack.i.b32.b16 v0, v1  }
0x30f: {  	v47 =	vld [tilespmem:s19+$0xFFFFFFF0];
	[tilespmem:s20+$0xFFFFFF60] =	vst v0  }
0x310: {  	v48 =	vshrl.u32 v42, s14;
	v49 =	vshrl.u32 v7, s15;
	v50 =	vld [tilespmem:s19+$0xFFFFFE70]  }
0x311: {  	v0 =	vpack.i.b32.b16 v49, v48;
	v51 =	vld [tilespmem:s19+$0xFFFFFEF0]  }
0x312: {  	v8 =	vld [tilespmem:s2+$0xFFFFFF00];
	v52 =	vshrl.u32 v45, s16;
	v4 =	vshrl.u32 v46, s17;
	[tilespmem:s12+$0xFFFFFFF0] =	vst v0  }
0x313: {  	v0 =	vpack.i.b32.b16 v4, v52;
	v53 =	vld [tilespmem:s13+$0xFFFFFF80]  }
0x314: {  	v54 =	vld [tilespmem:s13+$0x0];
	[tilespmem:s12+$0xFFFFFF70] =	vst v0;
	v55 =	vshrl.u32 v2, s21;
	v1 =	vshrl.u32 v47, s23  }
0x315: {  	v56 =	vld [tilespmem:s13+$0xFFFFFE80];
	v0 =	vpack.i.b32.b16 v1, v55  }
0x316: {  	v57 =	vld [tilespmem:s13+$0xFFFFFF00];
	[tilespmem:s20+$0xFFFFFFF0] =	vst v0;
	v58 =	vshrl.u32 v50, s25;
	v3 =	vshrl.u32 v51, s26  }
0x317: {  	v59 =	vld [tilespmem:s19+$0xFFFFFF80];
	v0 =	vpack.i.b32.b16 v3, v58  }
0x318: {  	v60 =	vld [tilespmem:s19+$0x0];
	[tilespmem:s20+$0xFFFFFF70] =	vst v0  }
0x319: {  	v0 =	vld [tilespmem:s19+$0xFFFFFE80]  }
0x31a: {  	v9 =	vld [tilespmem:s19+$0xFFFFFF00]  }
0x31b: {  	v8 =	vshrl.u32 v8, s31;
	v5 =	vshrl.u32 v43, s0  }
0x31c: {  	v5 =	vpack.i.b32.b16 v8, v5;
	v6 =	vshrl.u32 v53, s14;
	v4 =	vshrl.u32 v54, s15  }
0x31d: {  	[tilespmem:s30+$0xFFFFFF80] =	vst v5;
	v4 =	vpack.i.b32.b16 v4, v6;
	v2 =	vshrl.u32 v56, s16;
	v1 =	vshrl.u32 v57, s17  }
0x31e: {  	[tilespmem:s12+$0x0] =	vst v4;
	v1 =	vpack.i.b32.b16 v1, v2;
	v61 =	vshrl.u32 v59, s21;
	v3 =	vshrl.u32 v60, s23  }
0x31f: {  	[tilespmem:s12+$0xFFFFFF80] =	vst v1;
	v62 =	vpack.i.b32.b16 v3, v61;
	v0 =	vshrl.u32 v0, s25;
	v63 =	vshrl.u32 v9, s26  }
0x320: {  	[tilespmem:s20+$0x0] =	vst v62;
	v0 =	vpack.i.b32.b16 v63, v0  }
0x321: {  	s31 =	simm.s32 $0x16480;
	[tilespmem:s20+$0xFFFFFF80] =	vst v0  }
0x322: {  	[hbm4b:s8+s3] =	stream.linear.scatter [tilespmem:s31], [sflag:$0x4], $0x2000, $0x38;
	[tilespmem:$0x18480] =	vst v63  }
0x323: {  	_ =	swait.ge [sflag:s28], $0x2000  }
0x324: {  	[sflag:s28] =	ssyncset.done $0x0  }
0x325: {  	[sflag:s28] =	ssyncadd.s32 $0xFFFFE000  }
0x326: {  	_ =	swait.ge [sflag:s28], $0x2000  }
0x327: {  	[sflag:s28] =	ssyncset.done $0x0  }
0x328: {  	s29 =	sadd.s32 $0x1, s29;
	[sflag:s28] =	ssyncadd.s32 $0xFFFFE000  }
0x329: {  	p0 =	sne.s32 s29, s9;
	_ =	swait.ge [sflag:s28], $0x2000  }
.Ltmp4:
0x32a: {  	[sflag:s28] =	ssyncset.done $0x0;
	(pc) =	sbr.rel @p0 .LBB2_1-.Ltmp4, $4  }
0x32b: {  	[sflag:s28] =	ssyncadd.s32 $0xFFFFE000  }
0x32c: {  	_ =	swait.ge [sflag:s28], $0x2000  }
0x32d: {  	[sflag:s28] =	ssyncset.done $0x0  }
0x32e: {  	[sflag:s28] =	ssyncadd.s32 $0xFFFFE000  }
0x32f: {  	_ =	sfence.sel $0x180000  }
0x330: {  	[bflag:$0x0] =	sbarrier.arrive $0xFFFF  }
0x331: {  	_ =	strace $0x90000047  }
0x332: {  	s0 =	stileid.u32;
	[bflag:$0x2] =	sbarrier.arrive $0xFFFF  }
0x333: {  	p0 =	sne.s32 s0, $0x0;
	s0 =	rddreg [dreg:$0x3]  }
0x334: {  	s0 =	sadd.s32 @!p0 $0x100000, s0  }
0x335: {  	[sflag:s0] =	ssyncadd.tile.s32 @!p0 $0x1;
	_ =	shalt  }
.Lfunc_end2:
_tile_overlayer_lowered:
.L_overlay_start_2:
0x336: {  	(tag) =	ssettag $0x2  }
0x337: {  	s0 =	rddreg [dreg:$0x0];
	s2 =	stileid.u32  }
0x338: {  	s1 =	rddreg [dreg:$0x1];
	p0 =	sne.s32 s2, $0x0  }
0x339: {  	s3 =	rddreg [dreg:$0x2];
	[bflag:$0x3] =	sbarrier.arrive $0xFFFF;
	s2 =	simm.s32 @!p0 $0x1C05  }
0x33a: {  	[timem:s3], [sflag:s2] =	dma.local @!p0 [hbm:s0], s1  }
0x33b: {  	s0 =	simm.s32 @!p0 $0x5  }
0x33c: {  	_ =	swait.ge @!p0 [sflag:s0], s1  }
0x33d: {  	s1 =	ssub.s32 @!p0 $0x0, s1;
	[sflag:s0] =	ssyncset.done @!p0 $0x0  }
0x33e: {  	[sflag:s0] =	ssyncadd.s32 @!p0 s1  }
0x33f: {  	[bflag:$0x3] =	sbarrier.arrive $0xFFFF  }
0x340: {  	_ =	shalt  }

</sc_bundles>
